<compile_context>
chip_gen: v7x
topology: tpu7x:2x2x1
jax: 0.10.2.dev20260603
libtpu: 0.0.44.dev20260713+nightly
codegen_flags: <defaults>
</compile_context>

<pallas_src>
import functools

import jax
import jax.numpy as jnp
from jax import lax
from jax.experimental import pallas as pl
from jax.experimental.pallas import tpu as pltpu
from jax.experimental.pallas import tpu_sc as plsc

N = 10000
E = 320000
DIN = 128
H0 = 128
H1 = 64
G = 256

BLK = 400
NBLK = N // BLK

NC = 2
NS = 16
NW = NC * NS
EW = E // NW
K = 128
EWP = 10240
NCHUNK = EWP // K
HK = K // 2
RPT = 640
ZROWS = 32

_mesh = plsc.VectorSubcoreMesh(core_axis_name="c", subcore_axis_name="s")


NPAD = 10240


def _deg_body(dst_hbm, w_hbm, out_hbm, dst2_v, w2_v, zb_v, sem, dacc):
    cid = lax.axis_index("c")
    sid = lax.axis_index("s")
    wid = sid * NC + cid

    pltpu.sync_copy(dst_hbm.at[wid], dst2_v)
    pltpu.sync_copy(w_hbm.at[wid], w2_v)

    def zero_row(r, carry):
        zb_v[pl.ds(r * 16, 16)] = jnp.zeros((16,), jnp.float32)
        return carry
    lax.fori_loop(0, 40, zero_row, 0)

    off = pl.multiple_of(sid * 640, 128)
    pltpu.sync_copy(zb_v, dacc.at[pl.ds(off, 640)])

    plsc.subcore_barrier()

    def chunk(c, carry):
        pltpu.async_copy(w2_v.at[c], dacc.at[dst2_v.at[c]], sem, add=True)
        return carry
    lax.fori_loop(0, NCHUNK, chunk, 0)

    def drain(c, carry):
        pltpu.make_async_copy(w2_v.at[c], dacc.at[dst2_v.at[c]], sem).wait()
        return carry
    lax.fori_loop(0, NCHUNK, drain, 0)

    plsc.subcore_barrier()

    pltpu.sync_copy(dacc.at[pl.ds(off, 640)], out_hbm.at[cid, pl.ds(off, 640)])


_deg_kernel = functools.partial(
    pl.kernel,
    out_type=jax.ShapeDtypeStruct((NC, NPAD), jnp.float32),
    mesh=_mesh,
    compiler_params=pltpu.CompilerParams(needs_layout_passes=False),
    scratch_types=[
        pltpu.VMEM((NCHUNK, K), jnp.int32),
        pltpu.VMEM((NCHUNK, K), jnp.float32),
        pltpu.VMEM((640,), jnp.float32),
        pltpu.SemaphoreType.DMA,
        pltpu.VMEM_SHARED((NPAD,), jnp.float32),
    ],
)(_deg_body)


def _edge_body(m_hbm, src_hbm, dst_hbm, w_hbm, out_hbm,
               src2_v, dst2_v, w2_v, rows_v, sem, acc):
    cid = lax.axis_index("c")
    sid = lax.axis_index("s")
    wid = sid * NC + cid

    pltpu.sync_copy(src_hbm.at[wid], src2_v)
    pltpu.sync_copy(dst_hbm.at[wid], dst2_v)
    pltpu.sync_copy(w_hbm.at[wid], w2_v)

    @plsc.parallel_loop(0, K)
    def _zero(r):
        for t in range(8):
            rows_v[r, pl.ds(t * 16, 16)] = jnp.zeros((16,), jnp.float32)

    row0 = pl.multiple_of(sid * RPT, 128)
    for q in range(RPT // K):
        pltpu.sync_copy(rows_v, acc.at[pl.ds(row0 + q * K, K)])

    plsc.subcore_barrier()

    def chunk(c, carry):
        pltpu.async_copy(m_hbm.at[src2_v.at[c]], rows_v, sem).wait()

        @plsc.parallel_loop(0, K, unroll=8)
        def _scale(j):
            wj = plsc.load_gather(w2_v, [jnp.zeros((16,), jnp.int32) + c,
                                         jnp.zeros((16,), jnp.int32) + j])
            for t in range(8):
                sl = pl.ds(t * 16, 16)
                rows_v[j, sl] = rows_v[j, sl] * wj

        pltpu.sync_copy(rows_v, acc.at[dst2_v.at[c]], add=True)
        return carry
    lax.fori_loop(0, NCHUNK, chunk, 0)

    plsc.subcore_barrier()

    pltpu.sync_copy(acc.at[pl.ds(row0, RPT)],
                    out_hbm.at[cid, pl.ds(row0, RPT)])


_edge_kernel = functools.partial(
    pl.kernel,
    out_type=jax.ShapeDtypeStruct((NC, NPAD, DIN), jnp.float32),
    mesh=_mesh,
    compiler_params=pltpu.CompilerParams(needs_layout_passes=False),
    scratch_types=[
        pltpu.VMEM((NCHUNK, K), jnp.int32),
        pltpu.VMEM((NCHUNK, K), jnp.int32),
        pltpu.VMEM((NCHUNK, K), jnp.float32),
        pltpu.VMEM((K, DIN), jnp.float32),
        pltpu.SemaphoreType.DMA,
        pltpu.VMEM_SHARED((NPAD, DIN), jnp.float32),
    ],
)(_edge_body)


def _pre_body(d0_ref, d1_ref, x_ref, dinv_ref, xs_ref):
    d = d0_ref[0, 0, :, :] + d1_ref[0, 0, :, :] + 1.0
    dinv = lax.rsqrt(d)
    dinv_ref[0, :, :] = dinv
    xs_ref[...] = dinv * x_ref[...]


def _pre(degp, X):
    d4 = degp[:, :N].reshape(NC, NBLK, BLK, 1)
    return pl.pallas_call(
        _pre_body,
        grid=(NBLK,),
        in_specs=[
            pl.BlockSpec((1, 1, BLK, 1), lambda i: (0, i, 0, 0)),
            pl.BlockSpec((1, 1, BLK, 1), lambda i: (1, i, 0, 0)),
            pl.BlockSpec((BLK, DIN), lambda i: (i, 0)),
        ],
        out_specs=[
            pl.BlockSpec((1, BLK, 1), lambda i: (i, 0, 0)),
            pl.BlockSpec((BLK, DIN), lambda i: (i, 0)),
        ],
        out_shape=[
            jax.ShapeDtypeStruct((NBLK, BLK, 1), jnp.float32),
            jax.ShapeDtypeStruct((N, DIN), jnp.float32),
        ],
    )(d4, d4, X)


def _dense1_body(p0_ref, p1_ref, xs_ref, dinv_ref,
                 w1z_ref, b1z_ref, w2z_ref, w1h_ref, b1h_ref, w2h_ref,
                 us_ref):
    dinv = dinv_ref[0, :, :]
    y = (p0_ref[0, :, :] + p1_ref[0, :, :] + xs_ref[...]) * dinv
    t1z = jnp.maximum(jnp.dot(y, w1z_ref[...],
                              preferred_element_type=jnp.float32)
                      + b1z_ref[...], 0.0)
    t1h = jnp.maximum(jnp.dot(y, w1h_ref[...],
                              preferred_element_type=jnp.float32)
                      + b1h_ref[...], 0.0)
    uz = jnp.dot(t1z, w2z_ref[...], preferred_element_type=jnp.float32)
    uh = jnp.dot(t1h, w2h_ref[...], preferred_element_type=jnp.float32)
    us_ref[...] = jnp.concatenate([uz, uh], axis=1) * dinv


def _dense1(P1, dinv, Xs, W1_z, b1_z, W2_z, W1_h, b1_h, W2_h):
    whole = lambda shape: pl.BlockSpec(shape, lambda i: (0,) * len(shape))
    return pl.pallas_call(
        _dense1_body,
        grid=(NBLK,),
        in_specs=[
            pl.BlockSpec((1, BLK, DIN), lambda i: (0, i, 0)),
            pl.BlockSpec((1, BLK, DIN), lambda i: (1, i, 0)),
            pl.BlockSpec((BLK, DIN), lambda i: (i, 0)),
            pl.BlockSpec((1, BLK, 1), lambda i: (i, 0, 0)),
            whole((DIN, H0)), whole((1, H0)), whole((H0, H1)),
            whole((DIN, H0)), whole((1, H0)), whole((H0, H1)),
        ],
        out_specs=pl.BlockSpec((BLK, 2 * H1), lambda i: (i, 0)),
        out_shape=jax.ShapeDtypeStruct((N, 2 * H1), jnp.float32),
    )(P1, P1, Xs, dinv,
      W1_z, b1_z.reshape(1, H0), W2_z, W1_h, b1_h.reshape(1, H0), W2_h)


def _dense2_body(p0_ref, p1_ref, us_ref, dinv_ref, rb_ref, b2_ref, h_ref,
                 wlz_s_ref, wlz_h_ref, blz_ref, wlh_s_ref, wlh_h_ref, blh_ref,
                 out_ref, s_acc, c_acc):
    i = pl.program_id(0)

    @pl.when(i == 0)
    def _init():
        s_acc[...] = jnp.zeros_like(s_acc)
        c_acc[...] = jnp.zeros_like(c_acc)

    dinv = dinv_ref[0, :, :]
    v = (p0_ref[0, :, :] + p1_ref[0, :, :] + us_ref[...]) * dinv
    t2 = jnp.maximum(v + b2_ref[...], 0.0)
    rb = rb_ref[0, 0, :]
    gids = jax.lax.broadcasted_iota(jnp.int32, (G, BLK), 0)
    onehot = (gids == rb[None, :]).astype(jnp.float32)
    s_acc[...] += jnp.dot(onehot, t2, preferred_element_type=jnp.float32)
    c_acc[...] += jnp.broadcast_to(jnp.sum(onehot, axis=1, keepdims=True),
                                   (G, 2 * H1))

    @pl.when(i == NBLK - 1)
    def _epilogue():
        counts = jnp.maximum(c_acc[...], 1.0)
        s = s_acc[...] / counts
        sz = s[:, :H1]
        sh = s[:, H1:]
        h = h_ref[...]
        z = jax.nn.sigmoid(
            jnp.dot(sz, wlz_s_ref[...], preferred_element_type=jnp.float32)
            + jnp.dot(h, wlz_h_ref[...], preferred_element_type=jnp.float32)
            + blz_ref[...])
        ht = jnp.tanh(
            jnp.dot(sh, wlh_s_ref[...], preferred_element_type=jnp.float32)
            + jnp.dot(h, wlh_h_ref[...], preferred_element_type=jnp.float32)
            + blh_ref[...])
        out_ref[...] = z * h + (1.0 - z) * ht


def _dense2(P2, us, dinv, rb3, b2cat, H, Wl_z, bl_z, Wl_h, bl_h):
    whole = lambda shape: pl.BlockSpec(shape, lambda i: (0,) * len(shape))
    return pl.pallas_call(
        _dense2_body,
        grid=(NBLK,),
        in_specs=[
            pl.BlockSpec((1, BLK, 2 * H1), lambda i: (0, i, 0)),
            pl.BlockSpec((1, BLK, 2 * H1), lambda i: (1, i, 0)),
            pl.BlockSpec((BLK, 2 * H1), lambda i: (i, 0)),
            pl.BlockSpec((1, BLK, 1), lambda i: (i, 0, 0)),
            pl.BlockSpec((1, 1, BLK), lambda i: (i, 0, 0)),
            whole((1, 2 * H1)),
            whole((G, H1)),
            whole((H1, H1)), whole((H1, H1)), whole((1, H1)),
            whole((H1, H1)), whole((H1, H1)), whole((1, H1)),
        ],
        out_specs=whole((G, H1)),
        out_shape=jax.ShapeDtypeStruct((G, H1), jnp.float32),
        scratch_shapes=[
            pltpu.VMEM((G, 2 * H1), jnp.float32),
            pltpu.VMEM((G, 2 * H1), jnp.float32),
        ],
    )(P2, P2, us, dinv, rb3, b2cat.reshape(1, 2 * H1), H,
      Wl_z[:H1], Wl_z[H1:], bl_z.reshape(1, H1),
      Wl_h[:H1], Wl_h[H1:], bl_h.reshape(1, H1))


def kernel(X, edge_index, readout_batch, edge_weight, H,
           W1_z, b1_z, W2_z, b2_z, Wl_z, bl_z,
           W1_r, b1_r, W2_r, b2_r, Wl_r, bl_r,
           W1_h, b1_h, W2_h, b2_h, Wl_h, bl_h):
    pad = ((0, 0), (0, EWP - EW))
    src3 = jnp.pad(edge_index[0].reshape(NW, EW), pad).reshape(NW, NCHUNK, K)
    dst3 = jnp.pad(edge_index[1].reshape(NW, EW), pad).reshape(NW, NCHUNK, K)
    w3 = jnp.pad(edge_weight.reshape(NW, EW), pad).reshape(NW, NCHUNK, K)

    degp = _deg_kernel(dst3, w3)

    dinv, Xs = _pre(degp, X)

    P1 = _edge_kernel(Xs, src3, dst3, w3)

    us = _dense1(P1, dinv, Xs, W1_z, b1_z, W2_z, W1_h, b1_h, W2_h)

    P2 = _edge_kernel(us, src3, dst3, w3)

    rb3 = readout_batch.reshape(NBLK, 1, BLK)
    b2cat = jnp.concatenate([b2_z, b2_h])
    return _dense2(P2, us, dinv, rb3, b2cat, H, Wl_z, bl_z, Wl_h, bl_h)

# --- scband reference (transcript-rebuilt; emitter-appended) ---
"""Pipeline reference for scband-tgcn2-88759794139277 (READ-ONLY COPY).

The authoritative reference and input builder live on the scoring server;
editing this copy changes nothing except your own understanding.
"""

import jax, jax.numpy as jnp
import numpy as np

N = 10000
E = 320000
DIN = 128
H0 = 128
H1 = 64
G = 256


def setup_inputs(seed: int = 0) -> dict:
    key = jax.random.key(seed)
    ks = jax.random.split(key, 16)
    inp = {}
    inp["X"] = jax.random.normal(ks[0], (N, DIN), dtype=jnp.float32)
    inp["edge_index"] = jax.random.randint(ks[1], (2, E), 0, N, dtype=jnp.int32)
    inp["readout_batch"] = jnp.sort(jax.random.randint(ks[2], (N,), 0, G, dtype=jnp.int32))
    inp["edge_weight"] = jax.random.uniform(ks[3], (E,), dtype=jnp.float32)
    inp["H"] = jnp.zeros((G, H1), dtype=jnp.float32)
    i = 4
    for g in ("z", "r", "h"):
        inp["W1_" + g] = jax.random.normal(ks[i], (DIN, H0), dtype=jnp.float32) * 0.05; i += 1
        inp["b1_" + g] = jnp.zeros((H0,), dtype=jnp.float32)
        inp["W2_" + g] = jax.random.normal(ks[i], (H0, H1), dtype=jnp.float32) * 0.05; i += 1
        inp["b2_" + g] = jnp.zeros((H1,), dtype=jnp.float32)
        inp["Wl_" + g] = jax.random.normal(ks[i], (2 * H1, H1), dtype=jnp.float32) * 0.05; i += 1
        inp["bl_" + g] = jnp.zeros((H1,), dtype=jnp.float32)
    return inp


def reference(X, edge_index, readout_batch, edge_weight, H,
              W1_z, b1_z, W2_z, b2_z, Wl_z, bl_z,
              W1_r, b1_r, W2_r, b2_r, Wl_r, bl_r,
              W1_h, b1_h, W2_h, b2_h, Wl_h, bl_h):
    # --- GCN normalization with self-loops (PyG gcn_norm, improved=False) ---
    loop = jnp.arange(N, dtype=edge_index.dtype)
    src = jnp.concatenate([edge_index[0], loop])
    dst = jnp.concatenate([edge_index[1], loop])
    w = jnp.concatenate([edge_weight, jnp.ones((N,), dtype=X.dtype)])
    deg = jax.ops.segment_sum(w, dst, num_segments=N)
    dinv = jnp.where(deg > 0, jax.lax.rsqrt(deg), 0.0)
    norm = dinv[src] * w * dinv[dst]

    def gcn(x, W, b):
        h = x @ W
        msg = norm[:, None] * h[src]
        return jax.ops.segment_sum(msg, dst, num_segments=N) + b

    counts = jnp.clip(jax.ops.segment_sum(jnp.ones((N,), dtype=X.dtype), readout_batch, num_segments=G), 1.0)

    def readout_mean(x):
        return jax.ops.segment_sum(x, readout_batch, num_segments=G) / counts[:, None]

    def gate(W1, b1, W2, b2, Wl, bl, act):
        t = jax.nn.relu(gcn(X, W1, b1))
        # dropout p=0.3 -> identity in eval mode
        t = jax.nn.relu(gcn(t, W2, b2))
        # dropout p=0.2 -> identity in eval mode
        t = readout_mean(t)
        t = jnp.concatenate([t, H], axis=1) @ Wl + bl
        return act(t)

    Z = gate(W1_z, b1_z, W2_z, b2_z, Wl_z, bl_z, jax.nn.sigmoid)
    R = gate(W1_r, b1_r, W2_r, b2_r, Wl_r, bl_r, jax.nn.sigmoid)  # computed but unused, as in source
    H_tilde = gate(W1_h, b1_h, W2_h, b2_h, Wl_h, bl_h, jnp.tanh)
    H_new = Z * H + (1.0 - Z) * H_tilde
    return H_new

if __name__ == "__main__":
    import jax
    _d = setup_inputs()
    print(jax.jit(kernel)(*tuple(_d.values())))

</pallas_src>

<mosaic_0001>
#map = affine_map<(d0, d1) -> (0, 0)>
#map1 = affine_map<(d0, d1) -> (0, 0, 0)>
module attributes {stable_mosaic.version = 14 : i64} {
  func.func @_edge_body(%arg0: i32, %arg1: i32, %arg2: memref<10000x128xf32, #tpu.memory_space<hbm>>, %arg3: memref<32x80x128xi32, #tpu.memory_space<hbm>>, %arg4: memref<32x80x128xi32, #tpu.memory_space<hbm>>, %arg5: memref<32x80x128xf32, #tpu.memory_space<hbm>>, %arg6: memref<2x10240x128xf32, #tpu.memory_space<hbm>>, %arg7: memref<80x128xi32, #tpu.memory_space<vmem>>, %arg8: memref<80x128xi32, #tpu.memory_space<vmem>>, %arg9: memref<80x128xf32, #tpu.memory_space<vmem>>, %arg10: memref<128x128xf32, #tpu.memory_space<vmem>>, %arg11: memref<!tpu.dma_semaphore, #tpu.memory_space<semaphore_mem>>, %arg12: memref<10240x128xf32, #tpu.memory_space<vmem_shared>>) attributes {dimension_semantics = [#tpu.dimension_semantics<core_parallel>, #tpu.dimension_semantics<subcore_parallel>], iteration_bounds = array<i64: 2, 16>, scalar_prefetch = 0 : i64, scratch_operands = 6 : i64, tpu.core_type = #tpu.core_type<sc_vector_subcore>, window_params = [{transform_indices = #map}, {transform_indices = #map1}, {transform_indices = #map1}, {transform_indices = #map1}, {transform_indices = #map1}]} {
    %mul3A = arith.constant 2 : i32
    %mul3A_0 = arith.muli %arg1, %mul3A : i32
    %add3A = arith.addi %mul3A_0, %arg0 : i32
    "tpu.region"() ({
      %run_scoped3A = tpu.sem_alloc : memref<!tpu.dma_semaphore, #tpu.memory_space<semaphore_mem>>
      %dma_start3A = arith.constant 0 : i32
      %dma_start3A_21 = arith.constant 0 : i32
      %dma_start3A_22 = tpu.memref_slice %arg3[%add3A, %dma_start3A, %dma_start3A_21] : memref<32x80x128xi32, #tpu.memory_space<hbm>> -> memref<1x80x128xi32, #tpu.memory_space<hbm>>
      %dma_start3A_23 = tpu.memref_squeeze %dma_start3A_22 : memref<1x80x128xi32, #tpu.memory_space<hbm>> -> memref<80x128xi32, #tpu.memory_space<hbm>>
      %dma_start3A_24 = arith.constant 0 : i32
      %dma_start3A_25 = arith.constant 0 : i32
      %dma_start3A_26 = tpu.memref_slice %arg3[%add3A, %dma_start3A_24, %dma_start3A_25] : memref<32x80x128xi32, #tpu.memory_space<hbm>> -> memref<1x80x128xi32, #tpu.memory_space<hbm>>
      %dma_start3A_27 = tpu.memref_squeeze %dma_start3A_26 : memref<1x80x128xi32, #tpu.memory_space<hbm>> -> memref<80x128xi32, #tpu.memory_space<hbm>>
      tpu.enqueue_dma source(%dma_start3A_27 : memref<80x128xi32, #tpu.memory_space<hbm>>) target(%arg7 : memref<80x128xi32, #tpu.memory_space<vmem>>) target_semaphore(%run_scoped3A : memref<!tpu.dma_semaphore, #tpu.memory_space<semaphore_mem>>)
      %dma_wait3A = arith.constant 0 : i32
      %dma_wait3A_28 = arith.constant 0 : i32
      %dma_wait3A_29 = tpu.memref_slice %arg3[%add3A, %dma_wait3A, %dma_wait3A_28] : memref<32x80x128xi32, #tpu.memory_space<hbm>> -> memref<1x80x128xi32, #tpu.memory_space<hbm>>
      %dma_wait3A_30 = tpu.memref_squeeze %dma_wait3A_29 : memref<1x80x128xi32, #tpu.memory_space<hbm>> -> memref<80x128xi32, #tpu.memory_space<hbm>>
      %dma_wait3A_31 = arith.constant 0 : i32
      %dma_wait3A_32 = arith.constant 0 : i32
      %dma_wait3A_33 = tpu.memref_slice %arg3[%add3A, %dma_wait3A_31, %dma_wait3A_32] : memref<32x80x128xi32, #tpu.memory_space<hbm>> -> memref<1x80x128xi32, #tpu.memory_space<hbm>>
      %dma_wait3A_34 = tpu.memref_squeeze %dma_wait3A_33 : memref<1x80x128xi32, #tpu.memory_space<hbm>> -> memref<80x128xi32, #tpu.memory_space<hbm>>
      tpu.wait_dma2 semaphore(%run_scoped3A : memref<!tpu.dma_semaphore, #tpu.memory_space<semaphore_mem>>) src(%dma_wait3A_34 : memref<80x128xi32, #tpu.memory_space<hbm>>) dst(%arg7 : memref<80x128xi32, #tpu.memory_space<vmem>>)
      tpu.yield
    }) : () -> ()
    "tpu.region"() ({
      %run_scoped3A = tpu.sem_alloc : memref<!tpu.dma_semaphore, #tpu.memory_space<semaphore_mem>>
      %dma_start3A = arith.constant 0 : i32
      %dma_start3A_21 = arith.constant 0 : i32
      %dma_start3A_22 = tpu.memref_slice %arg4[%add3A, %dma_start3A, %dma_start3A_21] : memref<32x80x128xi32, #tpu.memory_space<hbm>> -> memref<1x80x128xi32, #tpu.memory_space<hbm>>
      %dma_start3A_23 = tpu.memref_squeeze %dma_start3A_22 : memref<1x80x128xi32, #tpu.memory_space<hbm>> -> memref<80x128xi32, #tpu.memory_space<hbm>>
      %dma_start3A_24 = arith.constant 0 : i32
      %dma_start3A_25 = arith.constant 0 : i32
      %dma_start3A_26 = tpu.memref_slice %arg4[%add3A, %dma_start3A_24, %dma_start3A_25] : memref<32x80x128xi32, #tpu.memory_space<hbm>> -> memref<1x80x128xi32, #tpu.memory_space<hbm>>
      %dma_start3A_27 = tpu.memref_squeeze %dma_start3A_26 : memref<1x80x128xi32, #tpu.memory_space<hbm>> -> memref<80x128xi32, #tpu.memory_space<hbm>>
      tpu.enqueue_dma source(%dma_start3A_27 : memref<80x128xi32, #tpu.memory_space<hbm>>) target(%arg8 : memref<80x128xi32, #tpu.memory_space<vmem>>) target_semaphore(%run_scoped3A : memref<!tpu.dma_semaphore, #tpu.memory_space<semaphore_mem>>)
      %dma_wait3A = arith.constant 0 : i32
      %dma_wait3A_28 = arith.constant 0 : i32
      %dma_wait3A_29 = tpu.memref_slice %arg4[%add3A, %dma_wait3A, %dma_wait3A_28] : memref<32x80x128xi32, #tpu.memory_space<hbm>> -> memref<1x80x128xi32, #tpu.memory_space<hbm>>
      %dma_wait3A_30 = tpu.memref_squeeze %dma_wait3A_29 : memref<1x80x128xi32, #tpu.memory_space<hbm>> -> memref<80x128xi32, #tpu.memory_space<hbm>>
      %dma_wait3A_31 = arith.constant 0 : i32
      %dma_wait3A_32 = arith.constant 0 : i32
      %dma_wait3A_33 = tpu.memref_slice %arg4[%add3A, %dma_wait3A_31, %dma_wait3A_32] : memref<32x80x128xi32, #tpu.memory_space<hbm>> -> memref<1x80x128xi32, #tpu.memory_space<hbm>>
      %dma_wait3A_34 = tpu.memref_squeeze %dma_wait3A_33 : memref<1x80x128xi32, #tpu.memory_space<hbm>> -> memref<80x128xi32, #tpu.memory_space<hbm>>
      tpu.wait_dma2 semaphore(%run_scoped3A : memref<!tpu.dma_semaphore, #tpu.memory_space<semaphore_mem>>) src(%dma_wait3A_34 : memref<80x128xi32, #tpu.memory_space<hbm>>) dst(%arg8 : memref<80x128xi32, #tpu.memory_space<vmem>>)
      tpu.yield
    }) : () -> ()
    "tpu.region"() ({
      %run_scoped3A = tpu.sem_alloc : memref<!tpu.dma_semaphore, #tpu.memory_space<semaphore_mem>>
      %dma_start3A = arith.constant 0 : i32
      %dma_start3A_21 = arith.constant 0 : i32
      %dma_start3A_22 = tpu.memref_slice %arg5[%add3A, %dma_start3A, %dma_start3A_21] : memref<32x80x128xf32, #tpu.memory_space<hbm>> -> memref<1x80x128xf32, #tpu.memory_space<hbm>>
      %dma_start3A_23 = tpu.memref_squeeze %dma_start3A_22 : memref<1x80x128xf32, #tpu.memory_space<hbm>> -> memref<80x128xf32, #tpu.memory_space<hbm>>
      %dma_start3A_24 = arith.constant 0 : i32
      %dma_start3A_25 = arith.constant 0 : i32
      %dma_start3A_26 = tpu.memref_slice %arg5[%add3A, %dma_start3A_24, %dma_start3A_25] : memref<32x80x128xf32, #tpu.memory_space<hbm>> -> memref<1x80x128xf32, #tpu.memory_space<hbm>>
      %dma_start3A_27 = tpu.memref_squeeze %dma_start3A_26 : memref<1x80x128xf32, #tpu.memory_space<hbm>> -> memref<80x128xf32, #tpu.memory_space<hbm>>
      tpu.enqueue_dma source(%dma_start3A_27 : memref<80x128xf32, #tpu.memory_space<hbm>>) target(%arg9 : memref<80x128xf32, #tpu.memory_space<vmem>>) target_semaphore(%run_scoped3A : memref<!tpu.dma_semaphore, #tpu.memory_space<semaphore_mem>>)
      %dma_wait3A = arith.constant 0 : i32
      %dma_wait3A_28 = arith.constant 0 : i32
      %dma_wait3A_29 = tpu.memref_slice %arg5[%add3A, %dma_wait3A, %dma_wait3A_28] : memref<32x80x128xf32, #tpu.memory_space<hbm>> -> memref<1x80x128xf32, #tpu.memory_space<hbm>>
      %dma_wait3A_30 = tpu.memref_squeeze %dma_wait3A_29 : memref<1x80x128xf32, #tpu.memory_space<hbm>> -> memref<80x128xf32, #tpu.memory_space<hbm>>
      %dma_wait3A_31 = arith.constant 0 : i32
      %dma_wait3A_32 = arith.constant 0 : i32
      %dma_wait3A_33 = tpu.memref_slice %arg5[%add3A, %dma_wait3A_31, %dma_wait3A_32] : memref<32x80x128xf32, #tpu.memory_space<hbm>> -> memref<1x80x128xf32, #tpu.memory_space<hbm>>
      %dma_wait3A_34 = tpu.memref_squeeze %dma_wait3A_33 : memref<1x80x128xf32, #tpu.memory_space<hbm>> -> memref<80x128xf32, #tpu.memory_space<hbm>>
      tpu.wait_dma2 semaphore(%run_scoped3A : memref<!tpu.dma_semaphore, #tpu.memory_space<semaphore_mem>>) src(%dma_wait3A_34 : memref<80x128xf32, #tpu.memory_space<hbm>>) dst(%arg9 : memref<80x128xf32, #tpu.memory_space<vmem>>)
      tpu.yield
    }) : () -> ()
    %parallel_loop3A = arith.constant 0 : i32
    %parallel_loop3A_1 = arith.constant 128 : i32
    %parallel_loop3A_2 = arith.constant 1 : i32
    scf.for %parallel_loop3A_21 = %parallel_loop3A to %parallel_loop3A_1 step %parallel_loop3A_2  : i32 {
      %parallel_loop3A_22 = arith.constant 0.000000e+00 : f32
      %parallel_loop3A_23 = vector.broadcast %parallel_loop3A_22 : f32 to vector<16xf32>
      %parallel_loop3A_24 = arith.index_cast %parallel_loop3A_21 : i32 to index
      %parallel_loop3A_25 = arith.constant 0 : index
      %parallel_loop3A_26 = tpu.vector_load %arg10[%parallel_loop3A_24, %parallel_loop3A_25] {strides = array<i32>} : memref<128x128xf32, #tpu.memory_space<vmem>>, vector<16xf32>,
      tpu.vector_store %arg10[%parallel_loop3A_24, %parallel_loop3A_25], %parallel_loop3A_23 {strides = array<i32>} : memref<128x128xf32, #tpu.memory_space<vmem>>, vector<16xf32>,
      %parallel_loop3A_27 = arith.constant 0.000000e+00 : f32
      %parallel_loop3A_28 = vector.broadcast %parallel_loop3A_27 : f32 to vector<16xf32>
      %parallel_loop3A_29 = arith.index_cast %parallel_loop3A_21 : i32 to index
      %parallel_loop3A_30 = arith.constant 16 : index
      %parallel_loop3A_31 = tpu.vector_load %arg10[%parallel_loop3A_29, %parallel_loop3A_30] {strides = array<i32>} : memref<128x128xf32, #tpu.memory_space<vmem>>, vector<16xf32>,
      tpu.vector_store %arg10[%parallel_loop3A_29, %parallel_loop3A_30], %parallel_loop3A_28 {strides = array<i32>} : memref<128x128xf32, #tpu.memory_space<vmem>>, vector<16xf32>,
      %parallel_loop3A_32 = arith.constant 0.000000e+00 : f32
      %parallel_loop3A_33 = vector.broadcast %parallel_loop3A_32 : f32 to vector<16xf32>
      %parallel_loop3A_34 = arith.index_cast %parallel_loop3A_21 : i32 to index
      %parallel_loop3A_35 = arith.constant 32 : index
      %parallel_loop3A_36 = tpu.vector_load %arg10[%parallel_loop3A_34, %parallel_loop3A_35] {strides = array<i32>} : memref<128x128xf32, #tpu.memory_space<vmem>>, vector<16xf32>,
      tpu.vector_store %arg10[%parallel_loop3A_34, %parallel_loop3A_35], %parallel_loop3A_33 {strides = array<i32>} : memref<128x128xf32, #tpu.memory_space<vmem>>, vector<16xf32>,
      %parallel_loop3A_37 = arith.constant 0.000000e+00 : f32
      %parallel_loop3A_38 = vector.broadcast %parallel_loop3A_37 : f32 to vector<16xf32>
      %parallel_loop3A_39 = arith.index_cast %parallel_loop3A_21 : i32 to index
      %parallel_loop3A_40 = arith.constant 48 : index
      %parallel_loop3A_41 = tpu.vector_load %arg10[%parallel_loop3A_39, %parallel_loop3A_40] {strides = array<i32>} : memref<128x128xf32, #tpu.memory_space<vmem>>, vector<16xf32>,
      tpu.vector_store %arg10[%parallel_loop3A_39, %parallel_loop3A_40], %parallel_loop3A_38 {strides = array<i32>} : memref<128x128xf32, #tpu.memory_space<vmem>>, vector<16xf32>,
      %parallel_loop3A_42 = arith.constant 0.000000e+00 : f32
      %parallel_loop3A_43 = vector.broadcast %parallel_loop3A_42 : f32 to vector<16xf32>
      %parallel_loop3A_44 = arith.index_cast %parallel_loop3A_21 : i32 to index
      %parallel_loop3A_45 = arith.constant 64 : index
      %parallel_loop3A_46 = tpu.vector_load %arg10[%parallel_loop3A_44, %parallel_loop3A_45] {strides = array<i32>} : memref<128x128xf32, #tpu.memory_space<vmem>>, vector<16xf32>,
      tpu.vector_store %arg10[%parallel_loop3A_44, %parallel_loop3A_45], %parallel_loop3A_43 {strides = array<i32>} : memref<128x128xf32, #tpu.memory_space<vmem>>, vector<16xf32>,
      %parallel_loop3A_47 = arith.constant 0.000000e+00 : f32
      %parallel_loop3A_48 = vector.broadcast %parallel_loop3A_47 : f32 to vector<16xf32>
      %parallel_loop3A_49 = arith.index_cast %parallel_loop3A_21 : i32 to index
      %parallel_loop3A_50 = arith.constant 80 : index
      %parallel_loop3A_51 = tpu.vector_load %arg10[%parallel_loop3A_49, %parallel_loop3A_50] {strides = array<i32>} : memref<128x128xf32, #tpu.memory_space<vmem>>, vector<16xf32>,
      tpu.vector_store %arg10[%parallel_loop3A_49, %parallel_loop3A_50], %parallel_loop3A_48 {strides = array<i32>} : memref<128x128xf32, #tpu.memory_space<vmem>>, vector<16xf32>,
      %parallel_loop3A_52 = arith.constant 0.000000e+00 : f32
      %parallel_loop3A_53 = vector.broadcast %parallel_loop3A_52 : f32 to vector<16xf32>
      %parallel_loop3A_54 = arith.index_cast %parallel_loop3A_21 : i32 to index
      %parallel_loop3A_55 = arith.constant 96 : index
      %parallel_loop3A_56 = tpu.vector_load %arg10[%parallel_loop3A_54, %parallel_loop3A_55] {strides = array<i32>} : memref<128x128xf32, #tpu.memory_space<vmem>>, vector<16xf32>,
      tpu.vector_store %arg10[%parallel_loop3A_54, %parallel_loop3A_55], %parallel_loop3A_53 {strides = array<i32>} : memref<128x128xf32, #tpu.memory_space<vmem>>, vector<16xf32>,
      %parallel_loop3A_57 = arith.constant 0.000000e+00 : f32
      %parallel_loop3A_58 = vector.broadcast %parallel_loop3A_57 : f32 to vector<16xf32>
      %parallel_loop3A_59 = arith.index_cast %parallel_loop3A_21 : i32 to index
      %parallel_loop3A_60 = arith.constant 112 : index
      %parallel_loop3A_61 = tpu.vector_load %arg10[%parallel_loop3A_59, %parallel_loop3A_60] {strides = array<i32>} : memref<128x128xf32, #tpu.memory_space<vmem>>, vector<16xf32>,
      tpu.vector_store %arg10[%parallel_loop3A_59, %parallel_loop3A_60], %parallel_loop3A_58 {strides = array<i32>} : memref<128x128xf32, #tpu.memory_space<vmem>>, vector<16xf32>,
    } {sc.loop_unroll_factor = 1 : i64, sc.parallel_access}
    %mul3A_3 = arith.constant 640 : i32
    %mul3A_4 = arith.muli %arg1, %mul3A_3 : i32
    %multiple_of3A = tpu.assume_multiple %mul3A_4, 128 : i32
    %add3A_5 = arith.constant 0 : i32
    %add3A_6 = arith.addi %multiple_of3A, %add3A_5 : i32
    "tpu.region"() ({
      %run_scoped3A = tpu.sem_alloc : memref<!tpu.dma_semaphore, #tpu.memory_space<semaphore_mem>>
      %dma_start3A = arith.constant 0 : i32
      %dma_start3A_21 = tpu.memref_slice %arg12[%add3A_6, %dma_start3A] : memref<10240x128xf32, #tpu.memory_space<vmem_shared>> -> memref<128x128xf32, #tpu.memory_space<vmem_shared>>
      %dma_start3A_22 = arith.constant 0 : i32
      %dma_start3A_23 = tpu.memref_slice %arg12[%add3A_6, %dma_start3A_22] : memref<10240x128xf32, #tpu.memory_space<vmem_shared>> -> memref<128x128xf32, #tpu.memory_space<vmem_shared>>
      tpu.enqueue_dma source(%arg10 : memref<128x128xf32, #tpu.memory_space<vmem>>) target(%dma_start3A_23 : memref<128x128xf32, #tpu.memory_space<vmem_shared>>) target_semaphore(%run_scoped3A : memref<!tpu.dma_semaphore, #tpu.memory_space<semaphore_mem>>)
      %dma_wait3A = arith.constant 0 : i32
      %dma_wait3A_24 = tpu.memref_slice %arg12[%add3A_6, %dma_wait3A] : memref<10240x128xf32, #tpu.memory_space<vmem_shared>> -> memref<128x128xf32, #tpu.memory_space<vmem_shared>>
      %dma_wait3A_25 = arith.constant 0 : i32
      %dma_wait3A_26 = tpu.memref_slice %arg12[%add3A_6, %dma_wait3A_25] : memref<10240x128xf32, #tpu.memory_space<vmem_shared>> -> memref<128x128xf32, #tpu.memory_space<vmem_shared>>
      tpu.wait_dma2 semaphore(%run_scoped3A : memref<!tpu.dma_semaphore, #tpu.memory_space<semaphore_mem>>) src(%arg10 : memref<128x128xf32, #tpu.memory_space<vmem>>) dst(%dma_wait3A_26 : memref<128x128xf32, #tpu.memory_space<vmem_shared>>)
      tpu.yield
    }) : () -> ()
    %add3A_7 = arith.constant 128 : i32
    %add3A_8 = arith.addi %multiple_of3A, %add3A_7 : i32
    "tpu.region"() ({
      %run_scoped3A = tpu.sem_alloc : memref<!tpu.dma_semaphore, #tpu.memory_space<semaphore_mem>>
      %dma_start3A = arith.constant 0 : i32
      %dma_start3A_21 = tpu.memref_slice %arg12[%add3A_8, %dma_start3A] : memref<10240x128xf32, #tpu.memory_space<vmem_shared>> -> memref<128x128xf32, #tpu.memory_space<vmem_shared>>
      %dma_start3A_22 = arith.constant 0 : i32
      %dma_start3A_23 = tpu.memref_slice %arg12[%add3A_8, %dma_start3A_22] : memref<10240x128xf32, #tpu.memory_space<vmem_shared>> -> memref<128x128xf32, #tpu.memory_space<vmem_shared>>
      tpu.enqueue_dma source(%arg10 : memref<128x128xf32, #tpu.memory_space<vmem>>) target(%dma_start3A_23 : memref<128x128xf32, #tpu.memory_space<vmem_shared>>) target_semaphore(%run_scoped3A : memref<!tpu.dma_semaphore, #tpu.memory_space<semaphore_mem>>)
      %dma_wait3A = arith.constant 0 : i32
      %dma_wait3A_24 = tpu.memref_slice %arg12[%add3A_8, %dma_wait3A] : memref<10240x128xf32, #tpu.memory_space<vmem_shared>> -> memref<128x128xf32, #tpu.memory_space<vmem_shared>>
      %dma_wait3A_25 = arith.constant 0 : i32
      %dma_wait3A_26 = tpu.memref_slice %arg12[%add3A_8, %dma_wait3A_25] : memref<10240x128xf32, #tpu.memory_space<vmem_shared>> -> memref<128x128xf32, #tpu.memory_space<vmem_shared>>
      tpu.wait_dma2 semaphore(%run_scoped3A : memref<!tpu.dma_semaphore, #tpu.memory_space<semaphore_mem>>) src(%arg10 : memref<128x128xf32, #tpu.memory_space<vmem>>) dst(%dma_wait3A_26 : memref<128x128xf32, #tpu.memory_space<vmem_shared>>)
      tpu.yield
    }) : () -> ()
    %add3A_9 = arith.constant 256 : i32
    %add3A_10 = arith.addi %multiple_of3A, %add3A_9 : i32
    "tpu.region"() ({
      %run_scoped3A = tpu.sem_alloc : memref<!tpu.dma_semaphore, #tpu.memory_space<semaphore_mem>>
      %dma_start3A = arith.constant 0 : i32
      %dma_start3A_21 = tpu.memref_slice %arg12[%add3A_10, %dma_start3A] : memref<10240x128xf32, #tpu.memory_space<vmem_shared>> -> memref<128x128xf32, #tpu.memory_space<vmem_shared>>
      %dma_start3A_22 = arith.constant 0 : i32
      %dma_start3A_23 = tpu.memref_slice %arg12[%add3A_10, %dma_start3A_22] : memref<10240x128xf32, #tpu.memory_space<vmem_shared>> -> memref<128x128xf32, #tpu.memory_space<vmem_shared>>
      tpu.enqueue_dma source(%arg10 : memref<128x128xf32, #tpu.memory_space<vmem>>) target(%dma_start3A_23 : memref<128x128xf32, #tpu.memory_space<vmem_shared>>) target_semaphore(%run_scoped3A : memref<!tpu.dma_semaphore, #tpu.memory_space<semaphore_mem>>)
      %dma_wait3A = arith.constant 0 : i32
      %dma_wait3A_24 = tpu.memref_slice %arg12[%add3A_10, %dma_wait3A] : memref<10240x128xf32, #tpu.memory_space<vmem_shared>> -> memref<128x128xf32, #tpu.memory_space<vmem_shared>>
      %dma_wait3A_25 = arith.constant 0 : i32
      %dma_wait3A_26 = tpu.memref_slice %arg12[%add3A_10, %dma_wait3A_25] : memref<10240x128xf32, #tpu.memory_space<vmem_shared>> -> memref<128x128xf32, #tpu.memory_space<vmem_shared>>
      tpu.wait_dma2 semaphore(%run_scoped3A : memref<!tpu.dma_semaphore, #tpu.memory_space<semaphore_mem>>) src(%arg10 : memref<128x128xf32, #tpu.memory_space<vmem>>) dst(%dma_wait3A_26 : memref<128x128xf32, #tpu.memory_space<vmem_shared>>)
      tpu.yield
    }) : () -> ()
    %add3A_11 = arith.constant 384 : i32
    %add3A_12 = arith.addi %multiple_of3A, %add3A_11 : i32
    "tpu.region"() ({
      %run_scoped3A = tpu.sem_alloc : memref<!tpu.dma_semaphore, #tpu.memory_space<semaphore_mem>>
      %dma_start3A = arith.constant 0 : i32
      %dma_start3A_21 = tpu.memref_slice %arg12[%add3A_12, %dma_start3A] : memref<10240x128xf32, #tpu.memory_space<vmem_shared>> -> memref<128x128xf32, #tpu.memory_space<vmem_shared>>
      %dma_start3A_22 = arith.constant 0 : i32
      %dma_start3A_23 = tpu.memref_slice %arg12[%add3A_12, %dma_start3A_22] : memref<10240x128xf32, #tpu.memory_space<vmem_shared>> -> memref<128x128xf32, #tpu.memory_space<vmem_shared>>
      tpu.enqueue_dma source(%arg10 : memref<128x128xf32, #tpu.memory_space<vmem>>) target(%dma_start3A_23 : memref<128x128xf32, #tpu.memory_space<vmem_shared>>) target_semaphore(%run_scoped3A : memref<!tpu.dma_semaphore, #tpu.memory_space<semaphore_mem>>)
      %dma_wait3A = arith.constant 0 : i32
      %dma_wait3A_24 = tpu.memref_slice %arg12[%add3A_12, %dma_wait3A] : memref<10240x128xf32, #tpu.memory_space<vmem_shared>> -> memref<128x128xf32, #tpu.memory_space<vmem_shared>>
      %dma_wait3A_25 = arith.constant 0 : i32
      %dma_wait3A_26 = tpu.memref_slice %arg12[%add3A_12, %dma_wait3A_25] : memref<10240x128xf32, #tpu.memory_space<vmem_shared>> -> memref<128x128xf32, #tpu.memory_space<vmem_shared>>
      tpu.wait_dma2 semaphore(%run_scoped3A : memref<!tpu.dma_semaphore, #tpu.memory_space<semaphore_mem>>) src(%arg10 : memref<128x128xf32, #tpu.memory_space<vmem>>) dst(%dma_wait3A_26 : memref<128x128xf32, #tpu.memory_space<vmem_shared>>)
      tpu.yield
    }) : () -> ()
    %add3A_13 = arith.constant 512 : i32
    %add3A_14 = arith.addi %multiple_of3A, %add3A_13 : i32
    "tpu.region"() ({
      %run_scoped3A = tpu.sem_alloc : memref<!tpu.dma_semaphore, #tpu.memory_space<semaphore_mem>>
      %dma_start3A = arith.constant 0 : i32
      %dma_start3A_21 = tpu.memref_slice %arg12[%add3A_14, %dma_start3A] : memref<10240x128xf32, #tpu.memory_space<vmem_shared>> -> memref<128x128xf32, #tpu.memory_space<vmem_shared>>
      %dma_start3A_22 = arith.constant 0 : i32
      %dma_start3A_23 = tpu.memref_slice %arg12[%add3A_14, %dma_start3A_22] : memref<10240x128xf32, #tpu.memory_space<vmem_shared>> -> memref<128x128xf32, #tpu.memory_space<vmem_shared>>
      tpu.enqueue_dma source(%arg10 : memref<128x128xf32, #tpu.memory_space<vmem>>) target(%dma_start3A_23 : memref<128x128xf32, #tpu.memory_space<vmem_shared>>) target_semaphore(%run_scoped3A : memref<!tpu.dma_semaphore, #tpu.memory_space<semaphore_mem>>)
      %dma_wait3A = arith.constant 0 : i32
      %dma_wait3A_24 = tpu.memref_slice %arg12[%add3A_14, %dma_wait3A] : memref<10240x128xf32, #tpu.memory_space<vmem_shared>> -> memref<128x128xf32, #tpu.memory_space<vmem_shared>>
      %dma_wait3A_25 = arith.constant 0 : i32
      %dma_wait3A_26 = tpu.memref_slice %arg12[%add3A_14, %dma_wait3A_25] : memref<10240x128xf32, #tpu.memory_space<vmem_shared>> -> memref<128x128xf32, #tpu.memory_space<vmem_shared>>
      tpu.wait_dma2 semaphore(%run_scoped3A : memref<!tpu.dma_semaphore, #tpu.memory_space<semaphore_mem>>) src(%arg10 : memref<128x128xf32, #tpu.memory_space<vmem>>) dst(%dma_wait3A_26 : memref<128x128xf32, #tpu.memory_space<vmem_shared>>)
      tpu.yield
    }) : () -> ()
    %barrier3A = arith.constant 0 : index
    tpu.barrier barrier_id(%barrier3A)
    %scan3A = arith.constant 0 : i32
    %scan3A_15 = arith.constant 0 : i32
    %scan3A_16 = arith.constant 80 : i32
    %scan3A_17 = arith.addi %scan3A_15, %scan3A_16 : i32
    %scan3A_18 = arith.constant 1 : i32
    scf.for %scan3A_21 = %scan3A_15 to %scan3A_17 step %scan3A_18  : i32 {
      %dma_start3A = arith.constant 0 : i32
      %dma_start3A_22 = tpu.memref_slice %arg7[%scan3A_21, %dma_start3A] : memref<80x128xi32, #tpu.memory_space<vmem>> -> memref<1x128xi32, #tpu.memory_space<vmem>>
      %dma_start3A_23 = tpu.memref_squeeze %dma_start3A_22 : memref<1x128xi32, #tpu.memory_space<vmem>> -> memref<128xi32, #tpu.memory_space<vmem>>
      %dma_start3A_24 = arith.constant 0 : i32
      %dma_start3A_25 = arith.constant 0 : i32
      %dma_start3A_26 = tpu.memref_slice %arg2[%dma_start3A_24, %dma_start3A_25] : memref<10000x128xf32, #tpu.memory_space<hbm>> -> memref<10000x128xf32, #tpu.memory_space<hbm>>
      tpu.enqueue_indirect_dma source(%dma_start3A_26 : memref<10000x128xf32, #tpu.memory_space<hbm>>) target(%arg10 : memref<128x128xf32, #tpu.memory_space<vmem>>) offsets(%dma_start3A_23 : memref<128xi32, #tpu.memory_space<vmem>>) semaphore(%arg11 : memref<!tpu.dma_semaphore, #tpu.memory_space<semaphore_mem>>)
      %dma_wait3A = arith.constant 0 : i32
      %dma_wait3A_27 = tpu.memref_slice %arg7[%scan3A_21, %dma_wait3A] : memref<80x128xi32, #tpu.memory_space<vmem>> -> memref<1x128xi32, #tpu.memory_space<vmem>>
      %dma_wait3A_28 = tpu.memref_squeeze %dma_wait3A_27 : memref<1x128xi32, #tpu.memory_space<vmem>> -> memref<128xi32, #tpu.memory_space<vmem>>
      %dma_wait3A_29 = arith.constant 0 : i32
      %dma_wait3A_30 = arith.constant 0 : i32
      %dma_wait3A_31 = tpu.memref_slice %arg2[%dma_wait3A_29, %dma_wait3A_30] : memref<10000x128xf32, #tpu.memory_space<hbm>> -> memref<10000x128xf32, #tpu.memory_space<hbm>>
      tpu.wait_indirect_dma semaphore(%arg11 : memref<!tpu.dma_semaphore, #tpu.memory_space<semaphore_mem>>) src(%dma_wait3A_31 : memref<10000x128xf32, #tpu.memory_space<hbm>>) dst(%arg10 : memref<128x128xf32, #tpu.memory_space<vmem>>)
      %parallel_loop3A_32 = arith.constant 0 : i32
      %parallel_loop3A_33 = arith.constant 128 : i32
      %parallel_loop3A_34 = arith.constant 1 : i32
      scf.for %parallel_loop3A_35 = %parallel_loop3A_32 to %parallel_loop3A_33 step %parallel_loop3A_34  : i32 {
        %parallel_loop3A_36 = arith.constant 0 : i32
        %parallel_loop3A_37 = vector.broadcast %parallel_loop3A_36 : i32 to vector<16xi32>
        %parallel_loop3A_38 = vector.broadcast %scan3A_21 : i32 to vector<16xi32>
        %parallel_loop3A_39 = arith.addi %parallel_loop3A_37, %parallel_loop3A_38 : vector<16xi32>
        %parallel_loop3A_40 = arith.constant 0 : i32
        %parallel_loop3A_41 = vector.broadcast %parallel_loop3A_40 : i32 to vector<16xi32>
        %parallel_loop3A_42 = vector.broadcast %parallel_loop3A_35 : i32 to vector<16xi32>
        %parallel_loop3A_43 = arith.addi %parallel_loop3A_41, %parallel_loop3A_42 : vector<16xi32>
        %parallel_loop3A_44 = tpu.vector_load_idx %arg9[%parallel_loop3A_39, %parallel_loop3A_43] : memref<80x128xf32, #tpu.memory_space<vmem>>[vector<16xi32>, vector<16xi32>], vector<16xf32>,
        %parallel_loop3A_45 = arith.index_cast %parallel_loop3A_35 : i32 to index
        %parallel_loop3A_46 = arith.constant 0 : index
        %parallel_loop3A_47 = tpu.vector_load %arg10[%parallel_loop3A_45, %parallel_loop3A_46] {strides = array<i32>} : memref<128x128xf32, #tpu.memory_space<vmem>>, vector<16xf32>,
        %parallel_loop3A_48 = arith.mulf %parallel_loop3A_47, %parallel_loop3A_44 : vector<16xf32>
        %parallel_loop3A_49 = arith.index_cast %parallel_loop3A_35 : i32 to index
        %parallel_loop3A_50 = arith.constant 0 : index
        %parallel_loop3A_51 = tpu.vector_load %arg10[%parallel_loop3A_49, %parallel_loop3A_50] {strides = array<i32>} : memref<128x128xf32, #tpu.memory_space<vmem>>, vector<16xf32>,
        tpu.vector_store %arg10[%parallel_loop3A_49, %parallel_loop3A_50], %parallel_loop3A_48 {strides = array<i32>} : memref<128x128xf32, #tpu.memory_space<vmem>>, vector<16xf32>,
        %parallel_loop3A_52 = arith.index_cast %parallel_loop3A_35 : i32 to index
        %parallel_loop3A_53 = arith.constant 16 : index
        %parallel_loop3A_54 = tpu.vector_load %arg10[%parallel_loop3A_52, %parallel_loop3A_53] {strides = array<i32>} : memref<128x128xf32, #tpu.memory_space<vmem>>, vector<16xf32>,
        %parallel_loop3A_55 = arith.mulf %parallel_loop3A_54, %parallel_loop3A_44 : vector<16xf32>
        %parallel_loop3A_56 = arith.index_cast %parallel_loop3A_35 : i32 to index
        %parallel_loop3A_57 = arith.constant 16 : index
        %parallel_loop3A_58 = tpu.vector_load %arg10[%parallel_loop3A_56, %parallel_loop3A_57] {strides = array<i32>} : memref<128x128xf32, #tpu.memory_space<vmem>>, vector<16xf32>,
        tpu.vector_store %arg10[%parallel_loop3A_56, %parallel_loop3A_57], %parallel_loop3A_55 {strides = array<i32>} : memref<128x128xf32, #tpu.memory_space<vmem>>, vector<16xf32>,
        %parallel_loop3A_59 = arith.index_cast %parallel_loop3A_35 : i32 to index
        %parallel_loop3A_60 = arith.constant 32 : index
        %parallel_loop3A_61 = tpu.vector_load %arg10[%parallel_loop3A_59, %parallel_loop3A_60] {strides = array<i32>} : memref<128x128xf32, #tpu.memory_space<vmem>>, vector<16xf32>,
        %parallel_loop3A_62 = arith.mulf %parallel_loop3A_61, %parallel_loop3A_44 : vector<16xf32>
        %parallel_loop3A_63 = arith.index_cast %parallel_loop3A_35 : i32 to index
        %parallel_loop3A_64 = arith.constant 32 : index
        %parallel_loop3A_65 = tpu.vector_load %arg10[%parallel_loop3A_63, %parallel_loop3A_64] {strides = array<i32>} : memref<128x128xf32, #tpu.memory_space<vmem>>, vector<16xf32>,
        tpu.vector_store %arg10[%parallel_loop3A_63, %parallel_loop3A_64], %parallel_loop3A_62 {strides = array<i32>} : memref<128x128xf32, #tpu.memory_space<vmem>>, vector<16xf32>,
        %parallel_loop3A_66 = arith.index_cast %parallel_loop3A_35 : i32 to index
        %parallel_loop3A_67 = arith.constant 48 : index
        %parallel_loop3A_68 = tpu.vector_load %arg10[%parallel_loop3A_66, %parallel_loop3A_67] {strides = array<i32>} : memref<128x128xf32, #tpu.memory_space<vmem>>, vector<16xf32>,
        %parallel_loop3A_69 = arith.mulf %parallel_loop3A_68, %parallel_loop3A_44 : vector<16xf32>
        %parallel_loop3A_70 = arith.index_cast %parallel_loop3A_35 : i32 to index
        %parallel_loop3A_71 = arith.constant 48 : index
        %parallel_loop3A_72 = tpu.vector_load %arg10[%parallel_loop3A_70, %parallel_loop3A_71] {strides = array<i32>} : memref<128x128xf32, #tpu.memory_space<vmem>>, vector<16xf32>,
        tpu.vector_store %arg10[%parallel_loop3A_70, %parallel_loop3A_71], %parallel_loop3A_69 {strides = array<i32>} : memref<128x128xf32, #tpu.memory_space<vmem>>, vector<16xf32>,
        %parallel_loop3A_73 = arith.index_cast %parallel_loop3A_35 : i32 to index
        %parallel_loop3A_74 = arith.constant 64 : index
        %parallel_loop3A_75 = tpu.vector_load %arg10[%parallel_loop3A_73, %parallel_loop3A_74] {strides = array<i32>} : memref<128x128xf32, #tpu.memory_space<vmem>>, vector<16xf32>,
        %parallel_loop3A_76 = arith.mulf %parallel_loop3A_75, %parallel_loop3A_44 : vector<16xf32>
        %parallel_loop3A_77 = arith.index_cast %parallel_loop3A_35 : i32 to index
        %parallel_loop3A_78 = arith.constant 64 : index
        %parallel_loop3A_79 = tpu.vector_load %arg10[%parallel_loop3A_77, %parallel_loop3A_78] {strides = array<i32>} : memref<128x128xf32, #tpu.memory_space<vmem>>, vector<16xf32>,
        tpu.vector_store %arg10[%parallel_loop3A_77, %parallel_loop3A_78], %parallel_loop3A_76 {strides = array<i32>} : memref<128x128xf32, #tpu.memory_space<vmem>>, vector<16xf32>,
        %parallel_loop3A_80 = arith.index_cast %parallel_loop3A_35 : i32 to index
        %parallel_loop3A_81 = arith.constant 80 : index
        %parallel_loop3A_82 = tpu.vector_load %arg10[%parallel_loop3A_80, %parallel_loop3A_81] {strides = array<i32>} : memref<128x128xf32, #tpu.memory_space<vmem>>, vector<16xf32>,
        %parallel_loop3A_83 = arith.mulf %parallel_loop3A_82, %parallel_loop3A_44 : vector<16xf32>
        %parallel_loop3A_84 = arith.index_cast %parallel_loop3A_35 : i32 to index
        %parallel_loop3A_85 = arith.constant 80 : index
        %parallel_loop3A_86 = tpu.vector_load %arg10[%parallel_loop3A_84, %parallel_loop3A_85] {strides = array<i32>} : memref<128x128xf32, #tpu.memory_space<vmem>>, vector<16xf32>,
        tpu.vector_store %arg10[%parallel_loop3A_84, %parallel_loop3A_85], %parallel_loop3A_83 {strides = array<i32>} : memref<128x128xf32, #tpu.memory_space<vmem>>, vector<16xf32>,
        %parallel_loop3A_87 = arith.index_cast %parallel_loop3A_35 : i32 to index
        %parallel_loop3A_88 = arith.constant 96 : index
        %parallel_loop3A_89 = tpu.vector_load %arg10[%parallel_loop3A_87, %parallel_loop3A_88] {strides = array<i32>} : memref<128x128xf32, #tpu.memory_space<vmem>>, vector<16xf32>,
        %parallel_loop3A_90 = arith.mulf %parallel_loop3A_89, %parallel_loop3A_44 : vector<16xf32>
        %parallel_loop3A_91 = arith.index_cast %parallel_loop3A_35 : i32 to index
        %parallel_loop3A_92 = arith.constant 96 : index
        %parallel_loop3A_93 = tpu.vector_load %arg10[%parallel_loop3A_91, %parallel_loop3A_92] {strides = array<i32>} : memref<128x128xf32, #tpu.memory_space<vmem>>, vector<16xf32>,
        tpu.vector_store %arg10[%parallel_loop3A_91, %parallel_loop3A_92], %parallel_loop3A_90 {strides = array<i32>} : memref<128x128xf32, #tpu.memory_space<vmem>>, vector<16xf32>,
        %parallel_loop3A_94 = arith.index_cast %parallel_loop3A_35 : i32 to index
        %parallel_loop3A_95 = arith.constant 112 : index
        %parallel_loop3A_96 = tpu.vector_load %arg10[%parallel_loop3A_94, %parallel_loop3A_95] {strides = array<i32>} : memref<128x128xf32, #tpu.memory_space<vmem>>, vector<16xf32>,
        %parallel_loop3A_97 = arith.mulf %parallel_loop3A_96, %parallel_loop3A_44 : vector<16xf32>
        %parallel_loop3A_98 = arith.index_cast %parallel_loop3A_35 : i32 to index
        %parallel_loop3A_99 = arith.constant 112 : index
        %parallel_loop3A_100 = tpu.vector_load %arg10[%parallel_loop3A_98, %parallel_loop3A_99] {strides = array<i32>} : memref<128x128xf32, #tpu.memory_space<vmem>>, vector<16xf32>,
        tpu.vector_store %arg10[%parallel_loop3A_98, %parallel_loop3A_99], %parallel_loop3A_97 {strides = array<i32>} : memref<128x128xf32, #tpu.memory_space<vmem>>, vector<16xf32>,
      } {sc.loop_unroll_factor = 8 : i64, sc.parallel_access}
      "tpu.region"() ({
        %run_scoped3A = tpu.sem_alloc : memref<!tpu.dma_semaphore, #tpu.memory_space<semaphore_mem>>
        %dma_start3A_35 = arith.constant 0 : i32
        %dma_start3A_36 = tpu.memref_slice %arg8[%scan3A_21, %dma_start3A_35] : memref<80x128xi32, #tpu.memory_space<vmem>> -> memref<1x128xi32, #tpu.memory_space<vmem>>
        %dma_start3A_37 = tpu.memref_squeeze %dma_start3A_36 : memref<1x128xi32, #tpu.memory_space<vmem>> -> memref<128xi32, #tpu.memory_space<vmem>>
        %dma_start3A_38 = arith.constant 0 : i32
        %dma_start3A_39 = arith.constant 0 : i32
        %dma_start3A_40 = tpu.memref_slice %arg12[%dma_start3A_38, %dma_start3A_39] : memref<10240x128xf32, #tpu.memory_space<vmem_shared>> -> memref<10240x128xf32, #tpu.memory_space<vmem_shared>>
        tpu.enqueue_indirect_dma source(%arg10 : memref<128x128xf32, #tpu.memory_space<vmem>>) target(%dma_start3A_40 : memref<10240x128xf32, #tpu.memory_space<vmem_shared>>) offsets(%dma_start3A_37 : memref<128xi32, #tpu.memory_space<vmem>>) semaphore(%run_scoped3A : memref<!tpu.dma_semaphore, #tpu.memory_space<semaphore_mem>>) {add = true}
        %dma_wait3A_41 = arith.constant 0 : i32
        %dma_wait3A_42 = tpu.memref_slice %arg8[%scan3A_21, %dma_wait3A_41] : memref<80x128xi32, #tpu.memory_space<vmem>> -> memref<1x128xi32, #tpu.memory_space<vmem>>
        %dma_wait3A_43 = tpu.memref_squeeze %dma_wait3A_42 : memref<1x128xi32, #tpu.memory_space<vmem>> -> memref<128xi32, #tpu.memory_space<vmem>>
        %dma_wait3A_44 = arith.constant 0 : i32
        %dma_wait3A_45 = arith.constant 0 : i32
        %dma_wait3A_46 = tpu.memref_slice %arg12[%dma_wait3A_44, %dma_wait3A_45] : memref<10240x128xf32, #tpu.memory_space<vmem_shared>> -> memref<10240x128xf32, #tpu.memory_space<vmem_shared>>
        tpu.wait_indirect_dma semaphore(%run_scoped3A : memref<!tpu.dma_semaphore, #tpu.memory_space<semaphore_mem>>) src(%arg10 : memref<128x128xf32, #tpu.memory_space<vmem>>) dst(%dma_wait3A_46 : memref<10240x128xf32, #tpu.memory_space<vmem_shared>>)
        tpu.yield
      }) : () -> ()
    }
    %scan3A_19 = arith.constant 80 : i32
    %barrier3A_20 = arith.constant 0 : index
    tpu.barrier barrier_id(%barrier3A_20)
    "tpu.region"() ({
      %run_scoped3A = tpu.sem_alloc : memref<!tpu.dma_semaphore, #tpu.memory_space<semaphore_mem>>
      %dma_start3A = arith.constant 0 : i32
      %dma_start3A_21 = tpu.memref_slice %arg6[%arg0, %multiple_of3A, %dma_start3A] : memref<2x10240x128xf32, #tpu.memory_space<hbm>> -> memref<1x640x128xf32, #tpu.memory_space<hbm>>
      %dma_start3A_22 = tpu.memref_squeeze %dma_start3A_21 : memref<1x640x128xf32, #tpu.memory_space<hbm>> -> memref<640x128xf32, #tpu.memory_space<hbm>>
      %dma_start3A_23 = arith.constant 0 : i32
      %dma_start3A_24 = tpu.memref_slice %arg12[%multiple_of3A, %dma_start3A_23] : memref<10240x128xf32, #tpu.memory_space<vmem_shared>> -> memref<640x128xf32, #tpu.memory_space<vmem_shared>>
      tpu.enqueue_dma source(%dma_start3A_24 : memref<640x128xf32, #tpu.memory_space<vmem_shared>>) target(%dma_start3A_22 : memref<640x128xf32, #tpu.memory_space<hbm>>) target_semaphore(%run_scoped3A : memref<!tpu.dma_semaphore, #tpu.memory_space<semaphore_mem>>)
      %dma_wait3A = arith.constant 0 : i32
      %dma_wait3A_25 = tpu.memref_slice %arg6[%arg0, %multiple_of3A, %dma_wait3A] : memref<2x10240x128xf32, #tpu.memory_space<hbm>> -> memref<1x640x128xf32, #tpu.memory_space<hbm>>
      %dma_wait3A_26 = tpu.memref_squeeze %dma_wait3A_25 : memref<1x640x128xf32, #tpu.memory_space<hbm>> -> memref<640x128xf32, #tpu.memory_space<hbm>>
      %dma_wait3A_27 = arith.constant 0 : i32
      %dma_wait3A_28 = tpu.memref_slice %arg12[%multiple_of3A, %dma_wait3A_27] : memref<10240x128xf32, #tpu.memory_space<vmem_shared>> -> memref<640x128xf32, #tpu.memory_space<vmem_shared>>
      tpu.wait_dma2 semaphore(%run_scoped3A : memref<!tpu.dma_semaphore, #tpu.memory_space<semaphore_mem>>) src(%dma_wait3A_28 : memref<640x128xf32, #tpu.memory_space<vmem_shared>>) dst(%dma_wait3A_26 : memref<640x128xf32, #tpu.memory_space<hbm>>)
      tpu.yield
    }) : () -> ()
    return
  }
}

#map = affine_map<(d0, d1) -> (0, 0)>
#map1 = affine_map<(d0, d1) -> (0, 0, 0)>
module attributes {stable_mosaic.version = 14 : i64} {
  func.func @_edge_body(%arg0: i32, %arg1: i32, %arg2: memref<10000x128xf32, #tpu.memory_space<hbm>>, %arg3: memref<32x80x128xi32, #tpu.memory_space<hbm>>, %arg4: memref<32x80x128xi32, #tpu.memory_space<hbm>>, %arg5: memref<32x80x128xf32, #tpu.memory_space<hbm>>, %arg6: memref<2x10240x128xf32, #tpu.memory_space<hbm>>, %arg7: memref<80x128xi32, #tpu.memory_space<vmem>>, %arg8: memref<80x128xi32, #tpu.memory_space<vmem>>, %arg9: memref<80x128xf32, #tpu.memory_space<vmem>>, %arg10: memref<128x128xf32, #tpu.memory_space<vmem>>, %arg11: memref<!tpu.dma_semaphore, #tpu.memory_space<semaphore_mem>>, %arg12: memref<10240x128xf32, #tpu.memory_space<vmem_shared>>) attributes {dimension_semantics = [#tpu.dimension_semantics<core_parallel>, #tpu.dimension_semantics<subcore_parallel>], iteration_bounds = array<i64: 2, 16>, scalar_prefetch = 0 : i64, scratch_operands = 6 : i64, tpu.core_type = #tpu.core_type<sc_vector_subcore>, window_params = [{transform_indices = #map}, {transform_indices = #map1}, {transform_indices = #map1}, {transform_indices = #map1}, {transform_indices = #map1}]} {
    %mul3A = arith.constant 2 : i32
    %mul3A_0 = arith.muli %arg1, %mul3A : i32
    %add3A = arith.addi %mul3A_0, %arg0 : i32
    "tpu.region"() ({
      %run_scoped3A = tpu.sem_alloc : memref<!tpu.dma_semaphore, #tpu.memory_space<semaphore_mem>>
      %dma_start3A = arith.constant 0 : i32
      %dma_start3A_21 = arith.constant 0 : i32
      %dma_start3A_22 = tpu.memref_slice %arg3[%add3A, %dma_start3A, %dma_start3A_21] : memref<32x80x128xi32, #tpu.memory_space<hbm>> -> memref<1x80x128xi32, #tpu.memory_space<hbm>>
      %dma_start3A_23 = tpu.memref_squeeze %dma_start3A_22 : memref<1x80x128xi32, #tpu.memory_space<hbm>> -> memref<80x128xi32, #tpu.memory_space<hbm>>
      %dma_start3A_24 = arith.constant 0 : i32
      %dma_start3A_25 = arith.constant 0 : i32
      %dma_start3A_26 = tpu.memref_slice %arg3[%add3A, %dma_start3A_24, %dma_start3A_25] : memref<32x80x128xi32, #tpu.memory_space<hbm>> -> memref<1x80x128xi32, #tpu.memory_space<hbm>>
      %dma_start3A_27 = tpu.memref_squeeze %dma_start3A_26 : memref<1x80x128xi32, #tpu.memory_space<hbm>> -> memref<80x128xi32, #tpu.memory_space<hbm>>
      tpu.enqueue_dma source(%dma_start3A_27 : memref<80x128xi32, #tpu.memory_space<hbm>>) target(%arg7 : memref<80x128xi32, #tpu.memory_space<vmem>>) target_semaphore(%run_scoped3A : memref<!tpu.dma_semaphore, #tpu.memory_space<semaphore_mem>>)
      %dma_wait3A = arith.constant 0 : i32
      %dma_wait3A_28 = arith.constant 0 : i32
      %dma_wait3A_29 = tpu.memref_slice %arg3[%add3A, %dma_wait3A, %dma_wait3A_28] : memref<32x80x128xi32, #tpu.memory_space<hbm>> -> memref<1x80x128xi32, #tpu.memory_space<hbm>>
      %dma_wait3A_30 = tpu.memref_squeeze %dma_wait3A_29 : memref<1x80x128xi32, #tpu.memory_space<hbm>> -> memref<80x128xi32, #tpu.memory_space<hbm>>
      %dma_wait3A_31 = arith.constant 0 : i32
      %dma_wait3A_32 = arith.constant 0 : i32
      %dma_wait3A_33 = tpu.memref_slice %arg3[%add3A, %dma_wait3A_31, %dma_wait3A_32] : memref<32x80x128xi32, #tpu.memory_space<hbm>> -> memref<1x80x128xi32, #tpu.memory_space<hbm>>
      %dma_wait3A_34 = tpu.memref_squeeze %dma_wait3A_33 : memref<1x80x128xi32, #tpu.memory_space<hbm>> -> memref<80x128xi32, #tpu.memory_space<hbm>>
      tpu.wait_dma2 semaphore(%run_scoped3A : memref<!tpu.dma_semaphore, #tpu.memory_space<semaphore_mem>>) src(%dma_wait3A_34 : memref<80x128xi32, #tpu.memory_space<hbm>>) dst(%arg7 : memref<80x128xi32, #tpu.memory_space<vmem>>)
      tpu.yield
    }) : () -> ()
    "tpu.region"() ({
      %run_scoped3A = tpu.sem_alloc : memref<!tpu.dma_semaphore, #tpu.memory_space<semaphore_mem>>
      %dma_start3A = arith.constant 0 : i32
      %dma_start3A_21 = arith.constant 0 : i32
      %dma_start3A_22 = tpu.memref_slice %arg4[%add3A, %dma_start3A, %dma_start3A_21] : memref<32x80x128xi32, #tpu.memory_space<hbm>> -> memref<1x80x128xi32, #tpu.memory_space<hbm>>
      %dma_start3A_23 = tpu.memref_squeeze %dma_start3A_22 : memref<1x80x128xi32, #tpu.memory_space<hbm>> -> memref<80x128xi32, #tpu.memory_space<hbm>>
      %dma_start3A_24 = arith.constant 0 : i32
      %dma_start3A_25 = arith.constant 0 : i32
      %dma_start3A_26 = tpu.memref_slice %arg4[%add3A, %dma_start3A_24, %dma_start3A_25] : memref<32x80x128xi32, #tpu.memory_space<hbm>> -> memref<1x80x128xi32, #tpu.memory_space<hbm>>
      %dma_start3A_27 = tpu.memref_squeeze %dma_start3A_26 : memref<1x80x128xi32, #tpu.memory_space<hbm>> -> memref<80x128xi32, #tpu.memory_space<hbm>>
      tpu.enqueue_dma source(%dma_start3A_27 : memref<80x128xi32, #tpu.memory_space<hbm>>) target(%arg8 : memref<80x128xi32, #tpu.memory_space<vmem>>) target_semaphore(%run_scoped3A : memref<!tpu.dma_semaphore, #tpu.memory_space<semaphore_mem>>)
      %dma_wait3A = arith.constant 0 : i32
      %dma_wait3A_28 = arith.constant 0 : i32
      %dma_wait3A_29 = tpu.memref_slice %arg4[%add3A, %dma_wait3A, %dma_wait3A_28] : memref<32x80x128xi32, #tpu.memory_space<hbm>> -> memref<1x80x128xi32, #tpu.memory_space<hbm>>
      %dma_wait3A_30 = tpu.memref_squeeze %dma_wait3A_29 : memref<1x80x128xi32, #tpu.memory_space<hbm>> -> memref<80x128xi32, #tpu.memory_space<hbm>>
      %dma_wait3A_31 = arith.constant 0 : i32
      %dma_wait3A_32 = arith.constant 0 : i32
      %dma_wait3A_33 = tpu.memref_slice %arg4[%add3A, %dma_wait3A_31, %dma_wait3A_32] : memref<32x80x128xi32, #tpu.memory_space<hbm>> -> memref<1x80x128xi32, #tpu.memory_space<hbm>>
      %dma_wait3A_34 = tpu.memref_squeeze %dma_wait3A_33 : memref<1x80x128xi32, #tpu.memory_space<hbm>> -> memref<80x128xi32, #tpu.memory_space<hbm>>
      tpu.wait_dma2 semaphore(%run_scoped3A : memref<!tpu.dma_semaphore, #tpu.memory_space<semaphore_mem>>) src(%dma_wait3A_34 : memref<80x128xi32, #tpu.memory_space<hbm>>) dst(%arg8 : memref<80x128xi32, #tpu.memory_space<vmem>>)
      tpu.yield
    }) : () -> ()
    "tpu.region"() ({
      %run_scoped3A = tpu.sem_alloc : memref<!tpu.dma_semaphore, #tpu.memory_space<semaphore_mem>>
      %dma_start3A = arith.constant 0 : i32
      %dma_start3A_21 = arith.constant 0 : i32
      %dma_start3A_22 = tpu.memref_slice %arg5[%add3A, %dma_start3A, %dma_start3A_21] : memref<32x80x128xf32, #tpu.memory_space<hbm>> -> memref<1x80x128xf32, #tpu.memory_space<hbm>>
      %dma_start3A_23 = tpu.memref_squeeze %dma_start3A_22 : memref<1x80x128xf32, #tpu.memory_space<hbm>> -> memref<80x128xf32, #tpu.memory_space<hbm>>
      %dma_start3A_24 = arith.constant 0 : i32
      %dma_start3A_25 = arith.constant 0 : i32
      %dma_start3A_26 = tpu.memref_slice %arg5[%add3A, %dma_start3A_24, %dma_start3A_25] : memref<32x80x128xf32, #tpu.memory_space<hbm>> -> memref<1x80x128xf32, #tpu.memory_space<hbm>>
      %dma_start3A_27 = tpu.memref_squeeze %dma_start3A_26 : memref<1x80x128xf32, #tpu.memory_space<hbm>> -> memref<80x128xf32, #tpu.memory_space<hbm>>
      tpu.enqueue_dma source(%dma_start3A_27 : memref<80x128xf32, #tpu.memory_space<hbm>>) target(%arg9 : memref<80x128xf32, #tpu.memory_space<vmem>>) target_semaphore(%run_scoped3A : memref<!tpu.dma_semaphore, #tpu.memory_space<semaphore_mem>>)
      %dma_wait3A = arith.constant 0 : i32
      %dma_wait3A_28 = arith.constant 0 : i32
      %dma_wait3A_29 = tpu.memref_slice %arg5[%add3A, %dma_wait3A, %dma_wait3A_28] : memref<32x80x128xf32, #tpu.memory_space<hbm>> -> memref<1x80x128xf32, #tpu.memory_space<hbm>>
      %dma_wait3A_30 = tpu.memref_squeeze %dma_wait3A_29 : memref<1x80x128xf32, #tpu.memory_space<hbm>> -> memref<80x128xf32, #tpu.memory_space<hbm>>
      %dma_wait3A_31 = arith.constant 0 : i32
      %dma_wait3A_32 = arith.constant 0 : i32
      %dma_wait3A_33 = tpu.memref_slice %arg5[%add3A, %dma_wait3A_31, %dma_wait3A_32] : memref<32x80x128xf32, #tpu.memory_space<hbm>> -> memref<1x80x128xf32, #tpu.memory_space<hbm>>
      %dma_wait3A_34 = tpu.memref_squeeze %dma_wait3A_33 : memref<1x80x128xf32, #tpu.memory_space<hbm>> -> memref<80x128xf32, #tpu.memory_space<hbm>>
      tpu.wait_dma2 semaphore(%run_scoped3A : memref<!tpu.dma_semaphore, #tpu.memory_space<semaphore_mem>>) src(%dma_wait3A_34 : memref<80x128xf32, #tpu.memory_space<hbm>>) dst(%arg9 : memref<80x128xf32, #tpu.memory_space<vmem>>)
      tpu.yield
    }) : () -> ()
    %parallel_loop3A = arith.constant 0 : i32
    %parallel_loop3A_1 = arith.constant 128 : i32
    %parallel_loop3A_2 = arith.constant 1 : i32
    scf.for %parallel_loop3A_21 = %parallel_loop3A to %parallel_loop3A_1 step %parallel_loop3A_2  : i32 {
      %parallel_loop3A_22 = arith.constant 0.000000e+00 : f32
      %parallel_loop3A_23 = vector.broadcast %parallel_loop3A_22 : f32 to vector<16xf32>
      %parallel_loop3A_24 = arith.index_cast %parallel_loop3A_21 : i32 to index
      %parallel_loop3A_25 = arith.constant 0 : index
      %parallel_loop3A_26 = tpu.vector_load %arg10[%parallel_loop3A_24, %parallel_loop3A_25] {strides = array<i32>} : memref<128x128xf32, #tpu.memory_space<vmem>>, vector<16xf32>,
      tpu.vector_store %arg10[%parallel_loop3A_24, %parallel_loop3A_25], %parallel_loop3A_23 {strides = array<i32>} : memref<128x128xf32, #tpu.memory_space<vmem>>, vector<16xf32>,
      %parallel_loop3A_27 = arith.constant 0.000000e+00 : f32
      %parallel_loop3A_28 = vector.broadcast %parallel_loop3A_27 : f32 to vector<16xf32>
      %parallel_loop3A_29 = arith.index_cast %parallel_loop3A_21 : i32 to index
      %parallel_loop3A_30 = arith.constant 16 : index
      %parallel_loop3A_31 = tpu.vector_load %arg10[%parallel_loop3A_29, %parallel_loop3A_30] {strides = array<i32>} : memref<128x128xf32, #tpu.memory_space<vmem>>, vector<16xf32>,
      tpu.vector_store %arg10[%parallel_loop3A_29, %parallel_loop3A_30], %parallel_loop3A_28 {strides = array<i32>} : memref<128x128xf32, #tpu.memory_space<vmem>>, vector<16xf32>,
      %parallel_loop3A_32 = arith.constant 0.000000e+00 : f32
      %parallel_loop3A_33 = vector.broadcast %parallel_loop3A_32 : f32 to vector<16xf32>
      %parallel_loop3A_34 = arith.index_cast %parallel_loop3A_21 : i32 to index
      %parallel_loop3A_35 = arith.constant 32 : index
      %parallel_loop3A_36 = tpu.vector_load %arg10[%parallel_loop3A_34, %parallel_loop3A_35] {strides = array<i32>} : memref<128x128xf32, #tpu.memory_space<vmem>>, vector<16xf32>,
      tpu.vector_store %arg10[%parallel_loop3A_34, %parallel_loop3A_35], %parallel_loop3A_33 {strides = array<i32>} : memref<128x128xf32, #tpu.memory_space<vmem>>, vector<16xf32>,
      %parallel_loop3A_37 = arith.constant 0.000000e+00 : f32
      %parallel_loop3A_38 = vector.broadcast %parallel_loop3A_37 : f32 to vector<16xf32>
      %parallel_loop3A_39 = arith.index_cast %parallel_loop3A_21 : i32 to index
      %parallel_loop3A_40 = arith.constant 48 : index
      %parallel_loop3A_41 = tpu.vector_load %arg10[%parallel_loop3A_39, %parallel_loop3A_40] {strides = array<i32>} : memref<128x128xf32, #tpu.memory_space<vmem>>, vector<16xf32>,
      tpu.vector_store %arg10[%parallel_loop3A_39, %parallel_loop3A_40], %parallel_loop3A_38 {strides = array<i32>} : memref<128x128xf32, #tpu.memory_space<vmem>>, vector<16xf32>,
      %parallel_loop3A_42 = arith.constant 0.000000e+00 : f32
      %parallel_loop3A_43 = vector.broadcast %parallel_loop3A_42 : f32 to vector<16xf32>
      %parallel_loop3A_44 = arith.index_cast %parallel_loop3A_21 : i32 to index
      %parallel_loop3A_45 = arith.constant 64 : index
      %parallel_loop3A_46 = tpu.vector_load %arg10[%parallel_loop3A_44, %parallel_loop3A_45] {strides = array<i32>} : memref<128x128xf32, #tpu.memory_space<vmem>>, vector<16xf32>,
      tpu.vector_store %arg10[%parallel_loop3A_44, %parallel_loop3A_45], %parallel_loop3A_43 {strides = array<i32>} : memref<128x128xf32, #tpu.memory_space<vmem>>, vector<16xf32>,
      %parallel_loop3A_47 = arith.constant 0.000000e+00 : f32
      %parallel_loop3A_48 = vector.broadcast %parallel_loop3A_47 : f32 to vector<16xf32>
      %parallel_loop3A_49 = arith.index_cast %parallel_loop3A_21 : i32 to index
      %parallel_loop3A_50 = arith.constant 80 : index
      %parallel_loop3A_51 = tpu.vector_load %arg10[%parallel_loop3A_49, %parallel_loop3A_50] {strides = array<i32>} : memref<128x128xf32, #tpu.memory_space<vmem>>, vector<16xf32>,
      tpu.vector_store %arg10[%parallel_loop3A_49, %parallel_loop3A_50], %parallel_loop3A_48 {strides = array<i32>} : memref<128x128xf32, #tpu.memory_space<vmem>>, vector<16xf32>,
      %parallel_loop3A_52 = arith.constant 0.000000e+00 : f32
      %parallel_loop3A_53 = vector.broadcast %parallel_loop3A_52 : f32 to vector<16xf32>
      %parallel_loop3A_54 = arith.index_cast %parallel_loop3A_21 : i32 to index
      %parallel_loop3A_55 = arith.constant 96 : index
      %parallel_loop3A_56 = tpu.vector_load %arg10[%parallel_loop3A_54, %parallel_loop3A_55] {strides = array<i32>} : memref<128x128xf32, #tpu.memory_space<vmem>>, vector<16xf32>,
      tpu.vector_store %arg10[%parallel_loop3A_54, %parallel_loop3A_55], %parallel_loop3A_53 {strides = array<i32>} : memref<128x128xf32, #tpu.memory_space<vmem>>, vector<16xf32>,
      %parallel_loop3A_57 = arith.constant 0.000000e+00 : f32
      %parallel_loop3A_58 = vector.broadcast %parallel_loop3A_57 : f32 to vector<16xf32>
      %parallel_loop3A_59 = arith.index_cast %parallel_loop3A_21 : i32 to index
      %parallel_loop3A_60 = arith.constant 112 : index
      %parallel_loop3A_61 = tpu.vector_load %arg10[%parallel_loop3A_59, %parallel_loop3A_60] {strides = array<i32>} : memref<128x128xf32, #tpu.memory_space<vmem>>, vector<16xf32>,
      tpu.vector_store %arg10[%parallel_loop3A_59, %parallel_loop3A_60], %parallel_loop3A_58 {strides = array<i32>} : memref<128x128xf32, #tpu.memory_space<vmem>>, vector<16xf32>,
    } {sc.loop_unroll_factor = 1 : i64, sc.parallel_access}
    %mul3A_3 = arith.constant 640 : i32
    %mul3A_4 = arith.muli %arg1, %mul3A_3 : i32
    %multiple_of3A = tpu.assume_multiple %mul3A_4, 128 : i32
    %add3A_5 = arith.constant 0 : i32
    %add3A_6 = arith.addi %multiple_of3A, %add3A_5 : i32
    "tpu.region"() ({
      %run_scoped3A = tpu.sem_alloc : memref<!tpu.dma_semaphore, #tpu.memory_space<semaphore_mem>>
      %dma_start3A = arith.constant 0 : i32
      %dma_start3A_21 = tpu.memref_slice %arg12[%add3A_6, %dma_start3A] : memref<10240x128xf32, #tpu.memory_space<vmem_shared>> -> memref<128x128xf32, #tpu.memory_space<vmem_shared>>
      %dma_start3A_22 = arith.constant 0 : i32
      %dma_start3A_23 = tpu.memref_slice %arg12[%add3A_6, %dma_start3A_22] : memref<10240x128xf32, #tpu.memory_space<vmem_shared>> -> memref<128x128xf32, #tpu.memory_space<vmem_shared>>
      tpu.enqueue_dma source(%arg10 : memref<128x128xf32, #tpu.memory_space<vmem>>) target(%dma_start3A_23 : memref<128x128xf32, #tpu.memory_space<vmem_shared>>) target_semaphore(%run_scoped3A : memref<!tpu.dma_semaphore, #tpu.memory_space<semaphore_mem>>)
      %dma_wait3A = arith.constant 0 : i32
      %dma_wait3A_24 = tpu.memref_slice %arg12[%add3A_6, %dma_wait3A] : memref<10240x128xf32, #tpu.memory_space<vmem_shared>> -> memref<128x128xf32, #tpu.memory_space<vmem_shared>>
      %dma_wait3A_25 = arith.constant 0 : i32
      %dma_wait3A_26 = tpu.memref_slice %arg12[%add3A_6, %dma_wait3A_25] : memref<10240x128xf32, #tpu.memory_space<vmem_shared>> -> memref<128x128xf32, #tpu.memory_space<vmem_shared>>
      tpu.wait_dma2 semaphore(%run_scoped3A : memref<!tpu.dma_semaphore, #tpu.memory_space<semaphore_mem>>) src(%arg10 : memref<128x128xf32, #tpu.memory_space<vmem>>) dst(%dma_wait3A_26 : memref<128x128xf32, #tpu.memory_space<vmem_shared>>)
      tpu.yield
    }) : () -> ()
    %add3A_7 = arith.constant 128 : i32
    %add3A_8 = arith.addi %multiple_of3A, %add3A_7 : i32
    "tpu.region"() ({
      %run_scoped3A = tpu.sem_alloc : memref<!tpu.dma_semaphore, #tpu.memory_space<semaphore_mem>>
      %dma_start3A = arith.constant 0 : i32
      %dma_start3A_21 = tpu.memref_slice %arg12[%add3A_8, %dma_start3A] : memref<10240x128xf32, #tpu.memory_space<vmem_shared>> -> memref<128x128xf32, #tpu.memory_space<vmem_shared>>
      %dma_start3A_22 = arith.constant 0 : i32
      %dma_start3A_23 = tpu.memref_slice %arg12[%add3A_8, %dma_start3A_22] : memref<10240x128xf32, #tpu.memory_space<vmem_shared>> -> memref<128x128xf32, #tpu.memory_space<vmem_shared>>
      tpu.enqueue_dma source(%arg10 : memref<128x128xf32, #tpu.memory_space<vmem>>) target(%dma_start3A_23 : memref<128x128xf32, #tpu.memory_space<vmem_shared>>) target_semaphore(%run_scoped3A : memref<!tpu.dma_semaphore, #tpu.memory_space<semaphore_mem>>)
      %dma_wait3A = arith.constant 0 : i32
      %dma_wait3A_24 = tpu.memref_slice %arg12[%add3A_8, %dma_wait3A] : memref<10240x128xf32, #tpu.memory_space<vmem_shared>> -> memref<128x128xf32, #tpu.memory_space<vmem_shared>>
      %dma_wait3A_25 = arith.constant 0 : i32
      %dma_wait3A_26 = tpu.memref_slice %arg12[%add3A_8, %dma_wait3A_25] : memref<10240x128xf32, #tpu.memory_space<vmem_shared>> -> memref<128x128xf32, #tpu.memory_space<vmem_shared>>
      tpu.wait_dma2 semaphore(%run_scoped3A : memref<!tpu.dma_semaphore, #tpu.memory_space<semaphore_mem>>) src(%arg10 : memref<128x128xf32, #tpu.memory_space<vmem>>) dst(%dma_wait3A_26 : memref<128x128xf32, #tpu.memory_space<vmem_shared>>)
      tpu.yield
    }) : () -> ()
    %add3A_9 = arith.constant 256 : i32
    %add3A_10 = arith.addi %multiple_of3A, %add3A_9 : i32
    "tpu.region"() ({
      %run_scoped3A = tpu.sem_alloc : memref<!tpu.dma_semaphore, #tpu.memory_space<semaphore_mem>>
      %dma_start3A = arith.constant 0 : i32
      %dma_start3A_21 = tpu.memref_slice %arg12[%add3A_10, %dma_start3A] : memref<10240x128xf32, #tpu.memory_space<vmem_shared>> -> memref<128x128xf32, #tpu.memory_space<vmem_shared>>
      %dma_start3A_22 = arith.constant 0 : i32
      %dma_start3A_23 = tpu.memref_slice %arg12[%add3A_10, %dma_start3A_22] : memref<10240x128xf32, #tpu.memory_space<vmem_shared>> -> memref<128x128xf32, #tpu.memory_space<vmem_shared>>
      tpu.enqueue_dma source(%arg10 : memref<128x128xf32, #tpu.memory_space<vmem>>) target(%dma_start3A_23 : memref<128x128xf32, #tpu.memory_space<vmem_shared>>) target_semaphore(%run_scoped3A : memref<!tpu.dma_semaphore, #tpu.memory_space<semaphore_mem>>)
      %dma_wait3A = arith.constant 0 : i32
      %dma_wait3A_24 = tpu.memref_slice %arg12[%add3A_10, %dma_wait3A] : memref<10240x128xf32, #tpu.memory_space<vmem_shared>> -> memref<128x128xf32, #tpu.memory_space<vmem_shared>>
      %dma_wait3A_25 = arith.constant 0 : i32
      %dma_wait3A_26 = tpu.memref_slice %arg12[%add3A_10, %dma_wait3A_25] : memref<10240x128xf32, #tpu.memory_space<vmem_shared>> -> memref<128x128xf32, #tpu.memory_space<vmem_shared>>
      tpu.wait_dma2 semaphore(%run_scoped3A : memref<!tpu.dma_semaphore, #tpu.memory_space<semaphore_mem>>) src(%arg10 : memref<128x128xf32, #tpu.memory_space<vmem>>) dst(%dma_wait3A_26 : memref<128x128xf32, #tpu.memory_space<vmem_shared>>)
      tpu.yield
    }) : () -> ()
    %add3A_11 = arith.constant 384 : i32
    %add3A_12 = arith.addi %multiple_of3A, %add3A_11 : i32
    "tpu.region"() ({
      %run_scoped3A = tpu.sem_alloc : memref<!tpu.dma_semaphore, #tpu.memory_space<semaphore_mem>>
      %dma_start3A = arith.constant 0 : i32
      %dma_start3A_21 = tpu.memref_slice %arg12[%add3A_12, %dma_start3A] : memref<10240x128xf32, #tpu.memory_space<vmem_shared>> -> memref<128x128xf32, #tpu.memory_space<vmem_shared>>
      %dma_start3A_22 = arith.constant 0 : i32
      %dma_start3A_23 = tpu.memref_slice %arg12[%add3A_12, %dma_start3A_22] : memref<10240x128xf32, #tpu.memory_space<vmem_shared>> -> memref<128x128xf32, #tpu.memory_space<vmem_shared>>
      tpu.enqueue_dma source(%arg10 : memref<128x128xf32, #tpu.memory_space<vmem>>) target(%dma_start3A_23 : memref<128x128xf32, #tpu.memory_space<vmem_shared>>) target_semaphore(%run_scoped3A : memref<!tpu.dma_semaphore, #tpu.memory_space<semaphore_mem>>)
      %dma_wait3A = arith.constant 0 : i32
      %dma_wait3A_24 = tpu.memref_slice %arg12[%add3A_12, %dma_wait3A] : memref<10240x128xf32, #tpu.memory_space<vmem_shared>> -> memref<128x128xf32, #tpu.memory_space<vmem_shared>>
      %dma_wait3A_25 = arith.constant 0 : i32
      %dma_wait3A_26 = tpu.memref_slice %arg12[%add3A_12, %dma_wait3A_25] : memref<10240x128xf32, #tpu.memory_space<vmem_shared>> -> memref<128x128xf32, #tpu.memory_space<vmem_shared>>
      tpu.wait_dma2 semaphore(%run_scoped3A : memref<!tpu.dma_semaphore, #tpu.memory_space<semaphore_mem>>) src(%arg10 : memref<128x128xf32, #tpu.memory_space<vmem>>) dst(%dma_wait3A_26 : memref<128x128xf32, #tpu.memory_space<vmem_shared>>)
      tpu.yield
    }) : () -> ()
    %add3A_13 = arith.constant 512 : i32
    %add3A_14 = arith.addi %multiple_of3A, %add3A_13 : i32
    "tpu.region"() ({
      %run_scoped3A = tpu.sem_alloc : memref<!tpu.dma_semaphore, #tpu.memory_space<semaphore_mem>>
      %dma_start3A = arith.constant 0 : i32
      %dma_start3A_21 = tpu.memref_slice %arg12[%add3A_14, %dma_start3A] : memref<10240x128xf32, #tpu.memory_space<vmem_shared>> -> memref<128x128xf32, #tpu.memory_space<vmem_shared>>
      %dma_start3A_22 = arith.constant 0 : i32
      %dma_start3A_23 = tpu.memref_slice %arg12[%add3A_14, %dma_start3A_22] : memref<10240x128xf32, #tpu.memory_space<vmem_shared>> -> memref<128x128xf32, #tpu.memory_space<vmem_shared>>
      tpu.enqueue_dma source(%arg10 : memref<128x128xf32, #tpu.memory_space<vmem>>) target(%dma_start3A_23 : memref<128x128xf32, #tpu.memory_space<vmem_shared>>) target_semaphore(%run_scoped3A : memref<!tpu.dma_semaphore, #tpu.memory_space<semaphore_mem>>)
      %dma_wait3A = arith.constant 0 : i32
      %dma_wait3A_24 = tpu.memref_slice %arg12[%add3A_14, %dma_wait3A] : memref<10240x128xf32, #tpu.memory_space<vmem_shared>> -> memref<128x128xf32, #tpu.memory_space<vmem_shared>>
      %dma_wait3A_25 = arith.constant 0 : i32
      %dma_wait3A_26 = tpu.memref_slice %arg12[%add3A_14, %dma_wait3A_25] : memref<10240x128xf32, #tpu.memory_space<vmem_shared>> -> memref<128x128xf32, #tpu.memory_space<vmem_shared>>
      tpu.wait_dma2 semaphore(%run_scoped3A : memref<!tpu.dma_semaphore, #tpu.memory_space<semaphore_mem>>) src(%arg10 : memref<128x128xf32, #tpu.memory_space<vmem>>) dst(%dma_wait3A_26 : memref<128x128xf32, #tpu.memory_space<vmem_shared>>)
      tpu.yield
    }) : () -> ()
    %barrier3A = arith.constant 0 : index
    tpu.barrier barrier_id(%barrier3A)
    %scan3A = arith.constant 0 : i32
    %scan3A_15 = arith.constant 0 : i32
    %scan3A_16 = arith.constant 80 : i32
    %scan3A_17 = arith.addi %scan3A_15, %scan3A_16 : i32
    %scan3A_18 = arith.constant 1 : i32
    scf.for %scan3A_21 = %scan3A_15 to %scan3A_17 step %scan3A_18  : i32 {
      %dma_start3A = arith.constant 0 : i32
      %dma_start3A_22 = tpu.memref_slice %arg7[%scan3A_21, %dma_start3A] : memref<80x128xi32, #tpu.memory_space<vmem>> -> memref<1x128xi32, #tpu.memory_space<vmem>>
      %dma_start3A_23 = tpu.memref_squeeze %dma_start3A_22 : memref<1x128xi32, #tpu.memory_space<vmem>> -> memref<128xi32, #tpu.memory_space<vmem>>
      %dma_start3A_24 = arith.constant 0 : i32
      %dma_start3A_25 = arith.constant 0 : i32
      %dma_start3A_26 = tpu.memref_slice %arg2[%dma_start3A_24, %dma_start3A_25] : memref<10000x128xf32, #tpu.memory_space<hbm>> -> memref<10000x128xf32, #tpu.memory_space<hbm>>
      tpu.enqueue_indirect_dma source(%dma_start3A_26 : memref<10000x128xf32, #tpu.memory_space<hbm>>) target(%arg10 : memref<128x128xf32, #tpu.memory_space<vmem>>) offsets(%dma_start3A_23 : memref<128xi32, #tpu.memory_space<vmem>>) semaphore(%arg11 : memref<!tpu.dma_semaphore, #tpu.memory_space<semaphore_mem>>)
      %dma_wait3A = arith.constant 0 : i32
      %dma_wait3A_27 = tpu.memref_slice %arg7[%scan3A_21, %dma_wait3A] : memref<80x128xi32, #tpu.memory_space<vmem>> -> memref<1x128xi32, #tpu.memory_space<vmem>>
      %dma_wait3A_28 = tpu.memref_squeeze %dma_wait3A_27 : memref<1x128xi32, #tpu.memory_space<vmem>> -> memref<128xi32, #tpu.memory_space<vmem>>
      %dma_wait3A_29 = arith.constant 0 : i32
      %dma_wait3A_30 = arith.constant 0 : i32
      %dma_wait3A_31 = tpu.memref_slice %arg2[%dma_wait3A_29, %dma_wait3A_30] : memref<10000x128xf32, #tpu.memory_space<hbm>> -> memref<10000x128xf32, #tpu.memory_space<hbm>>
      tpu.wait_indirect_dma semaphore(%arg11 : memref<!tpu.dma_semaphore, #tpu.memory_space<semaphore_mem>>) src(%dma_wait3A_31 : memref<10000x128xf32, #tpu.memory_space<hbm>>) dst(%arg10 : memref<128x128xf32, #tpu.memory_space<vmem>>)
      %parallel_loop3A_32 = arith.constant 0 : i32
      %parallel_loop3A_33 = arith.constant 128 : i32
      %parallel_loop3A_34 = arith.constant 1 : i32
      scf.for %parallel_loop3A_35 = %parallel_loop3A_32 to %parallel_loop3A_33 step %parallel_loop3A_34  : i32 {
        %parallel_loop3A_36 = arith.constant 0 : i32
        %parallel_loop3A_37 = vector.broadcast %parallel_loop3A_36 : i32 to vector<16xi32>
        %parallel_loop3A_38 = vector.broadcast %scan3A_21 : i32 to vector<16xi32>
        %parallel_loop3A_39 = arith.addi %parallel_loop3A_37, %parallel_loop3A_38 : vector<16xi32>
        %parallel_loop3A_40 = arith.constant 0 : i32
        %parallel_loop3A_41 = vector.broadcast %parallel_loop3A_40 : i32 to vector<16xi32>
        %parallel_loop3A_42 = vector.broadcast %parallel_loop3A_35 : i32 to vector<16xi32>
        %parallel_loop3A_43 = arith.addi %parallel_loop3A_41, %parallel_loop3A_42 : vector<16xi32>
        %parallel_loop3A_44 = tpu.vector_load_idx %arg9[%parallel_loop3A_39, %parallel_loop3A_43] : memref<80x128xf32, #tpu.memory_space<vmem>>[vector<16xi32>, vector<16xi32>], vector<16xf32>,
        %parallel_loop3A_45 = arith.index_cast %parallel_loop3A_35 : i32 to index
        %parallel_loop3A_46 = arith.constant 0 : index
        %parallel_loop3A_47 = tpu.vector_load %arg10[%parallel_loop3A_45, %parallel_loop3A_46] {strides = array<i32>} : memref<128x128xf32, #tpu.memory_space<vmem>>, vector<16xf32>,
        %parallel_loop3A_48 = arith.mulf %parallel_loop3A_47, %parallel_loop3A_44 : vector<16xf32>
        %parallel_loop3A_49 = arith.index_cast %parallel_loop3A_35 : i32 to index
        %parallel_loop3A_50 = arith.constant 0 : index
        %parallel_loop3A_51 = tpu.vector_load %arg10[%parallel_loop3A_49, %parallel_loop3A_50] {strides = array<i32>} : memref<128x128xf32, #tpu.memory_space<vmem>>, vector<16xf32>,
        tpu.vector_store %arg10[%parallel_loop3A_49, %parallel_loop3A_50], %parallel_loop3A_48 {strides = array<i32>} : memref<128x128xf32, #tpu.memory_space<vmem>>, vector<16xf32>,
        %parallel_loop3A_52 = arith.index_cast %parallel_loop3A_35 : i32 to index
        %parallel_loop3A_53 = arith.constant 16 : index
        %parallel_loop3A_54 = tpu.vector_load %arg10[%parallel_loop3A_52, %parallel_loop3A_53] {strides = array<i32>} : memref<128x128xf32, #tpu.memory_space<vmem>>, vector<16xf32>,
        %parallel_loop3A_55 = arith.mulf %parallel_loop3A_54, %parallel_loop3A_44 : vector<16xf32>
        %parallel_loop3A_56 = arith.index_cast %parallel_loop3A_35 : i32 to index
        %parallel_loop3A_57 = arith.constant 16 : index
        %parallel_loop3A_58 = tpu.vector_load %arg10[%parallel_loop3A_56, %parallel_loop3A_57] {strides = array<i32>} : memref<128x128xf32, #tpu.memory_space<vmem>>, vector<16xf32>,
        tpu.vector_store %arg10[%parallel_loop3A_56, %parallel_loop3A_57], %parallel_loop3A_55 {strides = array<i32>} : memref<128x128xf32, #tpu.memory_space<vmem>>, vector<16xf32>,
        %parallel_loop3A_59 = arith.index_cast %parallel_loop3A_35 : i32 to index
        %parallel_loop3A_60 = arith.constant 32 : index
        %parallel_loop3A_61 = tpu.vector_load %arg10[%parallel_loop3A_59, %parallel_loop3A_60] {strides = array<i32>} : memref<128x128xf32, #tpu.memory_space<vmem>>, vector<16xf32>,
        %parallel_loop3A_62 = arith.mulf %parallel_loop3A_61, %parallel_loop3A_44 : vector<16xf32>
        %parallel_loop3A_63 = arith.index_cast %parallel_loop3A_35 : i32 to index
        %parallel_loop3A_64 = arith.constant 32 : index
        %parallel_loop3A_65 = tpu.vector_load %arg10[%parallel_loop3A_63, %parallel_loop3A_64] {strides = array<i32>} : memref<128x128xf32, #tpu.memory_space<vmem>>, vector<16xf32>,
        tpu.vector_store %arg10[%parallel_loop3A_63, %parallel_loop3A_64], %parallel_loop3A_62 {strides = array<i32>} : memref<128x128xf32, #tpu.memory_space<vmem>>, vector<16xf32>,
        %parallel_loop3A_66 = arith.index_cast %parallel_loop3A_35 : i32 to index
        %parallel_loop3A_67 = arith.constant 48 : index
        %parallel_loop3A_68 = tpu.vector_load %arg10[%parallel_loop3A_66, %parallel_loop3A_67] {strides = array<i32>} : memref<128x128xf32, #tpu.memory_space<vmem>>, vector<16xf32>,
        %parallel_loop3A_69 = arith.mulf %parallel_loop3A_68, %parallel_loop3A_44 : vector<16xf32>
        %parallel_loop3A_70 = arith.index_cast %parallel_loop3A_35 : i32 to index
        %parallel_loop3A_71 = arith.constant 48 : index
        %parallel_loop3A_72 = tpu.vector_load %arg10[%parallel_loop3A_70, %parallel_loop3A_71] {strides = array<i32>} : memref<128x128xf32, #tpu.memory_space<vmem>>, vector<16xf32>,
        tpu.vector_store %arg10[%parallel_loop3A_70, %parallel_loop3A_71], %parallel_loop3A_69 {strides = array<i32>} : memref<128x128xf32, #tpu.memory_space<vmem>>, vector<16xf32>,
        %parallel_loop3A_73 = arith.index_cast %parallel_loop3A_35 : i32 to index
        %parallel_loop3A_74 = arith.constant 64 : index
        %parallel_loop3A_75 = tpu.vector_load %arg10[%parallel_loop3A_73, %parallel_loop3A_74] {strides = array<i32>} : memref<128x128xf32, #tpu.memory_space<vmem>>, vector<16xf32>,
        %parallel_loop3A_76 = arith.mulf %parallel_loop3A_75, %parallel_loop3A_44 : vector<16xf32>
        %parallel_loop3A_77 = arith.index_cast %parallel_loop3A_35 : i32 to index
        %parallel_loop3A_78 = arith.constant 64 : index
        %parallel_loop3A_79 = tpu.vector_load %arg10[%parallel_loop3A_77, %parallel_loop3A_78] {strides = array<i32>} : memref<128x128xf32, #tpu.memory_space<vmem>>, vector<16xf32>,
        tpu.vector_store %arg10[%parallel_loop3A_77, %parallel_loop3A_78], %parallel_loop3A_76 {strides = array<i32>} : memref<128x128xf32, #tpu.memory_space<vmem>>, vector<16xf32>,
        %parallel_loop3A_80 = arith.index_cast %parallel_loop3A_35 : i32 to index
        %parallel_loop3A_81 = arith.constant 80 : index
        %parallel_loop3A_82 = tpu.vector_load %arg10[%parallel_loop3A_80, %parallel_loop3A_81] {strides = array<i32>} : memref<128x128xf32, #tpu.memory_space<vmem>>, vector<16xf32>,
        %parallel_loop3A_83 = arith.mulf %parallel_loop3A_82, %parallel_loop3A_44 : vector<16xf32>
        %parallel_loop3A_84 = arith.index_cast %parallel_loop3A_35 : i32 to index
        %parallel_loop3A_85 = arith.constant 80 : index
        %parallel_loop3A_86 = tpu.vector_load %arg10[%parallel_loop3A_84, %parallel_loop3A_85] {strides = array<i32>} : memref<128x128xf32, #tpu.memory_space<vmem>>, vector<16xf32>,
        tpu.vector_store %arg10[%parallel_loop3A_84, %parallel_loop3A_85], %parallel_loop3A_83 {strides = array<i32>} : memref<128x128xf32, #tpu.memory_space<vmem>>, vector<16xf32>,
        %parallel_loop3A_87 = arith.index_cast %parallel_loop3A_35 : i32 to index
        %parallel_loop3A_88 = arith.constant 96 : index
        %parallel_loop3A_89 = tpu.vector_load %arg10[%parallel_loop3A_87, %parallel_loop3A_88] {strides = array<i32>} : memref<128x128xf32, #tpu.memory_space<vmem>>, vector<16xf32>,
        %parallel_loop3A_90 = arith.mulf %parallel_loop3A_89, %parallel_loop3A_44 : vector<16xf32>
        %parallel_loop3A_91 = arith.index_cast %parallel_loop3A_35 : i32 to index
        %parallel_loop3A_92 = arith.constant 96 : index
        %parallel_loop3A_93 = tpu.vector_load %arg10[%parallel_loop3A_91, %parallel_loop3A_92] {strides = array<i32>} : memref<128x128xf32, #tpu.memory_space<vmem>>, vector<16xf32>,
        tpu.vector_store %arg10[%parallel_loop3A_91, %parallel_loop3A_92], %parallel_loop3A_90 {strides = array<i32>} : memref<128x128xf32, #tpu.memory_space<vmem>>, vector<16xf32>,
        %parallel_loop3A_94 = arith.index_cast %parallel_loop3A_35 : i32 to index
        %parallel_loop3A_95 = arith.constant 112 : index
        %parallel_loop3A_96 = tpu.vector_load %arg10[%parallel_loop3A_94, %parallel_loop3A_95] {strides = array<i32>} : memref<128x128xf32, #tpu.memory_space<vmem>>, vector<16xf32>,
        %parallel_loop3A_97 = arith.mulf %parallel_loop3A_96, %parallel_loop3A_44 : vector<16xf32>
        %parallel_loop3A_98 = arith.index_cast %parallel_loop3A_35 : i32 to index
        %parallel_loop3A_99 = arith.constant 112 : index
        %parallel_loop3A_100 = tpu.vector_load %arg10[%parallel_loop3A_98, %parallel_loop3A_99] {strides = array<i32>} : memref<128x128xf32, #tpu.memory_space<vmem>>, vector<16xf32>,
        tpu.vector_store %arg10[%parallel_loop3A_98, %parallel_loop3A_99], %parallel_loop3A_97 {strides = array<i32>} : memref<128x128xf32, #tpu.memory_space<vmem>>, vector<16xf32>,
      } {sc.loop_unroll_factor = 8 : i64, sc.parallel_access}
      "tpu.region"() ({
        %run_scoped3A = tpu.sem_alloc : memref<!tpu.dma_semaphore, #tpu.memory_space<semaphore_mem>>
        %dma_start3A_35 = arith.constant 0 : i32
        %dma_start3A_36 = tpu.memref_slice %arg8[%scan3A_21, %dma_start3A_35] : memref<80x128xi32, #tpu.memory_space<vmem>> -> memref<1x128xi32, #tpu.memory_space<vmem>>
        %dma_start3A_37 = tpu.memref_squeeze %dma_start3A_36 : memref<1x128xi32, #tpu.memory_space<vmem>> -> memref<128xi32, #tpu.memory_space<vmem>>
        %dma_start3A_38 = arith.constant 0 : i32
        %dma_start3A_39 = arith.constant 0 : i32
        %dma_start3A_40 = tpu.memref_slice %arg12[%dma_start3A_38, %dma_start3A_39] : memref<10240x128xf32, #tpu.memory_space<vmem_shared>> -> memref<10240x128xf32, #tpu.memory_space<vmem_shared>>
        tpu.enqueue_indirect_dma source(%arg10 : memref<128x128xf32, #tpu.memory_space<vmem>>) target(%dma_start3A_40 : memref<10240x128xf32, #tpu.memory_space<vmem_shared>>) offsets(%dma_start3A_37 : memref<128xi32, #tpu.memory_space<vmem>>) semaphore(%run_scoped3A : memref<!tpu.dma_semaphore, #tpu.memory_space<semaphore_mem>>) {add = true}
        %dma_wait3A_41 = arith.constant 0 : i32
        %dma_wait3A_42 = tpu.memref_slice %arg8[%scan3A_21, %dma_wait3A_41] : memref<80x128xi32, #tpu.memory_space<vmem>> -> memref<1x128xi32, #tpu.memory_space<vmem>>
        %dma_wait3A_43 = tpu.memref_squeeze %dma_wait3A_42 : memref<1x128xi32, #tpu.memory_space<vmem>> -> memref<128xi32, #tpu.memory_space<vmem>>
        %dma_wait3A_44 = arith.constant 0 : i32
        %dma_wait3A_45 = arith.constant 0 : i32
        %dma_wait3A_46 = tpu.memref_slice %arg12[%dma_wait3A_44, %dma_wait3A_45] : memref<10240x128xf32, #tpu.memory_space<vmem_shared>> -> memref<10240x128xf32, #tpu.memory_space<vmem_shared>>
        tpu.wait_indirect_dma semaphore(%run_scoped3A : memref<!tpu.dma_semaphore, #tpu.memory_space<semaphore_mem>>) src(%arg10 : memref<128x128xf32, #tpu.memory_space<vmem>>) dst(%dma_wait3A_46 : memref<10240x128xf32, #tpu.memory_space<vmem_shared>>)
        tpu.yield
      }) : () -> ()
    }
    %scan3A_19 = arith.constant 80 : i32
    %barrier3A_20 = arith.constant 0 : index
    tpu.barrier barrier_id(%barrier3A_20)
    "tpu.region"() ({
      %run_scoped3A = tpu.sem_alloc : memref<!tpu.dma_semaphore, #tpu.memory_space<semaphore_mem>>
      %dma_start3A = arith.constant 0 : i32
      %dma_start3A_21 = tpu.memref_slice %arg6[%arg0, %multiple_of3A, %dma_start3A] : memref<2x10240x128xf32, #tpu.memory_space<hbm>> -> memref<1x640x128xf32, #tpu.memory_space<hbm>>
      %dma_start3A_22 = tpu.memref_squeeze %dma_start3A_21 : memref<1x640x128xf32, #tpu.memory_space<hbm>> -> memref<640x128xf32, #tpu.memory_space<hbm>>
      %dma_start3A_23 = arith.constant 0 : i32
      %dma_start3A_24 = tpu.memref_slice %arg12[%multiple_of3A, %dma_start3A_23] : memref<10240x128xf32, #tpu.memory_space<vmem_shared>> -> memref<640x128xf32, #tpu.memory_space<vmem_shared>>
      tpu.enqueue_dma source(%dma_start3A_24 : memref<640x128xf32, #tpu.memory_space<vmem_shared>>) target(%dma_start3A_22 : memref<640x128xf32, #tpu.memory_space<hbm>>) target_semaphore(%run_scoped3A : memref<!tpu.dma_semaphore, #tpu.memory_space<semaphore_mem>>)
      %dma_wait3A = arith.constant 0 : i32
      %dma_wait3A_25 = tpu.memref_slice %arg6[%arg0, %multiple_of3A, %dma_wait3A] : memref<2x10240x128xf32, #tpu.memory_space<hbm>> -> memref<1x640x128xf32, #tpu.memory_space<hbm>>
      %dma_wait3A_26 = tpu.memref_squeeze %dma_wait3A_25 : memref<1x640x128xf32, #tpu.memory_space<hbm>> -> memref<640x128xf32, #tpu.memory_space<hbm>>
      %dma_wait3A_27 = arith.constant 0 : i32
      %dma_wait3A_28 = tpu.memref_slice %arg12[%multiple_of3A, %dma_wait3A_27] : memref<10240x128xf32, #tpu.memory_space<vmem_shared>> -> memref<640x128xf32, #tpu.memory_space<vmem_shared>>
      tpu.wait_dma2 semaphore(%run_scoped3A : memref<!tpu.dma_semaphore, #tpu.memory_space<semaphore_mem>>) src(%dma_wait3A_28 : memref<640x128xf32, #tpu.memory_space<vmem_shared>>) dst(%dma_wait3A_26 : memref<640x128xf32, #tpu.memory_space<hbm>>)
      tpu.yield
    }) : () -> ()
    return
  }
}

#map = affine_map<(d0, d1) -> (0, 0, 0)>
#map1 = affine_map<(d0, d1) -> (0, 0)>
module attributes {stable_mosaic.version = 14 : i64} {
  func.func @_deg_body(%arg0: i32, %arg1: i32, %arg2: memref<32x80x128xi32, #tpu.memory_space<hbm>>, %arg3: memref<32x80x128xf32, #tpu.memory_space<hbm>>, %arg4: memref<2x10240xf32, #tpu.memory_space<hbm>>, %arg5: memref<80x128xi32, #tpu.memory_space<vmem>>, %arg6: memref<80x128xf32, #tpu.memory_space<vmem>>, %arg7: memref<640xf32, #tpu.memory_space<vmem>>, %arg8: memref<!tpu.dma_semaphore, #tpu.memory_space<semaphore_mem>>, %arg9: memref<10240xf32, #tpu.memory_space<vmem_shared>>) attributes {dimension_semantics = [#tpu.dimension_semantics<core_parallel>, #tpu.dimension_semantics<subcore_parallel>], iteration_bounds = array<i64: 2, 16>, scalar_prefetch = 0 : i64, scratch_operands = 5 : i64, tpu.core_type = #tpu.core_type<sc_vector_subcore>, window_params = [{transform_indices = #map}, {transform_indices = #map}, {transform_indices = #map1}]} {
    %mul3A = arith.constant 2 : i32
    %mul3A_0 = arith.muli %arg1, %mul3A : i32
    %add3A = arith.addi %mul3A_0, %arg0 : i32
    "tpu.region"() ({
      %run_scoped3A = tpu.sem_alloc : memref<!tpu.dma_semaphore, #tpu.memory_space<semaphore_mem>>
      %dma_start3A = arith.constant 0 : i32
      %dma_start3A_21 = arith.constant 0 : i32
      %dma_start3A_22 = tpu.memref_slice %arg2[%add3A, %dma_start3A, %dma_start3A_21] : memref<32x80x128xi32, #tpu.memory_space<hbm>> -> memref<1x80x128xi32, #tpu.memory_space<hbm>>
      %dma_start3A_23 = tpu.memref_squeeze %dma_start3A_22 : memref<1x80x128xi32, #tpu.memory_space<hbm>> -> memref<80x128xi32, #tpu.memory_space<hbm>>
      %dma_start3A_24 = arith.constant 0 : i32
      %dma_start3A_25 = arith.constant 0 : i32
      %dma_start3A_26 = tpu.memref_slice %arg2[%add3A, %dma_start3A_24, %dma_start3A_25] : memref<32x80x128xi32, #tpu.memory_space<hbm>> -> memref<1x80x128xi32, #tpu.memory_space<hbm>>
      %dma_start3A_27 = tpu.memref_squeeze %dma_start3A_26 : memref<1x80x128xi32, #tpu.memory_space<hbm>> -> memref<80x128xi32, #tpu.memory_space<hbm>>
      tpu.enqueue_dma source(%dma_start3A_27 : memref<80x128xi32, #tpu.memory_space<hbm>>) target(%arg5 : memref<80x128xi32, #tpu.memory_space<vmem>>) target_semaphore(%run_scoped3A : memref<!tpu.dma_semaphore, #tpu.memory_space<semaphore_mem>>)
      %dma_wait3A = arith.constant 0 : i32
      %dma_wait3A_28 = arith.constant 0 : i32
      %dma_wait3A_29 = tpu.memref_slice %arg2[%add3A, %dma_wait3A, %dma_wait3A_28] : memref<32x80x128xi32, #tpu.memory_space<hbm>> -> memref<1x80x128xi32, #tpu.memory_space<hbm>>
      %dma_wait3A_30 = tpu.memref_squeeze %dma_wait3A_29 : memref<1x80x128xi32, #tpu.memory_space<hbm>> -> memref<80x128xi32, #tpu.memory_space<hbm>>
      %dma_wait3A_31 = arith.constant 0 : i32
      %dma_wait3A_32 = arith.constant 0 : i32
      %dma_wait3A_33 = tpu.memref_slice %arg2[%add3A, %dma_wait3A_31, %dma_wait3A_32] : memref<32x80x128xi32, #tpu.memory_space<hbm>> -> memref<1x80x128xi32, #tpu.memory_space<hbm>>
      %dma_wait3A_34 = tpu.memref_squeeze %dma_wait3A_33 : memref<1x80x128xi32, #tpu.memory_space<hbm>> -> memref<80x128xi32, #tpu.memory_space<hbm>>
      tpu.wait_dma2 semaphore(%run_scoped3A : memref<!tpu.dma_semaphore, #tpu.memory_space<semaphore_mem>>) src(%dma_wait3A_34 : memref<80x128xi32, #tpu.memory_space<hbm>>) dst(%arg5 : memref<80x128xi32, #tpu.memory_space<vmem>>)
      tpu.yield
    }) : () -> ()
    "tpu.region"() ({
      %run_scoped3A = tpu.sem_alloc : memref<!tpu.dma_semaphore, #tpu.memory_space<semaphore_mem>>
      %dma_start3A = arith.constant 0 : i32
      %dma_start3A_21 = arith.constant 0 : i32
      %dma_start3A_22 = tpu.memref_slice %arg3[%add3A, %dma_start3A, %dma_start3A_21] : memref<32x80x128xf32, #tpu.memory_space<hbm>> -> memref<1x80x128xf32, #tpu.memory_space<hbm>>
      %dma_start3A_23 = tpu.memref_squeeze %dma_start3A_22 : memref<1x80x128xf32, #tpu.memory_space<hbm>> -> memref<80x128xf32, #tpu.memory_space<hbm>>
      %dma_start3A_24 = arith.constant 0 : i32
      %dma_start3A_25 = arith.constant 0 : i32
      %dma_start3A_26 = tpu.memref_slice %arg3[%add3A, %dma_start3A_24, %dma_start3A_25] : memref<32x80x128xf32, #tpu.memory_space<hbm>> -> memref<1x80x128xf32, #tpu.memory_space<hbm>>
      %dma_start3A_27 = tpu.memref_squeeze %dma_start3A_26 : memref<1x80x128xf32, #tpu.memory_space<hbm>> -> memref<80x128xf32, #tpu.memory_space<hbm>>
      tpu.enqueue_dma source(%dma_start3A_27 : memref<80x128xf32, #tpu.memory_space<hbm>>) target(%arg6 : memref<80x128xf32, #tpu.memory_space<vmem>>) target_semaphore(%run_scoped3A : memref<!tpu.dma_semaphore, #tpu.memory_space<semaphore_mem>>)
      %dma_wait3A = arith.constant 0 : i32
      %dma_wait3A_28 = arith.constant 0 : i32
      %dma_wait3A_29 = tpu.memref_slice %arg3[%add3A, %dma_wait3A, %dma_wait3A_28] : memref<32x80x128xf32, #tpu.memory_space<hbm>> -> memref<1x80x128xf32, #tpu.memory_space<hbm>>
      %dma_wait3A_30 = tpu.memref_squeeze %dma_wait3A_29 : memref<1x80x128xf32, #tpu.memory_space<hbm>> -> memref<80x128xf32, #tpu.memory_space<hbm>>
      %dma_wait3A_31 = arith.constant 0 : i32
      %dma_wait3A_32 = arith.constant 0 : i32
      %dma_wait3A_33 = tpu.memref_slice %arg3[%add3A, %dma_wait3A_31, %dma_wait3A_32] : memref<32x80x128xf32, #tpu.memory_space<hbm>> -> memref<1x80x128xf32, #tpu.memory_space<hbm>>
      %dma_wait3A_34 = tpu.memref_squeeze %dma_wait3A_33 : memref<1x80x128xf32, #tpu.memory_space<hbm>> -> memref<80x128xf32, #tpu.memory_space<hbm>>
      tpu.wait_dma2 semaphore(%run_scoped3A : memref<!tpu.dma_semaphore, #tpu.memory_space<semaphore_mem>>) src(%dma_wait3A_34 : memref<80x128xf32, #tpu.memory_space<hbm>>) dst(%arg6 : memref<80x128xf32, #tpu.memory_space<vmem>>)
      tpu.yield
    }) : () -> ()
    %scan3A = arith.constant 0 : i32
    %scan3A_1 = arith.constant 0 : i32
    %scan3A_2 = arith.constant 40 : i32
    %scan3A_3 = arith.addi %scan3A_1, %scan3A_2 : i32
    %scan3A_4 = arith.constant 1 : i32
    scf.for %scan3A_21 = %scan3A_1 to %scan3A_3 step %scan3A_4  : i32 {
      %broadcast_in_dim3A = arith.constant 0.000000e+00 : f32
      %broadcast_in_dim3A_22 = vector.broadcast %broadcast_in_dim3A : f32 to vector<16xf32>
      %mul3A_23 = arith.constant 16 : i32
      %mul3A_24 = arith.muli %scan3A_21, %mul3A_23 : i32
      %swap3A = arith.index_cast %mul3A_24 : i32 to index
      %swap3A_25 = tpu.vector_load %arg7[%swap3A] {strides = array<i32>} : memref<640xf32, #tpu.memory_space<vmem>>, vector<16xf32>,
      tpu.vector_store %arg7[%swap3A], %broadcast_in_dim3A_22 {strides = array<i32>} : memref<640xf32, #tpu.memory_space<vmem>>, vector<16xf32>,
    }
    %scan3A_5 = arith.constant 40 : i32
    %mul3A_6 = arith.constant 640 : i32
    %mul3A_7 = arith.muli %arg1, %mul3A_6 : i32
    %multiple_of3A = tpu.assume_multiple %mul3A_7, 128 : i32
    "tpu.region"() ({
      %run_scoped3A = tpu.sem_alloc : memref<!tpu.dma_semaphore, #tpu.memory_space<semaphore_mem>>
      %dma_start3A = tpu.memref_slice %arg9[%multiple_of3A] : memref<10240xf32, #tpu.memory_space<vmem_shared>> -> memref<640xf32, #tpu.memory_space<vmem_shared>>
      %dma_start3A_21 = tpu.memref_slice %arg9[%multiple_of3A] : memref<10240xf32, #tpu.memory_space<vmem_shared>> -> memref<640xf32, #tpu.memory_space<vmem_shared>>
      tpu.enqueue_dma source(%arg7 : memref<640xf32, #tpu.memory_space<vmem>>) target(%dma_start3A_21 : memref<640xf32, #tpu.memory_space<vmem_shared>>) target_semaphore(%run_scoped3A : memref<!tpu.dma_semaphore, #tpu.memory_space<semaphore_mem>>)
      %dma_wait3A = tpu.memref_slice %arg9[%multiple_of3A] : memref<10240xf32, #tpu.memory_space<vmem_shared>> -> memref<640xf32, #tpu.memory_space<vmem_shared>>
      %dma_wait3A_22 = tpu.memref_slice %arg9[%multiple_of3A] : memref<10240xf32, #tpu.memory_space<vmem_shared>> -> memref<640xf32, #tpu.memory_space<vmem_shared>>
      tpu.wait_dma2 semaphore(%run_scoped3A : memref<!tpu.dma_semaphore, #tpu.memory_space<semaphore_mem>>) src(%arg7 : memref<640xf32, #tpu.memory_space<vmem>>) dst(%dma_wait3A_22 : memref<640xf32, #tpu.memory_space<vmem_shared>>)
      tpu.yield
    }) : () -> ()
    %barrier3A = arith.constant 0 : index
    tpu.barrier barrier_id(%barrier3A)
    %scan3A_8 = arith.constant 0 : i32
    %scan3A_9 = arith.constant 0 : i32
    %scan3A_10 = arith.constant 80 : i32
    %scan3A_11 = arith.addi %scan3A_9, %scan3A_10 : i32
    %scan3A_12 = arith.constant 1 : i32
    scf.for %scan3A_21 = %scan3A_9 to %scan3A_11 step %scan3A_12  : i32 {
      %dma_start3A = arith.constant 0 : i32
      %dma_start3A_22 = tpu.memref_slice %arg6[%scan3A_21, %dma_start3A] : memref<80x128xf32, #tpu.memory_space<vmem>> -> memref<1x128xf32, #tpu.memory_space<vmem>>
      %dma_start3A_23 = tpu.memref_squeeze %dma_start3A_22 : memref<1x128xf32, #tpu.memory_space<vmem>> -> memref<128xf32, #tpu.memory_space<vmem>>
      %dma_start3A_24 = arith.constant 0 : i32
      %dma_start3A_25 = tpu.memref_slice %arg5[%scan3A_21, %dma_start3A_24] : memref<80x128xi32, #tpu.memory_space<vmem>> -> memref<1x128xi32, #tpu.memory_space<vmem>>
      %dma_start3A_26 = tpu.memref_squeeze %dma_start3A_25 : memref<1x128xi32, #tpu.memory_space<vmem>> -> memref<128xi32, #tpu.memory_space<vmem>>
      %dma_start3A_27 = arith.constant 0 : i32
      %dma_start3A_28 = tpu.memref_slice %arg9[%dma_start3A_27] : memref<10240xf32, #tpu.memory_space<vmem_shared>> -> memref<10240xf32, #tpu.memory_space<vmem_shared>>
      tpu.enqueue_indirect_dma source(%dma_start3A_23 : memref<128xf32, #tpu.memory_space<vmem>>) target(%dma_start3A_28 : memref<10240xf32, #tpu.memory_space<vmem_shared>>) offsets(%dma_start3A_26 : memref<128xi32, #tpu.memory_space<vmem>>) semaphore(%arg8 : memref<!tpu.dma_semaphore, #tpu.memory_space<semaphore_mem>>) {add = true}
    }
    %scan3A_13 = arith.constant 80 : i32
    %scan3A_14 = arith.constant 0 : i32
    %scan3A_15 = arith.constant 0 : i32
    %scan3A_16 = arith.constant 80 : i32
    %scan3A_17 = arith.addi %scan3A_15, %scan3A_16 : i32
    %scan3A_18 = arith.constant 1 : i32
    scf.for %scan3A_21 = %scan3A_15 to %scan3A_17 step %scan3A_18  : i32 {
      %dma_wait3A = arith.constant 0 : i32
      %dma_wait3A_22 = tpu.memref_slice %arg6[%scan3A_21, %dma_wait3A] : memref<80x128xf32, #tpu.memory_space<vmem>> -> memref<1x128xf32, #tpu.memory_space<vmem>>
      %dma_wait3A_23 = tpu.memref_squeeze %dma_wait3A_22 : memref<1x128xf32, #tpu.memory_space<vmem>> -> memref<128xf32, #tpu.memory_space<vmem>>
      %dma_wait3A_24 = arith.constant 0 : i32
      %dma_wait3A_25 = tpu.memref_slice %arg5[%scan3A_21, %dma_wait3A_24] : memref<80x128xi32, #tpu.memory_space<vmem>> -> memref<1x128xi32, #tpu.memory_space<vmem>>
      %dma_wait3A_26 = tpu.memref_squeeze %dma_wait3A_25 : memref<1x128xi32, #tpu.memory_space<vmem>> -> memref<128xi32, #tpu.memory_space<vmem>>
      %dma_wait3A_27 = arith.constant 0 : i32
      %dma_wait3A_28 = tpu.memref_slice %arg9[%dma_wait3A_27] : memref<10240xf32, #tpu.memory_space<vmem_shared>> -> memref<10240xf32, #tpu.memory_space<vmem_shared>>
      tpu.wait_indirect_dma semaphore(%arg8 : memref<!tpu.dma_semaphore, #tpu.memory_space<semaphore_mem>>) src(%dma_wait3A_23 : memref<128xf32, #tpu.memory_space<vmem>>) dst(%dma_wait3A_28 : memref<10240xf32, #tpu.memory_space<vmem_shared>>)
    }
    %scan3A_19 = arith.constant 80 : i32
    %barrier3A_20 = arith.constant 0 : index
    tpu.barrier barrier_id(%barrier3A_20)
    "tpu.region"() ({
      %run_scoped3A = tpu.sem_alloc : memref<!tpu.dma_semaphore, #tpu.memory_space<semaphore_mem>>
      %dma_start3A = tpu.memref_slice %arg4[%arg0, %multiple_of3A] : memref<2x10240xf32, #tpu.memory_space<hbm>> -> memref<1x640xf32, #tpu.memory_space<hbm>>
      %dma_start3A_21 = tpu.memref_squeeze %dma_start3A : memref<1x640xf32, #tpu.memory_space<hbm>> -> memref<640xf32, #tpu.memory_space<hbm>>
      %dma_start3A_22 = tpu.memref_slice %arg9[%multiple_of3A] : memref<10240xf32, #tpu.memory_space<vmem_shared>> -> memref<640xf32, #tpu.memory_space<vmem_shared>>
      tpu.enqueue_dma source(%dma_start3A_22 : memref<640xf32, #tpu.memory_space<vmem_shared>>) target(%dma_start3A_21 : memref<640xf32, #tpu.memory_space<hbm>>) target_semaphore(%run_scoped3A : memref<!tpu.dma_semaphore, #tpu.memory_space<semaphore_mem>>)
      %dma_wait3A = tpu.memref_slice %arg4[%arg0, %multiple_of3A] : memref<2x10240xf32, #tpu.memory_space<hbm>> -> memref<1x640xf32, #tpu.memory_space<hbm>>
      %dma_wait3A_23 = tpu.memref_squeeze %dma_wait3A : memref<1x640xf32, #tpu.memory_space<hbm>> -> memref<640xf32, #tpu.memory_space<hbm>>
      %dma_wait3A_24 = tpu.memref_slice %arg9[%multiple_of3A] : memref<10240xf32, #tpu.memory_space<vmem_shared>> -> memref<640xf32, #tpu.memory_space<vmem_shared>>
      tpu.wait_dma2 semaphore(%run_scoped3A : memref<!tpu.dma_semaphore, #tpu.memory_space<semaphore_mem>>) src(%dma_wait3A_24 : memref<640xf32, #tpu.memory_space<vmem_shared>>) dst(%dma_wait3A_23 : memref<640xf32, #tpu.memory_space<hbm>>)
      tpu.yield
    }) : () -> ()
    return
  }
}

module attributes {stable_mosaic.version = 14 : i64} {
  func.func @_pre_body(%arg0: i32, %arg1: memref<1x1x400x1xf32, #tpu.memory_space<vmem>>, %arg2: memref<1x1x400x1xf32, #tpu.memory_space<vmem>>, %arg3: memref<400x128xf32, #tpu.memory_space<vmem>>, %arg4: memref<1x400x1xf32, #tpu.memory_space<vmem>>, %arg5: memref<400x128xf32, #tpu.memory_space<vmem>>) attributes {dimension_semantics = [#tpu.dimension_semantics<arbitrary>], iteration_bounds = array<i64: 25>, scalar_prefetch = 0 : i64, scratch_operands = 0 : i64, tpu.core_type = #tpu.core_type<tc>, window_params = [{transform_indices = @transform_0, window_bounds = array<i64: 1, 1, 400, 1>}, {transform_indices = @transform_1, window_bounds = array<i64: 1, 1, 400, 1>}, {transform_indices = @transform_2, window_bounds = array<i64: 400, 128>}, {transform_indices = @transform_3, window_bounds = array<i64: 1, 400, 1>}, {transform_indices = @transform_4, window_bounds = array<i64: 400, 128>}]} {
    %get3A = arith.constant 0 : index
    %get3A_0 = arith.constant 0 : index
    %get3A_1 = arith.constant 0 : index
    %get3A_2 = arith.constant 0 : index
    %get3A_3 = vector.load %arg1[%get3A, %get3A_0, %get3A_1, %get3A_2] : memref<1x1x400x1xf32, #tpu.memory_space<vmem>>, vector<1x1x400x1xf32>
    %get3A_4 = vector.shape_cast %get3A_3 : vector<1x1x400x1xf32> to vector<400x1xf32>
    %get3A_5 = arith.constant 0 : index
    %get3A_6 = arith.constant 0 : index
    %get3A_7 = arith.constant 0 : index
    %get3A_8 = arith.constant 0 : index
    %get3A_9 = vector.load %arg2[%get3A_5, %get3A_6, %get3A_7, %get3A_8] : memref<1x1x400x1xf32, #tpu.memory_space<vmem>>, vector<1x1x400x1xf32>
    %get3A_10 = vector.shape_cast %get3A_9 : vector<1x1x400x1xf32> to vector<400x1xf32>
    %add3A = arith.addf %get3A_4, %get3A_10 : vector<400x1xf32>
    %add3A_11 = arith.constant 1.000000e+00 : f32
    %add3A_12 = vector.broadcast %add3A_11 : f32 to vector<400x1xf32>
    %add3A_13 = arith.addf %add3A, %add3A_12 : vector<400x1xf32>
    %rsqrt3A = math.rsqrt %add3A_13 : vector<400x1xf32>
    %swap3A = arith.constant 0 : index
    %swap3A_14 = arith.constant 0 : index
    %swap3A_15 = arith.constant 0 : index
    %swap3A_16 = vector.load %arg4[%swap3A, %swap3A_14, %swap3A_15] : memref<1x400x1xf32, #tpu.memory_space<vmem>>, vector<1x400x1xf32>
    %swap3A_17 = vector.shape_cast %swap3A_16 : vector<1x400x1xf32> to vector<400x1xf32>
    %swap3A_18 = vector.shape_cast %rsqrt3A : vector<400x1xf32> to vector<1x400x1xf32>
    tpu.vector_store %arg4[%swap3A, %swap3A_14, %swap3A_15], %swap3A_18 {strides = array<i32>} : memref<1x400x1xf32, #tpu.memory_space<vmem>>, vector<1x400x1xf32>,
    %get3A_19 = arith.constant 0 : index
    %get3A_20 = arith.constant 0 : index
    %get3A_21 = vector.load %arg3[%get3A_19, %get3A_20] : memref<400x128xf32, #tpu.memory_space<vmem>>, vector<400x128xf32>
    %mul3A = vector.broadcast %rsqrt3A : vector<400x1xf32> to vector<400x128xf32>
    %mul3A_22 = arith.mulf %mul3A, %get3A_21 : vector<400x128xf32>
    %swap3A_23 = arith.constant 0 : index
    %swap3A_24 = arith.constant 0 : index
    %swap3A_25 = vector.load %arg5[%swap3A_23, %swap3A_24] : memref<400x128xf32, #tpu.memory_space<vmem>>, vector<400x128xf32>
    tpu.vector_store %arg5[%swap3A_23, %swap3A_24], %mul3A_22 {strides = array<i32>} : memref<400x128xf32, #tpu.memory_space<vmem>>, vector<400x128xf32>,
    return
  }
  func.func @transform_0(%arg0: i32) -> (i32, i32, i32, i32) {
    %c0_i32 = arith.constant 0 : i32
    %c0_i32_0 = arith.constant 0 : i32
    %c0_i32_1 = arith.constant 0 : i32
    %c0_i32_2 = arith.constant 0 : i32
    return %c0_i32, %arg0, %c0_i32_0, %c0_i32_1 : i32, i32, i32, i32
  }
  func.func @transform_1(%arg0: i32) -> (i32, i32, i32, i32) {
    %c1_i32 = arith.constant 1 : i32
    %c0_i32 = arith.constant 0 : i32
    %c0_i32_0 = arith.constant 0 : i32
    %c0_i32_1 = arith.constant 0 : i32
    return %c1_i32, %arg0, %c0_i32, %c0_i32_0 : i32, i32, i32, i32
  }
  func.func @transform_2(%arg0: i32) -> (i32, i32) {
    %c0_i32 = arith.constant 0 : i32
    %c0_i32_0 = arith.constant 0 : i32
    return %arg0, %c0_i32 : i32, i32
  }
  func.func @transform_3(%arg0: i32) -> (i32, i32, i32) {
    %c0_i32 = arith.constant 0 : i32
    %c0_i32_0 = arith.constant 0 : i32
    %c0_i32_1 = arith.constant 0 : i32
    return %arg0, %c0_i32, %c0_i32_0 : i32, i32, i32
  }
  func.func @transform_4(%arg0: i32) -> (i32, i32) {
    %c0_i32 = arith.constant 0 : i32
    %c0_i32_0 = arith.constant 0 : i32
    return %arg0, %c0_i32 : i32, i32
  }
}

module attributes {stable_mosaic.version = 14 : i64} {
  func.func @_dense1_body(%arg0: i32, %arg1: memref<1x400x128xf32, #tpu.memory_space<vmem>>, %arg2: memref<1x400x128xf32, #tpu.memory_space<vmem>>, %arg3: memref<400x128xf32, #tpu.memory_space<vmem>>, %arg4: memref<1x400x1xf32, #tpu.memory_space<vmem>>, %arg5: memref<128x128xf32, #tpu.memory_space<vmem>>, %arg6: memref<1x128xf32, #tpu.memory_space<vmem>>, %arg7: memref<128x64xf32, #tpu.memory_space<vmem>>, %arg8: memref<128x128xf32, #tpu.memory_space<vmem>>, %arg9: memref<1x128xf32, #tpu.memory_space<vmem>>, %arg10: memref<128x64xf32, #tpu.memory_space<vmem>>, %arg11: memref<400x128xf32, #tpu.memory_space<vmem>>) attributes {dimension_semantics = [#tpu.dimension_semantics<arbitrary>], iteration_bounds = array<i64: 25>, scalar_prefetch = 0 : i64, scratch_operands = 0 : i64, tpu.core_type = #tpu.core_type<tc>, window_params = [{transform_indices = @transform_0, window_bounds = array<i64: 1, 400, 128>}, {transform_indices = @transform_1, window_bounds = array<i64: 1, 400, 128>}, {transform_indices = @transform_2, window_bounds = array<i64: 400, 128>}, {transform_indices = @transform_3, window_bounds = array<i64: 1, 400, 1>}, {pipeline_mode = #tpu.pipeline_mode<synchronous>, transform_indices = @transform_4, window_bounds = array<i64: 128, 128>}, {pipeline_mode = #tpu.pipeline_mode<synchronous>, transform_indices = @transform_5, window_bounds = array<i64: 1, 128>}, {pipeline_mode = #tpu.pipeline_mode<synchronous>, transform_indices = @transform_6, window_bounds = array<i64: 128, 64>}, {pipeline_mode = #tpu.pipeline_mode<synchronous>, transform_indices = @transform_7, window_bounds = array<i64: 128, 128>}, {pipeline_mode = #tpu.pipeline_mode<synchronous>, transform_indices = @transform_8, window_bounds = array<i64: 1, 128>}, {pipeline_mode = #tpu.pipeline_mode<synchronous>, transform_indices = @transform_9, window_bounds = array<i64: 128, 64>}, {transform_indices = @transform_10, window_bounds = array<i64: 400, 128>}]} {
    %get3A = arith.constant 0 : index
    %get3A_0 = arith.constant 0 : index
    %get3A_1 = arith.constant 0 : index
    %get3A_2 = vector.load %arg4[%get3A, %get3A_0, %get3A_1] : memref<1x400x1xf32, #tpu.memory_space<vmem>>, vector<1x400x1xf32>
    %get3A_3 = vector.shape_cast %get3A_2 : vector<1x400x1xf32> to vector<400x1xf32>
    %get3A_4 = arith.constant 0 : index
    %get3A_5 = arith.constant 0 : index
    %get3A_6 = arith.constant 0 : index
    %get3A_7 = vector.load %arg1[%get3A_4, %get3A_5, %get3A_6] : memref<1x400x128xf32, #tpu.memory_space<vmem>>, vector<1x400x128xf32>
    %get3A_8 = vector.shape_cast %get3A_7 : vector<1x400x128xf32> to vector<400x128xf32>
    %get3A_9 = arith.constant 0 : index
    %get3A_10 = arith.constant 0 : index
    %get3A_11 = arith.constant 0 : index
    %get3A_12 = vector.load %arg2[%get3A_9, %get3A_10, %get3A_11] : memref<1x400x128xf32, #tpu.memory_space<vmem>>, vector<1x400x128xf32>
    %get3A_13 = vector.shape_cast %get3A_12 : vector<1x400x128xf32> to vector<400x128xf32>
    %add3A = arith.addf %get3A_8, %get3A_13 : vector<400x128xf32>
    %get3A_14 = arith.constant 0 : index
    %get3A_15 = arith.constant 0 : index
    %get3A_16 = vector.load %arg3[%get3A_14, %get3A_15] : memref<400x128xf32, #tpu.memory_space<vmem>>, vector<400x128xf32>
    %add3A_17 = arith.addf %add3A, %get3A_16 : vector<400x128xf32>
    %mul3A = vector.broadcast %get3A_3 : vector<400x1xf32> to vector<400x128xf32>
    %mul3A_18 = arith.mulf %add3A_17, %mul3A : vector<400x128xf32>
    %get3A_19 = arith.constant 0 : index
    %get3A_20 = arith.constant 0 : index
    %get3A_21 = vector.load %arg5[%get3A_19, %get3A_20] : memref<128x128xf32, #tpu.memory_space<vmem>>, vector<128x128xf32>
    %dot_general3A = arith.constant dense<0.000000e+00> : vector<400x128xf32>
    %dot_general3A_22 = tpu.matmul %mul3A_18, %get3A_21, %dot_general3A {dimension_numbers = #tpu.dot_dimension_numbers<[1], [0], [0], [1], [0, 0, 1, 1], [], []>, transpose_lhs_hint = false} : vector<400x128xf32>, vector<128x128xf32>, vector<400x128xf32> -> vector<400x128xf32>
    %get3A_23 = arith.constant 0 : index
    %get3A_24 = arith.constant 0 : index
    %get3A_25 = vector.load %arg6[%get3A_23, %get3A_24] : memref<1x128xf32, #tpu.memory_space<vmem>>, vector<1x128xf32>
    %add3A_26 = vector.broadcast %get3A_25 : vector<1x128xf32> to vector<400x128xf32>
    %add3A_27 = arith.addf %dot_general3A_22, %add3A_26 : vector<400x128xf32>
    %max3A = arith.constant 0.000000e+00 : f32
    %max3A_28 = vector.broadcast %max3A : f32 to vector<400x128xf32>
    %max3A_29 = arith.maximumf %add3A_27, %max3A_28 : vector<400x128xf32>
    %get3A_30 = arith.constant 0 : index
    %get3A_31 = arith.constant 0 : index
    %get3A_32 = vector.load %arg8[%get3A_30, %get3A_31] : memref<128x128xf32, #tpu.memory_space<vmem>>, vector<128x128xf32>
    %dot_general3A_33 = arith.constant dense<0.000000e+00> : vector<400x128xf32>
    %dot_general3A_34 = tpu.matmul %mul3A_18, %get3A_32, %dot_general3A_33 {dimension_numbers = #tpu.dot_dimension_numbers<[1], [0], [0], [1], [0, 0, 1, 1], [], []>, transpose_lhs_hint = false} : vector<400x128xf32>, vector<128x128xf32>, vector<400x128xf32> -> vector<400x128xf32>
    %get3A_35 = arith.constant 0 : index
    %get3A_36 = arith.constant 0 : index
    %get3A_37 = vector.load %arg9[%get3A_35, %get3A_36] : memref<1x128xf32, #tpu.memory_space<vmem>>, vector<1x128xf32>
    %add3A_38 = vector.broadcast %get3A_37 : vector<1x128xf32> to vector<400x128xf32>
    %add3A_39 = arith.addf %dot_general3A_34, %add3A_38 : vector<400x128xf32>
    %max3A_40 = arith.constant 0.000000e+00 : f32
    %max3A_41 = vector.broadcast %max3A_40 : f32 to vector<400x128xf32>
    %max3A_42 = arith.maximumf %add3A_39, %max3A_41 : vector<400x128xf32>
    %get3A_43 = arith.constant 0 : index
    %get3A_44 = arith.constant 0 : index
    %get3A_45 = vector.load %arg7[%get3A_43, %get3A_44] : memref<128x64xf32, #tpu.memory_space<vmem>>, vector<128x64xf32>
    %dot_general3A_46 = arith.constant dense<0.000000e+00> : vector<400x64xf32>
    %dot_general3A_47 = tpu.matmul %max3A_29, %get3A_45, %dot_general3A_46 {dimension_numbers = #tpu.dot_dimension_numbers<[1], [0], [0], [1], [0, 0, 1, 1], [], []>, transpose_lhs_hint = false} : vector<400x128xf32>, vector<128x64xf32>, vector<400x64xf32> -> vector<400x64xf32>
    %get3A_48 = arith.constant 0 : index
    %get3A_49 = arith.constant 0 : index
    %get3A_50 = vector.load %arg10[%get3A_48, %get3A_49] : memref<128x64xf32, #tpu.memory_space<vmem>>, vector<128x64xf32>
    %dot_general3A_51 = arith.constant dense<0.000000e+00> : vector<400x64xf32>
    %dot_general3A_52 = tpu.matmul %max3A_42, %get3A_50, %dot_general3A_51 {dimension_numbers = #tpu.dot_dimension_numbers<[1], [0], [0], [1], [0, 0, 1, 1], [], []>, transpose_lhs_hint = false} : vector<400x128xf32>, vector<128x64xf32>, vector<400x64xf32> -> vector<400x64xf32>
    %concatenate3A = tpu.concatenate %dot_general3A_47, %dot_general3A_52 in 1 : vector<400x64xf32>, vector<400x64xf32> -> vector<400x128xf32>
    %mul3A_53 = vector.broadcast %get3A_3 : vector<400x1xf32> to vector<400x128xf32>
    %mul3A_54 = arith.mulf %concatenate3A, %mul3A_53 : vector<400x128xf32>
    %swap3A = arith.constant 0 : index
    %swap3A_55 = arith.constant 0 : index
    %swap3A_56 = vector.load %arg11[%swap3A, %swap3A_55] : memref<400x128xf32, #tpu.memory_space<vmem>>, vector<400x128xf32>
    tpu.vector_store %arg11[%swap3A, %swap3A_55], %mul3A_54 {strides = array<i32>} : memref<400x128xf32, #tpu.memory_space<vmem>>, vector<400x128xf32>,
    return
  }
  func.func @transform_0(%arg0: i32) -> (i32, i32, i32) {
    %c0_i32 = arith.constant 0 : i32
    %c0_i32_0 = arith.constant 0 : i32
    %c0_i32_1 = arith.constant 0 : i32
    return %c0_i32, %arg0, %c0_i32_0 : i32, i32, i32
  }
  func.func @transform_1(%arg0: i32) -> (i32, i32, i32) {
    %c1_i32 = arith.constant 1 : i32
    %c0_i32 = arith.constant 0 : i32
    %c0_i32_0 = arith.constant 0 : i32
    return %c1_i32, %arg0, %c0_i32 : i32, i32, i32
  }
  func.func @transform_2(%arg0: i32) -> (i32, i32) {
    %c0_i32 = arith.constant 0 : i32
    %c0_i32_0 = arith.constant 0 : i32
    return %arg0, %c0_i32 : i32, i32
  }
  func.func @transform_3(%arg0: i32) -> (i32, i32, i32) {
    %c0_i32 = arith.constant 0 : i32
    %c0_i32_0 = arith.constant 0 : i32
    %c0_i32_1 = arith.constant 0 : i32
    return %arg0, %c0_i32, %c0_i32_0 : i32, i32, i32
  }
  func.func @transform_4(%arg0: i32) -> (i32, i32) {
    %c0_i32 = arith.constant 0 : i32
    %c0_i32_0 = arith.constant 0 : i32
    %c0_i32_1 = arith.constant 0 : i32
    return %c0_i32, %c0_i32_0 : i32, i32
  }
  func.func @transform_5(%arg0: i32) -> (i32, i32) {
    %c0_i32 = arith.constant 0 : i32
    %c0_i32_0 = arith.constant 0 : i32
    %c0_i32_1 = arith.constant 0 : i32
    return %c0_i32, %c0_i32_0 : i32, i32
  }
  func.func @transform_6(%arg0: i32) -> (i32, i32) {
    %c0_i32 = arith.constant 0 : i32
    %c0_i32_0 = arith.constant 0 : i32
    %c0_i32_1 = arith.constant 0 : i32
    return %c0_i32, %c0_i32_0 : i32, i32
  }
  func.func @transform_7(%arg0: i32) -> (i32, i32) {
    %c0_i32 = arith.constant 0 : i32
    %c0_i32_0 = arith.constant 0 : i32
    %c0_i32_1 = arith.constant 0 : i32
    return %c0_i32, %c0_i32_0 : i32, i32
  }
  func.func @transform_8(%arg0: i32) -> (i32, i32) {
    %c0_i32 = arith.constant 0 : i32
    %c0_i32_0 = arith.constant 0 : i32
    %c0_i32_1 = arith.constant 0 : i32
    return %c0_i32, %c0_i32_0 : i32, i32
  }
  func.func @transform_9(%arg0: i32) -> (i32, i32) {
    %c0_i32 = arith.constant 0 : i32
    %c0_i32_0 = arith.constant 0 : i32
    %c0_i32_1 = arith.constant 0 : i32
    return %c0_i32, %c0_i32_0 : i32, i32
  }
  func.func @transform_10(%arg0: i32) -> (i32, i32) {
    %c0_i32 = arith.constant 0 : i32
    %c0_i32_0 = arith.constant 0 : i32
    return %arg0, %c0_i32 : i32, i32
  }
}

module attributes {stable_mosaic.version = 14 : i64} {
  func.func @_dense2_body(%arg0: i32, %arg1: memref<1x400x128xf32, #tpu.memory_space<vmem>>, %arg2: memref<1x400x128xf32, #tpu.memory_space<vmem>>, %arg3: memref<400x128xf32, #tpu.memory_space<vmem>>, %arg4: memref<1x400x1xf32, #tpu.memory_space<vmem>>, %arg5: memref<1x1x400xi32, #tpu.memory_space<vmem>>, %arg6: memref<1x128xf32, #tpu.memory_space<vmem>>, %arg7: memref<256x64xf32, #tpu.memory_space<vmem>>, %arg8: memref<64x64xf32, #tpu.memory_space<vmem>>, %arg9: memref<64x64xf32, #tpu.memory_space<vmem>>, %arg10: memref<1x64xf32, #tpu.memory_space<vmem>>, %arg11: memref<64x64xf32, #tpu.memory_space<vmem>>, %arg12: memref<64x64xf32, #tpu.memory_space<vmem>>, %arg13: memref<1x64xf32, #tpu.memory_space<vmem>>, %arg14: memref<256x64xf32, #tpu.memory_space<vmem>>, %arg15: memref<256x128xf32, #tpu.memory_space<vmem>>, %arg16: memref<256x128xf32, #tpu.memory_space<vmem>>) attributes {dimension_semantics = [#tpu.dimension_semantics<arbitrary>], iteration_bounds = array<i64: 25>, scalar_prefetch = 0 : i64, scratch_operands = 2 : i64, tpu.core_type = #tpu.core_type<tc>, window_params = [{transform_indices = @transform_0, window_bounds = array<i64: 1, 400, 128>}, {transform_indices = @transform_1, window_bounds = array<i64: 1, 400, 128>}, {transform_indices = @transform_2, window_bounds = array<i64: 400, 128>}, {transform_indices = @transform_3, window_bounds = array<i64: 1, 400, 1>}, {transform_indices = @transform_4, window_bounds = array<i64: 1, 1, 400>}, {pipeline_mode = #tpu.pipeline_mode<synchronous>, transform_indices = @transform_5, window_bounds = array<i64: 1, 128>}, {pipeline_mode = #tpu.pipeline_mode<synchronous>, transform_indices = @transform_6, window_bounds = array<i64: 256, 64>}, {pipeline_mode = #tpu.pipeline_mode<synchronous>, transform_indices = @transform_7, window_bounds = array<i64: 64, 64>}, {pipeline_mode = #tpu.pipeline_mode<synchronous>, transform_indices = @transform_8, window_bounds = array<i64: 64, 64>}, {pipeline_mode = #tpu.pipeline_mode<synchronous>, transform_indices = @transform_9, window_bounds = array<i64: 1, 64>}, {pipeline_mode = #tpu.pipeline_mode<synchronous>, transform_indices = @transform_10, window_bounds = array<i64: 64, 64>}, {pipeline_mode = #tpu.pipeline_mode<synchronous>, transform_indices = @transform_11, window_bounds = array<i64: 64, 64>}, {pipeline_mode = #tpu.pipeline_mode<synchronous>, transform_indices = @transform_12, window_bounds = array<i64: 1, 64>}, {pipeline_mode = #tpu.pipeline_mode<synchronous>, transform_indices = @transform_13, window_bounds = array<i64: 256, 64>}]} {
    %eq3A = arith.constant 0 : i32
    %eq3A_0 = arith.cmpi eq, %arg0, %eq3A : i32
    %convert_element_type3A = arith.extui %eq3A_0 : i1 to i32
    %cond3A = arith.constant 0 : i32
    %cond3A_1 = arith.cmpi ne, %convert_element_type3A, %cond3A : i32
    scf.if %cond3A_1 {
      %broadcast_in_dim3A_60 = arith.constant 0.000000e+00 : f32
      %broadcast_in_dim3A_61 = vector.broadcast %broadcast_in_dim3A_60 : f32 to vector<256x128xf32>
      %swap3A_62 = arith.constant 0 : index
      %swap3A_63 = arith.constant 0 : index
      %swap3A_64 = vector.load %arg15[%swap3A_62, %swap3A_63] : memref<256x128xf32, #tpu.memory_space<vmem>>, vector<256x128xf32>
      tpu.vector_store %arg15[%swap3A_62, %swap3A_63], %broadcast_in_dim3A_61 {strides = array<i32>} : memref<256x128xf32, #tpu.memory_space<vmem>>, vector<256x128xf32>,
      %broadcast_in_dim3A_65 = arith.constant 0.000000e+00 : f32
      %broadcast_in_dim3A_66 = vector.broadcast %broadcast_in_dim3A_65 : f32 to vector<256x128xf32>
      %swap3A_67 = arith.constant 0 : index
      %swap3A_68 = arith.constant 0 : index
      %swap3A_69 = vector.load %arg16[%swap3A_67, %swap3A_68] : memref<256x128xf32, #tpu.memory_space<vmem>>, vector<256x128xf32>
      tpu.vector_store %arg16[%swap3A_67, %swap3A_68], %broadcast_in_dim3A_66 {strides = array<i32>} : memref<256x128xf32, #tpu.memory_space<vmem>>, vector<256x128xf32>,
    } else {
    }
    %get3A = arith.constant 0 : index
    %get3A_2 = arith.constant 0 : index
    %get3A_3 = arith.constant 0 : index
    %get3A_4 = vector.load %arg4[%get3A, %get3A_2, %get3A_3] : memref<1x400x1xf32, #tpu.memory_space<vmem>>, vector<1x400x1xf32>
    %get3A_5 = vector.shape_cast %get3A_4 : vector<1x400x1xf32> to vector<400x1xf32>
    %get3A_6 = arith.constant 0 : index
    %get3A_7 = arith.constant 0 : index
    %get3A_8 = arith.constant 0 : index
    %get3A_9 = vector.load %arg1[%get3A_6, %get3A_7, %get3A_8] : memref<1x400x128xf32, #tpu.memory_space<vmem>>, vector<1x400x128xf32>
    %get3A_10 = vector.shape_cast %get3A_9 : vector<1x400x128xf32> to vector<400x128xf32>
    %get3A_11 = arith.constant 0 : index
    %get3A_12 = arith.constant 0 : index
    %get3A_13 = arith.constant 0 : index
    %get3A_14 = vector.load %arg2[%get3A_11, %get3A_12, %get3A_13] : memref<1x400x128xf32, #tpu.memory_space<vmem>>, vector<1x400x128xf32>
    %get3A_15 = vector.shape_cast %get3A_14 : vector<1x400x128xf32> to vector<400x128xf32>
    %add3A = arith.addf %get3A_10, %get3A_15 : vector<400x128xf32>
    %get3A_16 = arith.constant 0 : index
    %get3A_17 = arith.constant 0 : index
    %get3A_18 = vector.load %arg3[%get3A_16, %get3A_17] : memref<400x128xf32, #tpu.memory_space<vmem>>, vector<400x128xf32>
    %add3A_19 = arith.addf %add3A, %get3A_18 : vector<400x128xf32>
    %mul3A = vector.broadcast %get3A_5 : vector<400x1xf32> to vector<400x128xf32>
    %mul3A_20 = arith.mulf %add3A_19, %mul3A : vector<400x128xf32>
    %get3A_21 = arith.constant 0 : index
    %get3A_22 = arith.constant 0 : index
    %get3A_23 = vector.load %arg6[%get3A_21, %get3A_22] : memref<1x128xf32, #tpu.memory_space<vmem>>, vector<1x128xf32>
    %add3A_24 = vector.broadcast %get3A_23 : vector<1x128xf32> to vector<400x128xf32>
    %add3A_25 = arith.addf %mul3A_20, %add3A_24 : vector<400x128xf32>
    %max3A = arith.constant 0.000000e+00 : f32
    %max3A_26 = vector.broadcast %max3A : f32 to vector<400x128xf32>
    %max3A_27 = arith.maximumf %add3A_25, %max3A_26 : vector<400x128xf32>
    %get3A_28 = arith.constant 0 : index
    %get3A_29 = arith.constant 0 : index
    %get3A_30 = arith.constant 0 : index
    %get3A_31 = vector.load %arg5[%get3A_28, %get3A_29, %get3A_30] : memref<1x1x400xi32, #tpu.memory_space<vmem>>, vector<1x1x400xi32>
    %get3A_32 = vector.shape_cast %get3A_31 : vector<1x1x400xi32> to vector<400xi32>
    %iota3A = tpu.iota {dimensions = array<i32: 0>} : vector<256x400xi32>
    %broadcast_in_dim3A = vector.shape_cast %get3A_32 : vector<400xi32> to vector<1x400xi32>
    %eq3A_33 = vector.broadcast %broadcast_in_dim3A : vector<1x400xi32> to vector<256x400xi32>
    %eq3A_34 = arith.cmpi eq, %iota3A, %eq3A_33 : vector<256x400xi32>
    %convert_element_type3A_35 = arith.extui %eq3A_34 : vector<256x400xi1> to vector<256x400xi32>
    %convert_element_type3A_36 = arith.sitofp %convert_element_type3A_35 : vector<256x400xi32> to vector<256x400xf32>
    %get3A_37 = arith.constant 0 : index
    %get3A_38 = arith.constant 0 : index
    %get3A_39 = vector.load %arg15[%get3A_37, %get3A_38] : memref<256x128xf32, #tpu.memory_space<vmem>>, vector<256x128xf32>
    %dot_general3A = arith.constant dense<0.000000e+00> : vector<256x128xf32>
    %dot_general3A_40 = tpu.matmul %convert_element_type3A_36, %max3A_27, %dot_general3A {dimension_numbers = #tpu.dot_dimension_numbers<[1], [0], [0], [1], [0, 0, 1, 1], [], []>, transpose_lhs_hint = false} : vector<256x400xf32>, vector<400x128xf32>, vector<256x128xf32> -> vector<256x128xf32>
    %add3A_41 = arith.addf %get3A_39, %dot_general3A_40 : vector<256x128xf32>
    %swap3A = arith.constant 0 : index
    %swap3A_42 = arith.constant 0 : index
    %swap3A_43 = vector.load %arg15[%swap3A, %swap3A_42] : memref<256x128xf32, #tpu.memory_space<vmem>>, vector<256x128xf32>
    tpu.vector_store %arg15[%swap3A, %swap3A_42], %add3A_41 {strides = array<i32>} : memref<256x128xf32, #tpu.memory_space<vmem>>, vector<256x128xf32>,
    %get3A_44 = arith.constant 0 : index
    %get3A_45 = arith.constant 0 : index
    %get3A_46 = vector.load %arg16[%get3A_44, %get3A_45] : memref<256x128xf32, #tpu.memory_space<vmem>>, vector<256x128xf32>
    %reduce_sum3A = arith.constant dense<0.000000e+00> : vector<256xf32>
    %reduce_sum3A_47 = vector.multi_reduction <add>, %convert_element_type3A_36, %reduce_sum3A [1] : vector<256x400xf32> to vector<256xf32>
    %broadcast_in_dim3A_48 = vector.shape_cast %reduce_sum3A_47 : vector<256xf32> to vector<256x1xf32>
    %broadcast_in_dim3A_49 = vector.shape_cast %broadcast_in_dim3A_48 : vector<256x1xf32> to vector<256x1xf32>
    %broadcast_in_dim3A_50 = vector.broadcast %broadcast_in_dim3A_49 : vector<256x1xf32> to vector<256x128xf32>
    %add3A_51 = arith.addf %get3A_46, %broadcast_in_dim3A_50 : vector<256x128xf32>
    %swap3A_52 = arith.constant 0 : index
    %swap3A_53 = arith.constant 0 : index
    %swap3A_54 = vector.load %arg16[%swap3A_52, %swap3A_53] : memref<256x128xf32, #tpu.memory_space<vmem>>, vector<256x128xf32>
    tpu.vector_store %arg16[%swap3A_52, %swap3A_53], %add3A_51 {strides = array<i32>} : memref<256x128xf32, #tpu.memory_space<vmem>>, vector<256x128xf32>,
    %eq3A_55 = arith.constant 24 : i32
    %eq3A_56 = arith.cmpi eq, %arg0, %eq3A_55 : i32
    %convert_element_type3A_57 = arith.extui %eq3A_56 : i1 to i32
    %cond3A_58 = arith.constant 0 : i32
    %cond3A_59 = arith.cmpi ne, %convert_element_type3A_57, %cond3A_58 : i32
    scf.if %cond3A_59 {
      %get3A_60 = arith.constant 0 : index
      %get3A_61 = arith.constant 0 : index
      %get3A_62 = vector.load %arg16[%get3A_60, %get3A_61] : memref<256x128xf32, #tpu.memory_space<vmem>>, vector<256x128xf32>
      %max3A_63 = arith.constant 1.000000e+00 : f32
      %max3A_64 = vector.broadcast %max3A_63 : f32 to vector<256x128xf32>
      %max3A_65 = arith.maximumf %get3A_62, %max3A_64 : vector<256x128xf32>
      %get3A_66 = arith.constant 0 : index
      %get3A_67 = arith.constant 0 : index
      %get3A_68 = vector.load %arg15[%get3A_66, %get3A_67] : memref<256x128xf32, #tpu.memory_space<vmem>>, vector<256x128xf32>
      %div3A = arith.divf %get3A_68, %max3A_65 : vector<256x128xf32>
      %slice3A = vector.extract_strided_slice %div3A {offsets = [0, 0], sizes = [256, 64], strides = [1, 1]} : vector<256x128xf32> to vector<256x64xf32>
      %slice3A_69 = vector.extract_strided_slice %div3A {offsets = [0, 64], sizes = [256, 64], strides = [1, 1]} : vector<256x128xf32> to vector<256x64xf32>
      %get3A_70 = arith.constant 0 : index
      %get3A_71 = arith.constant 0 : index
      %get3A_72 = vector.load %arg7[%get3A_70, %get3A_71] : memref<256x64xf32, #tpu.memory_space<vmem>>, vector<256x64xf32>
      %get3A_73 = arith.constant 0 : index
      %get3A_74 = arith.constant 0 : index
      %get3A_75 = vector.load %arg8[%get3A_73, %get3A_74] : memref<64x64xf32, #tpu.memory_space<vmem>>, vector<64x64xf32>
      %dot_general3A_76 = arith.constant dense<0.000000e+00> : vector<256x64xf32>
      %dot_general3A_77 = tpu.matmul %slice3A, %get3A_75, %dot_general3A_76 {dimension_numbers = #tpu.dot_dimension_numbers<[1], [0], [0], [1], [0, 0, 1, 1], [], []>, transpose_lhs_hint = false} : vector<256x64xf32>, vector<64x64xf32>, vector<256x64xf32> -> vector<256x64xf32>
      %get3A_78 = arith.constant 0 : index
      %get3A_79 = arith.constant 0 : index
      %get3A_80 = vector.load %arg9[%get3A_78, %get3A_79] : memref<64x64xf32, #tpu.memory_space<vmem>>, vector<64x64xf32>
      %dot_general3A_81 = arith.constant dense<0.000000e+00> : vector<256x64xf32>
      %dot_general3A_82 = tpu.matmul %get3A_72, %get3A_80, %dot_general3A_81 {dimension_numbers = #tpu.dot_dimension_numbers<[1], [0], [0], [1], [0, 0, 1, 1], [], []>, transpose_lhs_hint = false} : vector<256x64xf32>, vector<64x64xf32>, vector<256x64xf32> -> vector<256x64xf32>
      %add3A_83 = arith.addf %dot_general3A_77, %dot_general3A_82 : vector<256x64xf32>
      %get3A_84 = arith.constant 0 : index
      %get3A_85 = arith.constant 0 : index
      %get3A_86 = vector.load %arg10[%get3A_84, %get3A_85] : memref<1x64xf32, #tpu.memory_space<vmem>>, vector<1x64xf32>
      %add3A_87 = vector.broadcast %get3A_86 : vector<1x64xf32> to vector<256x64xf32>
      %add3A_88 = arith.addf %add3A_83, %add3A_87 : vector<256x64xf32>
      %logistic3A = arith.negf %add3A_88 : vector<256x64xf32>
      %logistic3A_89 = math.exp %logistic3A : vector<256x64xf32>
      %logistic3A_90 = arith.constant 1.000000e+00 : f32
      %logistic3A_91 = vector.broadcast %logistic3A_90 : f32 to vector<256x64xf32>
      %logistic3A_92 = arith.addf %logistic3A_91, %logistic3A_89 : vector<256x64xf32>
      %logistic3A_93 = arith.divf %logistic3A_91, %logistic3A_92 : vector<256x64xf32>
      %get3A_94 = arith.constant 0 : index
      %get3A_95 = arith.constant 0 : index
      %get3A_96 = vector.load %arg11[%get3A_94, %get3A_95] : memref<64x64xf32, #tpu.memory_space<vmem>>, vector<64x64xf32>
      %dot_general3A_97 = arith.constant dense<0.000000e+00> : vector<256x64xf32>
      %dot_general3A_98 = tpu.matmul %slice3A_69, %get3A_96, %dot_general3A_97 {dimension_numbers = #tpu.dot_dimension_numbers<[1], [0], [0], [1], [0, 0, 1, 1], [], []>, transpose_lhs_hint = false} : vector<256x64xf32>, vector<64x64xf32>, vector<256x64xf32> -> vector<256x64xf32>
      %get3A_99 = arith.constant 0 : index
      %get3A_100 = arith.constant 0 : index
      %get3A_101 = vector.load %arg12[%get3A_99, %get3A_100] : memref<64x64xf32, #tpu.memory_space<vmem>>, vector<64x64xf32>
      %dot_general3A_102 = arith.constant dense<0.000000e+00> : vector<256x64xf32>
      %dot_general3A_103 = tpu.matmul %get3A_72, %get3A_101, %dot_general3A_102 {dimension_numbers = #tpu.dot_dimension_numbers<[1], [0], [0], [1], [0, 0, 1, 1], [], []>, transpose_lhs_hint = false} : vector<256x64xf32>, vector<64x64xf32>, vector<256x64xf32> -> vector<256x64xf32>
      %add3A_104 = arith.addf %dot_general3A_98, %dot_general3A_103 : vector<256x64xf32>
      %get3A_105 = arith.constant 0 : index
      %get3A_106 = arith.constant 0 : index
      %get3A_107 = vector.load %arg13[%get3A_105, %get3A_106] : memref<1x64xf32, #tpu.memory_space<vmem>>, vector<1x64xf32>
      %add3A_108 = vector.broadcast %get3A_107 : vector<1x64xf32> to vector<256x64xf32>
      %add3A_109 = arith.addf %add3A_104, %add3A_108 : vector<256x64xf32>
      %tanh3A = math.tanh %add3A_109 : vector<256x64xf32>
      %mul3A_110 = arith.mulf %logistic3A_93, %get3A_72 : vector<256x64xf32>
      %sub3A = arith.constant 1.000000e+00 : f32
      %sub3A_111 = vector.broadcast %sub3A : f32 to vector<256x64xf32>
      %sub3A_112 = arith.subf %sub3A_111, %logistic3A_93 : vector<256x64xf32>
      %mul3A_113 = arith.mulf %sub3A_112, %tanh3A : vector<256x64xf32>
      %add3A_114 = arith.addf %mul3A_110, %mul3A_113 : vector<256x64xf32>
      %swap3A_115 = arith.constant 0 : index
      %swap3A_116 = arith.constant 0 : index
      %swap3A_117 = vector.load %arg14[%swap3A_115, %swap3A_116] : memref<256x64xf32, #tpu.memory_space<vmem>>, vector<256x64xf32>
      tpu.vector_store %arg14[%swap3A_115, %swap3A_116], %add3A_114 {strides = array<i32>} : memref<256x64xf32, #tpu.memory_space<vmem>>, vector<256x64xf32>,
    } else {
    }
    return
  }
  func.func @transform_0(%arg0: i32) -> (i32, i32, i32) {
    %c0_i32 = arith.constant 0 : i32
    %c0_i32_0 = arith.constant 0 : i32
    %c0_i32_1 = arith.constant 0 : i32
    return %c0_i32, %arg0, %c0_i32_0 : i32, i32, i32
  }
  func.func @transform_1(%arg0: i32) -> (i32, i32, i32) {
    %c1_i32 = arith.constant 1 : i32
    %c0_i32 = arith.constant 0 : i32
    %c0_i32_0 = arith.constant 0 : i32
    return %c1_i32, %arg0, %c0_i32 : i32, i32, i32
  }
  func.func @transform_2(%arg0: i32) -> (i32, i32) {
    %c0_i32 = arith.constant 0 : i32
    %c0_i32_0 = arith.constant 0 : i32
    return %arg0, %c0_i32 : i32, i32
  }
  func.func @transform_3(%arg0: i32) -> (i32, i32, i32) {
    %c0_i32 = arith.constant 0 : i32
    %c0_i32_0 = arith.constant 0 : i32
    %c0_i32_1 = arith.constant 0 : i32
    return %arg0, %c0_i32, %c0_i32_0 : i32, i32, i32
  }
  func.func @transform_4(%arg0: i32) -> (i32, i32, i32) {
    %c0_i32 = arith.constant 0 : i32
    %c0_i32_0 = arith.constant 0 : i32
    %c0_i32_1 = arith.constant 0 : i32
    return %arg0, %c0_i32, %c0_i32_0 : i32, i32, i32
  }
  func.func @transform_5(%arg0: i32) -> (i32, i32) {
    %c0_i32 = arith.constant 0 : i32
    %c0_i32_0 = arith.constant 0 : i32
    %c0_i32_1 = arith.constant 0 : i32
    return %c0_i32, %c0_i32_0 : i32, i32
  }
  func.func @transform_6(%arg0: i32) -> (i32, i32) {
    %c0_i32 = arith.constant 0 : i32
    %c0_i32_0 = arith.constant 0 : i32
    %c0_i32_1 = arith.constant 0 : i32
    return %c0_i32, %c0_i32_0 : i32, i32
  }
  func.func @transform_7(%arg0: i32) -> (i32, i32) {
    %c0_i32 = arith.constant 0 : i32
    %c0_i32_0 = arith.constant 0 : i32
    %c0_i32_1 = arith.constant 0 : i32
    return %c0_i32, %c0_i32_0 : i32, i32
  }
  func.func @transform_8(%arg0: i32) -> (i32, i32) {
    %c0_i32 = arith.constant 0 : i32
    %c0_i32_0 = arith.constant 0 : i32
    %c0_i32_1 = arith.constant 0 : i32
    return %c0_i32, %c0_i32_0 : i32, i32
  }
  func.func @transform_9(%arg0: i32) -> (i32, i32) {
    %c0_i32 = arith.constant 0 : i32
    %c0_i32_0 = arith.constant 0 : i32
    %c0_i32_1 = arith.constant 0 : i32
    return %c0_i32, %c0_i32_0 : i32, i32
  }
  func.func @transform_10(%arg0: i32) -> (i32, i32) {
    %c0_i32 = arith.constant 0 : i32
    %c0_i32_0 = arith.constant 0 : i32
    %c0_i32_1 = arith.constant 0 : i32
    return %c0_i32, %c0_i32_0 : i32, i32
  }
  func.func @transform_11(%arg0: i32) -> (i32, i32) {
    %c0_i32 = arith.constant 0 : i32
    %c0_i32_0 = arith.constant 0 : i32
    %c0_i32_1 = arith.constant 0 : i32
    return %c0_i32, %c0_i32_0 : i32, i32
  }
  func.func @transform_12(%arg0: i32) -> (i32, i32) {
    %c0_i32 = arith.constant 0 : i32
    %c0_i32_0 = arith.constant 0 : i32
    %c0_i32_1 = arith.constant 0 : i32
    return %c0_i32, %c0_i32_0 : i32, i32
  }
  func.func @transform_13(%arg0: i32) -> (i32, i32) {
    %c0_i32 = arith.constant 0 : i32
    %c0_i32_0 = arith.constant 0 : i32
    %c0_i32_1 = arith.constant 0 : i32
    return %c0_i32, %c0_i32_0 : i32, i32
  }
}

</mosaic_0001>

<sc_bundles>
// kernel: kernel.11.cloned.1.call-start
scs
__scs_entry_jumppad:
0x0: {  	(pc) =	sbr.rel $0x88, $3  }
0x1: {  	(tag) =	ssettag $0x0;
	lr =	simm.s32 $0x1  }
0x2: {  	[smem:$0x3F90] =	sst lr;
	_ =	strace $0xD0000000  }
0x3: {  	_ = 	snop  }
0x4: {  	_ = 	snop  }
0x5: {  	_ = 	snop  }
0x6: {  	_ = 	snop  }
0x7: {  	_ = 	snop  }
__scs_overlays_trampoline_lowered:
0x8: {  	[smem:$0x3F9F] =	sst s0  }
0x9: {  	[smem:$0x3FA0] =	sst s1  }
0xa: {  	[smem:$0x3FA1] =	sst s2  }
0xb: {  	[smem:$0x3FA2] =	sst s3  }
0xc: {  	[smem:$0x3FA3] =	sst s4  }
0xd: {  	[smem:$0x3FA4] =	sst s5  }
0xe: {  	[smem:$0x3FA5] =	sst s6  }
0xf: {  	[smem:$0x3FA6] =	sst s7  }
0x10: {  	[smem:$0x3FA7] =	sst s8  }
0x11: {  	[smem:$0x3FA8] =	sst s9;
	s0 =	simm.s32 @!p0 $0x0  }
0x12: {  	s1 =	sld [smem:$0x3F8E];
	s0 =	simm.s32 @p0 $0x1  }
0x13: {  	[smem:$0x3FA9] =	sst s0;
	s0 =	simm.s32 @!p1 $0x0  }
0x14: {  	s2 =	sld [smem:$0x3F8D];
	s0 =	simm.s32 @p1 $0x1  }
0x15: {  	[smem:$0x3FAA] =	sst s0;
	s0 =	simm.s32 @!p2 $0x0  }
0x16: {  	s3 =	sld [smem:$0x3FDB];
	s0 =	simm.s32 @p2 $0x1  }
0x17: {  	s4 =	simm.s32 $0x1BF5;
	[smem:$0x3FAC] =	sst s0  }
0x18: {  	s0 =	sld [smem:$0x3F8F];
	_ =	swait.ge [sflag:s4], $0x0  }
0x19: {  	s7 =	sld [smem:$0x3F90]  }
0x1a: {  	s8 =	sadd.s32 $0xFFFFE003, lr  }
0x1b: {  	s9 =	sadd.s32 $0xFFFFFEF7, lr;
	s5 =	simm.s32 $0xFFFFFFFF;
	p2 =	slt.u32 s8, $0xFFFFF086  }
0x1c: {  	p1 =	slt.u32 s9, $0xF7A;
	s5 =	simm.s32 @!p2 $0x0  }
0x1d: {  	s5 =	simm.s32 @p1 $0x1;
	p0 =	seq.s32 s7, s2  }
0x1e: {  	s7 =	smul.u32 @!p0 $0xF7A, s2;
	p2 =	seq.s32 @!p0 s5, $0x0  }
0x1f: {  	s9 =	smul.u32 $0xF7A, s1;
	s8 =	simm.s32 @!p0 $0x1BF5;
	p2 =	por !p2, p0  }
0x20: {  	[sflag:s8] =	ssyncset.s32 @!p0 $0xFFFFF086;
	s6 =	sadd.s32 @!p0 s3, s7;
	s7 =	simm.s32 @!p0 $0x108  }
0x21: {  	s3 =	sadd.s32 s3, s9;
	s6 =	sadd.s32 @!p0 $0x88, s6;
	s7 =	simm.s32 @p2 $0x1082  }
0x22: {  	[simem:s7], [sflag:s8] =	dma.local @!p0 [hbm:s6], $0xF7A  }
0x23: {  	s9 =	sor.u32 $0xD0000000, s2;
	s6 =	simm.s32 $0x108;
	_ =	swait.ge @!p0 [sflag:s8], $0x0  }
0x24: {  	s3 =	sadd.s32 $0x88, s3;
	s6 =	simm.s32 @!p1 $0x1082;
	[sflag:s4] =	ssyncset.s32 $0xFFFFF086  }
0x25: {  	[simem:s6], [sflag:s4] =	dma.local [hbm:s3], $0xF7A  }
0x26: {  	[smem:$0x3F90] =	sst s1;
	(tag) =	ssettag s2;
	_ =	strace s9  }
0x27: {  	s1 =	sld [smem:$0x3FA0]  }
0x28: {  	s2 =	sld [smem:$0x3FA1]  }
0x29: {  	s4 =	sld [smem:$0x3FA3]  }
0x2a: {  	p0 =	seq.s32 s5, $0x0;
	s5 =	sld [smem:$0x3FA4]  }
0x2b: {  	s6 =	sld [smem:$0x3FA5]  }
0x2c: {  	s7 =	sld [smem:$0x3FA6]  }
0x2d: {  	s3 =	simm.s32 $0x108;
	s8 =	sld [smem:$0x3FA7]  }
0x2e: {  	s3 =	simm.s32 @!p0 $0x1082;
	s9 =	sld [smem:$0x3FA8]  }
0x2f: {  	lr =	sadd.s32 s0, s3;
	s0 =	sld [smem:$0x3F9F]  }
0x30: {  	s3 =	sld [smem:$0x3FA2]  }
0x31: {  	[smem:$0x3FAB] =	sst s10  }
0x32: {  	s10 =	sld [smem:$0x3FA9];
	_ =	sdelay $0x3  }
0x33: {  	p0 =	seq.s32 s10, $0x1;
	s10 =	sld [smem:$0x3FAB];
	_ =	sdelay $0x3  }
0x34: {  	[smem:$0x3FAB] =	sst s10  }
0x35: {  	s10 =	sld [smem:$0x3FAA];
	_ =	sdelay $0x3  }
0x36: {  	p1 =	seq.s32 s10, $0x1;
	s10 =	sld [smem:$0x3FAB];
	_ =	sdelay $0x3  }
0x37: {  	[smem:$0x3FAB] =	sst s10  }
0x38: {  	s10 =	sld [smem:$0x3FAC]  }
0x39: {  	_ = 	snop;
	(pc) =	sbr.ind lr, $3  }
0x3a: {  	_ = 	snop  }
0x3b: {  	_ = 	snop  }
0x3c: {  	p2 =	seq.s32 s10, $0x1;
	s10 =	sld [smem:$0x3FAB]  }
0x3d: {  	_ =	shalt  }
0x3e: {  	_ =	shalt  }
0x3f: {  	_ =	shalt  }
0x40: {  	_ =	shalt  }
0x41: {  	_ =	shalt  }
0x42: {  	_ =	shalt  }
0x43: {  	_ =	shalt  }
0x44: {  	_ =	shalt  }
0x45: {  	_ =	shalt  }
0x46: {  	_ =	shalt  }
0x47: {  	_ =	shalt  }
0x48: {  	_ =	shalt  }
0x49: {  	_ =	shalt  }
0x4a: {  	_ =	shalt  }
0x4b: {  	_ =	shalt  }
0x4c: {  	_ =	shalt  }
0x4d: {  	_ =	shalt  }
0x4e: {  	_ =	shalt  }
0x4f: {  	_ =	shalt  }
0x50: {  	_ =	shalt  }
0x51: {  	_ =	shalt  }
0x52: {  	_ =	shalt  }
0x53: {  	_ =	shalt  }
0x54: {  	_ =	shalt  }
0x55: {  	_ =	shalt  }
0x56: {  	_ =	shalt  }
0x57: {  	_ =	shalt  }
0x58: {  	_ =	shalt  }
0x59: {  	_ =	shalt  }
0x5a: {  	_ =	shalt  }
0x5b: {  	_ =	shalt  }
0x5c: {  	_ =	shalt  }
0x5d: {  	_ =	shalt  }
0x5e: {  	_ =	shalt  }
0x5f: {  	_ =	shalt  }
0x60: {  	_ =	shalt  }
0x61: {  	_ =	shalt  }
0x62: {  	_ =	shalt  }
0x63: {  	_ =	shalt  }
0x64: {  	_ =	shalt  }
0x65: {  	_ =	shalt  }
0x66: {  	_ =	shalt  }
0x67: {  	_ =	shalt  }
0x68: {  	_ =	shalt  }
0x69: {  	_ =	shalt  }
0x6a: {  	_ =	shalt  }
0x6b: {  	_ =	shalt  }
0x6c: {  	_ =	shalt  }
0x6d: {  	_ =	shalt  }
0x6e: {  	_ =	shalt  }
0x6f: {  	_ =	shalt  }
0x70: {  	_ =	shalt  }
0x71: {  	_ =	shalt  }
0x72: {  	_ =	shalt  }
0x73: {  	_ =	shalt  }
0x74: {  	_ =	shalt  }
0x75: {  	_ =	shalt  }
0x76: {  	_ =	shalt  }
0x77: {  	_ =	shalt  }
0x78: {  	_ =	shalt  }
0x79: {  	_ =	shalt  }
0x7a: {  	_ =	shalt  }
0x7b: {  	_ =	shalt  }
0x7c: {  	_ =	shalt  }
0x7d: {  	_ =	shalt  }
0x7e: {  	_ =	shalt  }
0x7f: {  	_ =	shalt  }
0x80: {  	_ =	shalt  }
0x81: {  	_ =	shalt  }
0x82: {  	_ =	shalt  }
0x83: {  	_ =	shalt  }
0x84: {  	_ =	shalt  }
0x85: {  	_ =	shalt  }
0x86: {  	_ =	shalt  }
0x87: {  	_ =	shalt  }
.Lfunc_end0:
.L_simem_size_0:
called_computation.1_lowered:
.L_overlay_start_0:
0x88: {  	s2 =	sld [smem:$0x3FD9]  }
0x89: {  	s3 =	sld [smem:$0x3FFE];
	_ =	sdelay $0x1  }
0x8a: {  	s1 =	srdreg.scid  }
0x8b: {  	s0 =	sand.u32 $0x1, s1  }
0x8c: {  	s16 =	sshll.u32 s0, $0xA;
	s2 =	sadd.s32 s3, s2  }
0x8d: {  	s2 =	sadd.s32 s2, s16  }
0x8e: {  	[smem:$0x3FB7] =	sst s2  }
0x8f: {  	_ = 	snop  }
0x90: {  	(tm) =	ssettm $0x1  }
0x91: {  	s17 =	sld [smem:$0x3FFB];
	_ =	sdelay $0x3  }
0x92: {  	_ =	strace s17  }
0x93: {  	s2 =	sld [smem:$0x3FFC];
	_ =	sdelay $0x3  }
0x94: {  	_ =	strace s2  }
0x95: {  	s2 =	sld [smem:$0x3FFD];
	_ =	sdelay $0x3  }
0x96: {  	_ =	strace s2  }
0x97: {  	_ =	strace $0x8FFFFFFF  }
0x98: {  	s18 =	sld [smem:$0x3FDB];
	_ =	sdelay $0x1  }
0x99: {  	s19 =	simm.s32 $_scs_section_size  }
0x9a: {  	s4 =	simm.s32 $_size__tile_overlayer_lowered;
	s5 =	simm.s32 $_tile_overlayer_lowered  }
0x9b: {  	s22 =	simm.s32 $0x1BFF;
	s21 =	sshll.u32 s5, $0x1;
	s2 =	sadd.s32 s19, s18  }
0x9c: {  	s6 =	simm.s32 $0x0;
	s20 =	sshll.u32 s4, $0x1;
	s4 =	sadd.s32 s21, s2  }
0x9d: {  	[timem:s6], [sflag:s22] =	dma.local [hbm:s4], s20  }
0x9e: {  	_ =	swait.ge [sflag:s22], s20  }
0x9f: {  	s3 =	ssub.s32 $0x0, s20;
	[sflag:s22] =	ssyncset.done $0x0  }
0xa0: {  	[sflag:s22] =	ssyncadd.s32 s3;
	_ =	sdelay $0x1  }
0xa1: {  	s23 =	simm.s32 $0x1B8B  }
0xa2: {  	_ =	swait.ge [sflag:s23], $0x1  }
0xa3: {  	[sflag:s23] =	ssyncset.done $0x0  }
0xa4: {  	s25 =	simm.s32 $0x1B8E;
	s24 =	sld [smem:$0x3FFE];
	[sflag:s23] =	ssyncadd.s32 $0xFFFFFFFF  }
0xa5: {  	s26 =	simm.s32 $execute0_lowered;
	[smem:$0x3FD2] =	sst s25  }
0xa6: {  	s4 =	sshll.u32 s26, $0x1;
	_ =	strace $0x80000049;
	[dreg:$0x1] =	wrdreg $0xFFFFFFFF  }
0xa7: {  	s28 =	simm.s32 $_size_execute0_lowered;
	s2 =	sadd.s32 s2, s4;
	[dreg:$0x0] =	wrdreg $0x0  }
0xa8: {  	s4 =	sshll.u32 s28, $0x1;
	[dreg:$0x2] =	wrdreg s2  }
0xa9: {  	[dreg:$0x3] =	wrdreg s4  }
0xaa: {  	[dreg:$0x4] =	wrdreg $0xC0  }
0xab: {  	_ =	task [dreg:s6], $0x5FFFF  }
0xac: {  	[dreg:$0x1] =	wrdreg $0xFFFFFFFF  }
0xad: {  	[dreg:$0x0] =	wrdreg $0x60  }
0xae: {  	[dreg:$0x2] =	wrdreg s24  }
0xaf: {  	[dreg:$0x3] =	wrdreg $0xB8000  }
0xb0: {  	[dreg:$0x4] =	wrdreg $0x9  }
0xb1: {  	_ =	task.clear_ibuf [dreg:s6], $0x5FFFF;
	_ =	strace $0x90000049  }
0xb2: {  	s29 =	simm.s32 $0x9;
	_ =	strace $0x8000004B  }
0xb3: {  	_ =	swait.ge [sflag:s29], $0x1  }
0xb4: {  	[sflag:s29] =	ssyncadd.s32 $0xFFFFFFFF  }
0xb5: {  	_ =	strace $0x9000004B  }
0xb6: {  	_ =	sfence  }
0xb7: {  	s30 =	sld [smem:$0x0];
	_ =	sdelay $0x2  }
0xb8: {  	s31 =	sshll.u32 s1, $0xD;
	s1 =	sshrl.u32 s1, $0x2  }
0xb9: {  	s3 =	sand.u32 $0x4000, s31;
	s1 =	sadd.s32 s1, s30  }
0xba: {  	s0 =	sor.u32 s3, s0;
	s1 =	sshll.u32 s1, $0x11  }
0xbb: {  	s0 =	sor.u32 s1, s0  }
0xbc: {  	s0 =	sadd.s32 $0x8F2B, s0  }
0xbd: {  	[sflag:s0] =	ssyncadd.remote.s32 $0x1  }
0xbe: {  	_ =	sfence.sel $0xFFFF  }
0xbf: {  	[dreg:$0x0] =	wrdreg $0xFFFFFFFF;
	(pc) =	sbr.abs _section_cstart, $3  }
0xc0: {  	[dreg:$0x1] =	wrdreg $0xFFFFFFFF  }
0xc1: {  	_ =	task.clear_ibuf [dreg:s6], $0x2FFFF;
	_ =	strace $0x9FFFFFFF  }
0xc2: {  	(tm) =	ssettm $0x7FFFFFFF  }
0xc3: {  	_ =	shalt  }
tec
execute0_lowered:
.L_overlay_start_1:
0x0: {  	(tag) =	ssettag $0x1  }
0x1: {  	s5 =	rddreg [dreg:$0x0]  }
0x2: {  	s2 =	rddreg [dreg:$0x1];
	s3 =	srdreg.scid  }
0x3: {  	s0 =	rddreg [dreg:$0x2];
	s1 =	stileid.u32  }
0x4: {  	s15 =	simm.s32 $0x2;
	s16 =	simm.s32 $0x2800;
	s17 =	simm.s32 $0x5000  }
0x5: {  	s18 =	simm.s32 $0x7800;
	s19 =	simm.s32 $0x80;
	s20 =	simm.s32 $0x1  }
0x6: {  	s23 =	simm.s32 $0x0;
	s6 =	sand.u32 $0x1, s3;
	s8 =	smul.u32 $0x14000, s1  }
0x7: {  	s3 =	simm.s32 $0x0;
	s4 =	sshll.u32 s1, $0x1;
	s29 =	smul.u32 $0x50000, s1  }
0x8: {  	s21 =	sshll.u32 s1, $0x6;
	s7 =	smul.u32 $0x140000, s6;
	[smem:$0x7FF] =	sst s3  }
0x9: {  	s4 =	sor.u32 s6, s4;
	s6 =	ssub.s32 $0x2, s6;
	s21 =	sor.u32 $0x1C02, s21  }
0xa: {  	_ =	strace $0x8000004A;
	s9 =	smul.u32 $0x500, s4;
	s4 =	sadd.s32 $0x22A00, s5  }
0xb: {  	s30 =	sshrl.u32 s6, $0x1;
	s31 =	sshrl.u32 s29, $0x2;
	s7 =	sadd.s32 s8, s7  }
0xc: {  	s14 =	ssub.s32 s6, s30;
	s6 =	sadd.s32 s31, s2;
	s9 =	sadd.s32 s9, s5  }
0xd: {  	s7 =	sshrl.u32 s7, $0x3;
	s10 =	sadd.s32 $0x8000, s6;
	s11 =	sadd.s32 $0xC000, s6  }
0xe: {  	s12 =	sadd.s32 $0x10000, s6;
	s14 =	smax.u32 s14, $0x1;
	s22 =	sshrl.u32 s6, $0x3  }
0xf: {  	s13 =	sadd.s32 s7, s5;
	s5 =	sadd.s32 $0x18A00, s9;
	s7 =	sadd.s32 $0x4000, s9  }
0x10: {  	v0 =	vimm.f32 $0.0e+00;
	s8 =	sadd.s32 $0xE000, s9;
	s9 =	sadd.s32 $0x4000, s6;
	s13 =	sadd.s32 $0x49C00, s13  }
.LBB2_1:
0x11: {  	[tilespmem:s3], [sflag:$0x2] =	stream.linear.gather [hbm4b:s5+s3], $0x2800, $0x38;
	[tilespmem:$0x1F800] =	vst v63  }
0x12: {  	_ =	swait.ge [sflag:s15], $0x2800  }
0x13: {  	[sflag:s15] =	ssyncset.done $0x0  }
0x14: {  	[sflag:s15] =	ssyncadd.s32 $0xFFFFD800  }
0x15: {  	[tilespmem:s16], [sflag:$0x2] =	stream.linear.gather [hbm4b:s7+s3], $0x2800, $0x38;
	[tilespmem:$0x1F800] =	vst v63  }
0x16: {  	_ =	swait.ge [sflag:s15], $0x2800  }
0x17: {  	[sflag:s15] =	ssyncset.done $0x0  }
0x18: {  	[sflag:s15] =	ssyncadd.s32 $0xFFFFD800  }
0x19: {  	[tilespmem:s17], [sflag:$0x2] =	stream.linear.gather [hbm4b:s8+s3], $0x2800, $0x38;
	[tilespmem:$0x1F800] =	vst v63  }
0x1a: {  	_ =	swait.ge [sflag:s15], $0x2800  }
0x1b: {  	[sflag:s15] =	ssyncset.done $0x0  }
0x1c: {  	s24 =	simm.s32 $0x0;
	s25 =	simm.s32 $0x200;
	[sflag:s15] =	ssyncadd.s32 $0xFFFFD800  }
.LBB2_2:
0x1d: {  	p0 =	sne.s32 s25, $0xFE00;
	[tilespmem:s24+$0x7870] =	vst v0  }
0x1e: {  	[tilespmem:s24+$0x7800] =	vst v0  }
0x1f: {  	[tilespmem:s24+$0x7810] =	vst v0  }
.Ltmp0:
0x20: {  	[tilespmem:s24+$0x7820] =	vst v0;
	(pc) =	sbr.rel @p0 .LBB2_2-.Ltmp0, $4  }
0x21: {  	[tilespmem:s24+$0x7830] =	vst v0  }
0x22: {  	[tilespmem:s24+$0x7840] =	vst v0  }
0x23: {  	[tilespmem:s24+$0x7850] =	vst v0  }
0x24: {  	[tilespmem:s24+$0x7860] =	vst v0;
	s24 =	sshra.s32 s25, $0x2;
	s25 =	sadd.s32 $0x200, s25  }
0x25: {  	[tilespmem:s24+$0x7870] =	vst v0  }
0x26: {  	[tilespmem:s24+$0x7800] =	vst v0  }
0x27: {  	[tilespmem:s24+$0x7810] =	vst v0  }
0x28: {  	[tilespmem:s24+$0x7820] =	vst v0  }
0x29: {  	[tilespmem:s24+$0x7830] =	vst v0  }
0x2a: {  	[tilespmem:s24+$0x7840] =	vst v0  }
0x2b: {  	[tilespmem:s24+$0x7850] =	vst v0  }
0x2c: {  	[tilespmem:s24+$0x7860] =	vst v0  }
0x2d: {  	[spmem:s6] =	stream.linear.scatter [tilespmem:s18], [sflag:$0x2], $0x4000, $0x38;
	[tilespmem:$0x1F800] =	vst v63  }
0x2e: {  	_ =	swait.ge [sflag:s15], $0x4000  }
0x2f: {  	[sflag:s15] =	ssyncset.done $0x0  }
0x30: {  	[sflag:s15] =	ssyncadd.s32 $0xFFFFC000  }
0x31: {  	[spmem:s9] =	stream.linear.scatter [tilespmem:s18], [sflag:$0x2], $0x4000, $0x38;
	[tilespmem:$0x1F800] =	vst v63  }
0x32: {  	_ =	swait.ge [sflag:s15], $0x4000  }
0x33: {  	[sflag:s15] =	ssyncset.done $0x0  }
0x34: {  	[sflag:s15] =	ssyncadd.s32 $0xFFFFC000  }
0x35: {  	[spmem:s10] =	stream.linear.scatter [tilespmem:s18], [sflag:$0x2], $0x4000, $0x38;
	[tilespmem:$0x1F800] =	vst v63  }
0x36: {  	_ =	swait.ge [sflag:s15], $0x4000  }
0x37: {  	[sflag:s15] =	ssyncset.done $0x0  }
0x38: {  	[sflag:s15] =	ssyncadd.s32 $0xFFFFC000  }
0x39: {  	[spmem:s11] =	stream.linear.scatter [tilespmem:s18], [sflag:$0x2], $0x4000, $0x38;
	[tilespmem:$0x1F800] =	vst v63  }
0x3a: {  	_ =	swait.ge [sflag:s15], $0x4000  }
0x3b: {  	[sflag:s15] =	ssyncset.done $0x0  }
0x3c: {  	[sflag:s15] =	ssyncadd.s32 $0xFFFFC000  }
0x3d: {  	[spmem:s12] =	stream.linear.scatter [tilespmem:s18], [sflag:$0x2], $0x4000, $0x38;
	[tilespmem:$0x1F800] =	vst v63  }
0x3e: {  	_ =	swait.ge [sflag:s15], $0x4000  }
0x3f: {  	[sflag:s15] =	ssyncset.done $0x0  }
0x40: {  	[sflag:s15] =	ssyncadd.s32 $0xFFFFC000  }
0x41: {  	s24 =	simm.s32 $0x0;
	s25 =	simm.s32 $0x0;
	[bflag:$0x0] =	sbarrier.arrive $0xFFFF  }
.LBB2_4:
0x42: {  	s26 =	sshll.u32 s25, $0x7  }
0x43: {  	[tilespmem:s18], [sflag:$0x1] =	stream.indirect.gather [hbm4b:s4+s19], $0x80, s26, s19, $0xb8;
	[tilespmem:$0x1F800] =	vst v63  }
0x44: {  	s28 =	simm.s32 $0x1;
	_ =	swait.ge [sflag:s20], $0x4000  }
0x45: {  	v3 =	vmov s28;
	s28 =	simm.s32 $0x7;
	[sflag:s20] =	ssyncset.done $0x0  }
0x46: {  	v1 =	vmov s24;
	v4 =	vmov s28;
	s28 =	simm.s32 $0x7A00;
	[sflag:s20] =	ssyncadd.s32 $0xFFFFC000  }
0x47: {  	v2 =	vmov s26;
	v1 =	vand.u32 $0x78, v1;
	v6 =	vld [tilespmem:s28+$0xFFFFFE10]  }
0x48: {  	v1 =	vor.u32 v2, v1;
	v4 =	vand.u32 $0x7F, v4;
	v7 =	vld [tilespmem:s28+$0xFFFFFE20]  }
0x49: {  	v1 =	vbroadcast v1, $0x0;
	v4 =	vor.u32 v2, v4;
	v8 =	vld [tilespmem:s28+$0xFFFFFE30]  }
0x4a: {  	v4 =	vbroadcast v4, $0x0;
	v9 =	vld [tilespmem:s28+$0xFFFFFE40]  }
0x4b: {  	v10 =	vld [tilespmem:s28+$0xFFFFFE50]  }
0x4c: {  	v11 =	vld [tilespmem:s28+$0xFFFFFE60]  }
0x4d: {  	v3 =	vand.u32 $0x79, v3;
	v13 =	vld [tilespmem:s28+$0x1F0]  }
0x4e: {  	v3 =	vor.u32 v2, v3;
	v14 =	vld [tilespmem:s28+$0xFFFFFE80]  }
0x4f: {  	v3 =	vbroadcast v3, $0x0;
	v5 =	vld.idx.msk [tilespmem:v1+s17+$0x0], $0xffff  }
0x50: {  	v1 =	vld.idx.msk [tilespmem:v4+s17+$0x0], $0xffff  }
0x51: {  	v4 =	vld [tilespmem:s28+$0xFFFFFE00]  }
0x52: {  	v15 =	vld [tilespmem:s28+$0xFFFFFE90]  }
0x53: {  	v16 =	vld [tilespmem:s28+$0xFFFFFEA0]  }
0x54: {  	v17 =	vld [tilespmem:s28+$0xFFFFFEB0];
	v6 =	vmul.f32 v6, v5  }
0x55: {  	v3 =	vld.idx.msk [tilespmem:v3+s17+$0x0], $0xffff;
	v7 =	vmul.f32 v7, v5  }
0x56: {  	s29 =	simm.s32 $0x2;
	v18 =	vld [tilespmem:s28+$0xFFFFFEC0];
	v4 =	vmul.f32 v4, v5;
	[tilespmem:s28+$0xFFFFFE10] =	vst v6  }
0x57: {  	v12 =	vmov s29;
	v8 =	vmul.f32 v8, v5;
	v6 =	vld [tilespmem:s28+$0xFFFFFEE0];
	[tilespmem:s28+$0xFFFFFE20] =	vst v7  }
0x58: {  	v13 =	vmul.f32 v13, v1;
	v7 =	vmul.f32 v9, v5;
	v9 =	vld [tilespmem:s28+$0xFFFFFEF0];
	[tilespmem:s28+$0xFFFFFE00] =	vst v4;
	v4 =	vand.u32 $0x7A, v12  }
0x59: {  	[tilespmem:s28+$0xFFFFFE30] =	vst v8;
	v8 =	vmul.f32 v10, v5;
	v12 =	vld [tilespmem:s28+$0xFFFFFE70];
	v4 =	vor.u32 v2, v4  }
0x5a: {  	v10 =	vld [tilespmem:s28+$0xFFFFFF00];
	[tilespmem:s28+$0x1F0] =	vst v13;
	v13 =	vmul.f32 v14, v3;
	v4 =	vbroadcast v4, $0x0  }
0x5b: {  	s29 =	simm.s32 $0x3;
	v14 =	vld [tilespmem:s28+$0xFFFFFED0];
	[tilespmem:s28+$0xFFFFFE40] =	vst v7  }
0x5c: {  	v7 =	vmul.f32 v11, v5;
	v11 =	vld [tilespmem:s28+$0xFFFFFF10];
	[tilespmem:s28+$0xFFFFFE80] =	vst v13;
	v13 =	vmov s29  }
0x5d: {  	v18 =	vmul.f32 v18, v3;
	[tilespmem:s28+$0xFFFFFE50] =	vst v8;
	v8 =	vld [tilespmem:s28+$0xFFFFFF20];
	v13 =	vand.u32 $0x7B, v13  }
0x5e: {  	[tilespmem:s28+$0xFFFFFE60] =	vst v7;
	v7 =	vmul.f32 v15, v3;
	v15 =	vld [tilespmem:s28+$0xFFFFFF40];
	v13 =	vor.u32 v2, v13;
	v5 =	vmul.f32 v12, v5  }
0x5f: {  	v6 =	vmul.f32 v6, v3;
	v13 =	vbroadcast v13, $0x0;
	v12 =	vld [tilespmem:s28+$0xFFFFFF30]  }
0x60: {  	v14 =	vmul.f32 v14, v3;
	[tilespmem:s28+$0xFFFFFE70] =	vst v5;
	v5 =	vmul.f32 v16, v3;
	v4 =	vld.idx.msk [tilespmem:v4+s17+$0x0], $0xffff  }
0x61: {  	[tilespmem:s28+$0xFFFFFE90] =	vst v7;
	v16 =	vmul.f32 v17, v3;
	v3 =	vmul.f32 v9, v3;
	v9 =	vld [tilespmem:s28+$0xFFFFFF90]  }
0x62: {  	[tilespmem:s28+$0xFFFFFED0] =	vst v14;
	v14 =	vld [tilespmem:s28+$0xFFFFFFD0]  }
0x63: {  	[tilespmem:s28+$0xFFFFFEA0] =	vst v5;
	v5 =	vld [tilespmem:s28+$0xFFFFFF60]  }
0x64: {  	[tilespmem:s28+$0xFFFFFEB0] =	vst v16;
	v16 =	vld [tilespmem:s28+$0xFFFFFF70]  }
0x65: {  	[tilespmem:s28+$0xFFFFFEE0] =	vst v6;
	v13 =	vld.idx.msk [tilespmem:v13+s17+$0x0], $0xffff;
	v7 =	vmul.f32 v10, v4  }
0x66: {  	s29 =	simm.s32 $0x4;
	[tilespmem:s28+$0xFFFFFEF0] =	vst v3;
	v10 =	vld [tilespmem:s28+$0xFFFFFF50];
	v6 =	vmul.f32 v11, v4  }
0x67: {  	v17 =	vmov s29;
	v11 =	vld [tilespmem:s28+$0xFFFFFFA0];
	v3 =	vmul.f32 v8, v4;
	[tilespmem:s28+$0xFFFFFF00] =	vst v7  }
0x68: {  	v15 =	vmul.f32 v15, v4;
	v7 =	vand.u32 $0x7C, v17;
	v17 =	vld [tilespmem:s28+$0xFFFFFF80];
	[tilespmem:s28+$0xFFFFFF10] =	vst v6  }
0x69: {  	v8 =	vld [tilespmem:s28+$0xFFFFFFB0];
	v5 =	vmul.f32 v5, v4;
	[tilespmem:s28+$0xFFFFFF20] =	vst v3;
	v7 =	vor.u32 v2, v7  }
0x6a: {  	v6 =	vmul.f32 v12, v4;
	v12 =	vld [tilespmem:s28+$0xFFFFFFC0];
	[tilespmem:s28+$0xFFFFFF40] =	vst v15;
	v7 =	vbroadcast v7, $0x0  }
0x6b: {  	v15 =	vld [tilespmem:s28+$0xFFFFFFF0];
	[tilespmem:s28+$0xFFFFFF60] =	vst v5;
	v5 =	vmul.f32 v9, v13  }
0x6c: {  	v9 =	vld [tilespmem:s28+$0x10];
	[tilespmem:s28+$0xFFFFFF30] =	vst v6;
	v10 =	vmul.f32 v10, v4  }
0x6d: {  	s29 =	simm.s32 $0x5;
	v6 =	vld [tilespmem:s28+$0xFFFFFFE0];
	[tilespmem:s28+$0xFFFFFF90] =	vst v5;
	v3 =	vmul.f32 v17, v13  }
0x6e: {  	v4 =	vmul.f32 v16, v4;
	v5 =	vmul.f32 v8, v13;
	v8 =	vld [tilespmem:s28+$0x30];
	v17 =	vmov s29;
	[tilespmem:s28+$0xFFFFFF50] =	vst v10  }
0x6f: {  	v14 =	vmul.f32 v14, v13;
	v10 =	vld [tilespmem:s28+$0x0];
	[tilespmem:s28+$0xFFFFFF80] =	vst v3;
	v3 =	vand.u32 $0x7D, v17  }
0x70: {  	[tilespmem:s28+$0xFFFFFF70] =	vst v4;
	v4 =	vmul.f32 v11, v13;
	v7 =	vld.idx.msk [tilespmem:v7+s17+$0x0], $0xffff;
	v3 =	vor.u32 v2, v3  }
0x71: {  	[tilespmem:s28+$0xFFFFFFD0] =	vst v14;
	v14 =	vld [tilespmem:s28+$0x70];
	v3 =	vbroadcast v3, $0x0  }
0x72: {  	v11 =	vld [tilespmem:s28+$0x20];
	[tilespmem:s28+$0xFFFFFFA0] =	vst v4;
	v4 =	vmul.f32 v12, v13  }
0x73: {  	[tilespmem:s28+$0xFFFFFFB0] =	vst v5;
	v12 =	vld [tilespmem:s28+$0x40];
	v6 =	vmul.f32 v6, v13;
	v13 =	vmul.f32 v15, v13  }
0x74: {  	[tilespmem:s28+$0xFFFFFFC0] =	vst v4;
	v4 =	vld [tilespmem:s28+$0x60]  }
0x75: {  	s29 =	simm.s32 $0x6;
	[tilespmem:s28+$0xFFFFFFF0] =	vst v13;
	v13 =	vld [tilespmem:s28+$0x90];
	v5 =	vmul.f32 v10, v7  }
0x76: {  	v16 =	vmov s29;
	[tilespmem:s28+$0xFFFFFFE0] =	vst v6;
	v10 =	vld [tilespmem:s28+$0x50];
	v6 =	vmul.f32 v9, v7  }
0x77: {  	v11 =	vmul.f32 v11, v7;
	v3 =	vld.idx.msk [tilespmem:v3+s17+$0x0], $0xffff;
	[tilespmem:s28+$0x0] =	vst v5;
	v5 =	vand.u32 $0x7E, v16  }
0x78: {  	v9 =	vld [tilespmem:s28+$0x80];
	[tilespmem:s28+$0x10] =	vst v6;
	v6 =	vmul.f32 v8, v7;
	v5 =	vor.u32 v2, v5  }
0x79: {  	[tilespmem:s28+$0x20] =	vst v11;
	v11 =	vmul.f32 v12, v7;
	v12 =	vld [tilespmem:s28+$0xB0];
	v5 =	vbroadcast v5, $0x0  }
0x7a: {  	v4 =	vmul.f32 v4, v7;
	v8 =	vld [tilespmem:s28+$0xA0];
	[tilespmem:s28+$0x30] =	vst v6  }
0x7b: {  	[tilespmem:s28+$0x40] =	vst v11;
	v11 =	vld [tilespmem:s28+$0xD0];
	v6 =	vmul.f32 v10, v7  }
0x7c: {  	[tilespmem:s28+$0x60] =	vst v4;
	v10 =	vld [tilespmem:s28+$0xC0];
	v4 =	vmul.f32 v13, v3  }
0x7d: {  	[tilespmem:s28+$0x50] =	vst v6;
	v6 =	vld [tilespmem:s28+$0xE0]  }
0x7e: {  	v9 =	vmul.f32 v9, v3;
	[tilespmem:s28+$0x90] =	vst v4;
	v4 =	vmul.f32 v12, v3;
	v12 =	vld [tilespmem:s28+$0x110]  }
0x7f: {  	[tilespmem:s28+$0xFFFFFEC0] =	vst v18;
	v17 =	vld.idx.msk [tilespmem:v5+s17+$0x0], $0xffff;
	v5 =	vmul.f32 v14, v7  }
0x80: {  	s29 =	simm.s32 $0x8;
	[tilespmem:s28+$0x80] =	vst v9;
	v7 =	vld [tilespmem:s28+$0xF0]  }
0x81: {  	s30 =	simm.s32 $0xB;
	v9 =	vmov s29;
	s29 =	simm.s32 $0x9;
	[tilespmem:s28+$0x70] =	vst v5;
	v5 =	vmul.f32 v8, v3;
	v8 =	vld [tilespmem:s28+$0x100]  }
0x82: {  	v15 =	vmov s30;
	s30 =	simm.s32 $0xD;
	v13 =	vmov s29;
	s29 =	simm.s32 $0xA;
	[tilespmem:s28+$0xB0] =	vst v4;
	v4 =	vmul.f32 v11, v3  }
0x83: {  	v18 =	vmov s30;
	v14 =	vmov s29;
	s29 =	simm.s32 $0xC;
	[tilespmem:s28+$0xA0] =	vst v5;
	v5 =	vmul.f32 v10, v3;
	v10 =	vld [tilespmem:s28+$0x120]  }
0x84: {  	v9 =	vand.u32 $0x78, v9;
	v11 =	vld [tilespmem:s28+$0x130];
	v16 =	vmov s29;
	[tilespmem:s28+$0xD0] =	vst v4;
	v12 =	vmul.f32 v12, v17  }
0x85: {  	v19 =	vld [tilespmem:s28+$0x140];
	s29 =	simm.s32 $0xE;
	[tilespmem:s28+$0xC0] =	vst v5;
	v5 =	vmul.f32 v6, v3;
	v6 =	vor.u32 v2, v9;
	v3 =	vmul.f32 v7, v3  }
0x86: {  	v7 =	vmov s29;
	v9 =	vand.u32 $0x79, v13;
	v4 =	vmul.f32 v8, v17;
	v8 =	vld [tilespmem:s28+$0x150];
	[tilespmem:s28+$0x110] =	vst v12  }
0x87: {  	v20 =	vld [tilespmem:s28+$0x160];
	v13 =	vand.u32 $0x7A, v14;
	v14 =	vand.u32 $0x7C, v16;
	[tilespmem:s28+$0xE0] =	vst v5;
	v5 =	vand.u32 $0x7B, v15  }
0x88: {  	[tilespmem:s28+$0xF0] =	vst v3;
	v3 =	vand.u32 $0x7D, v18;
	v15 =	vand.u32 $0x7E, v7;
	v18 =	vld [tilespmem:s28+$0x170];
	v7 =	vmul.f32 v10, v17  }
0x89: {  	v9 =	vor.u32 v2, v9;
	[tilespmem:s28+$0x100] =	vst v4;
	v4 =	vbroadcast v6, $0x0;
	v10 =	vmul.f32 v11, v17;
	v6 =	vld [tilespmem:s28+$0x180]  }
0x8a: {  	v14 =	vor.u32 v2, v14;
	v11 =	vor.u32 v2, v13;
	v13 =	vmul.f32 v19, v17;
	[tilespmem:s28+$0x120] =	vst v7;
	v7 =	vld [tilespmem:s28+$0x190]  }
0x8b: {  	v12 =	vor.u32 v2, v5;
	v5 =	vbroadcast v9, $0x0;
	[tilespmem:s28+$0x130] =	vst v10;
	v19 =	vmul.f32 v8, v17;
	v8 =	vld [tilespmem:s28+$0x1A0]  }
0x8c: {  	v16 =	vor.u32 v2, v3;
	v9 =	vld [tilespmem:s28+$0x1B0];
	v10 =	vbroadcast v11, $0x0;
	[tilespmem:s28+$0x140] =	vst v13;
	v13 =	vmul.f32 v20, v17  }
0x8d: {  	s30 =	simm.s32 $0xF;
	s29 =	simm.s32 $0x10;
	v15 =	vor.u32 v2, v15;
	v12 =	vbroadcast v12, $0x0;
	v11 =	vld [tilespmem:s28+$0x1C0];
	v17 =	vmul.f32 v18, v17;
	[tilespmem:s28+$0x150] =	vst v19  }
.LBB2_5:
0x8e: {  	p0 =	slt.u32 s29, $0x78;
	v3 =	vbroadcast v14, $0x0;
	v14 =	vmov s30;
	[tilespmem:s28+$0x160] =	vst v13;
	v6 =	vmul.f32 v6, v1;
	v13 =	vld [tilespmem:s28+$0x1D0]  }
0x8f: {  	v16 =	vbroadcast v16, $0x0;
	v14 =	vand.u32 $0x7F, v14;
	[tilespmem:s28+$0x170] =	vst v17;
	v7 =	vmul.f32 v7, v1;
	v17 =	vld [tilespmem:s28+$0x1E0]  }
0x90: {  	v15 =	vbroadcast v15, $0x0;
	v18 =	vld.idx.msk [tilespmem:v4+s17+$0x0], $0xffff;
	v4 =	vor.u32 v2, v14;
	[tilespmem:s28+$0x180] =	vst v6;
	v6 =	vmul.f32 v8, v1  }
0x91: {  	v8 =	vld.idx.msk [tilespmem:v5+s17+$0x0], $0xffff;
	v14 =	vbroadcast v4, $0x0;
	[tilespmem:s28+$0x190] =	vst v7;
	v4 =	vmul.f32 v9, v1  }
0x92: {  	v7 =	vld.idx.msk [tilespmem:v10+s17+$0x0], $0xffff;
	[tilespmem:s28+$0x1A0] =	vst v6;
	v9 =	vmul.f32 v11, v1  }
0x93: {  	v6 =	vld.idx.msk [tilespmem:v12+s17+$0x0], $0xffff;
	[tilespmem:s28+$0x1B0] =	vst v4;
	v10 =	vmul.f32 v13, v1  }
0x94: {  	v5 =	vld.idx.msk [tilespmem:v3+s17+$0x0], $0xffff;
	[tilespmem:s28+$0x1C0] =	vst v9;
	v1 =	vmul.f32 v17, v1  }
0x95: {  	v4 =	vld.idx.msk [tilespmem:v16+s17+$0x0], $0xffff;
	[tilespmem:s28+$0x1D0] =	vst v10  }
0x96: {  	v3 =	vld.idx.msk [tilespmem:v15+s17+$0x0], $0xffff;
	[tilespmem:s28+$0x1E0] =	vst v1  }
0x97: {  	s28 =	sadd.s32 $0x400, s28;
	v1 =	vld.idx.msk [tilespmem:v14+s17+$0x0], $0xffff  }
0x98: {  	v9 =	vld [tilespmem:s28+$0x1F0]  }
0x99: {  	v10 =	vld [tilespmem:s28+$0xFFFFFE00]  }
0x9a: {  	v11 =	vld [tilespmem:s28+$0xFFFFFE10]  }
0x9b: {  	v12 =	vld [tilespmem:s28+$0xFFFFFE20]  }
0x9c: {  	v13 =	vld [tilespmem:s28+$0xFFFFFE30]  }
0x9d: {  	v14 =	vld [tilespmem:s28+$0xFFFFFE40];
	v9 =	vmul.f32 v9, v1  }
0x9e: {  	v10 =	vmul.f32 v10, v18;
	v15 =	vld [tilespmem:s28+$0xFFFFFE50]  }
0x9f: {  	v11 =	vmul.f32 v11, v18;
	v16 =	vld [tilespmem:s28+$0xFFFFFE60];
	[tilespmem:s28+$0x1F0] =	vst v9  }
0xa0: {  	[tilespmem:s28+$0xFFFFFE00] =	vst v10;
	v9 =	vmul.f32 v12, v18;
	v10 =	vld [tilespmem:s28+$0xFFFFFE70]  }
0xa1: {  	[tilespmem:s28+$0xFFFFFE10] =	vst v11;
	v11 =	vmul.f32 v13, v18;
	v12 =	vld [tilespmem:s28+$0xFFFFFE80]  }
0xa2: {  	[tilespmem:s28+$0xFFFFFE20] =	vst v9;
	v9 =	vmul.f32 v14, v18;
	v13 =	vld [tilespmem:s28+$0xFFFFFE90]  }
0xa3: {  	[tilespmem:s28+$0xFFFFFE30] =	vst v11;
	v11 =	vmul.f32 v15, v18;
	v14 =	vld [tilespmem:s28+$0xFFFFFEA0]  }
0xa4: {  	[tilespmem:s28+$0xFFFFFE40] =	vst v9;
	v9 =	vmul.f32 v16, v18;
	v15 =	vld [tilespmem:s28+$0xFFFFFEB0]  }
0xa5: {  	[tilespmem:s28+$0xFFFFFE50] =	vst v11;
	v10 =	vmul.f32 v10, v18;
	v11 =	vld [tilespmem:s28+$0xFFFFFEC0]  }
0xa6: {  	[tilespmem:s28+$0xFFFFFE60] =	vst v9;
	v9 =	vmul.f32 v12, v8;
	v12 =	vld [tilespmem:s28+$0xFFFFFED0]  }
0xa7: {  	[tilespmem:s28+$0xFFFFFE70] =	vst v10;
	v10 =	vmul.f32 v13, v8;
	v13 =	vld [tilespmem:s28+$0xFFFFFEE0]  }
0xa8: {  	[tilespmem:s28+$0xFFFFFE80] =	vst v9;
	v9 =	vmul.f32 v14, v8;
	v14 =	vld [tilespmem:s28+$0xFFFFFEF0]  }
0xa9: {  	[tilespmem:s28+$0xFFFFFE90] =	vst v10;
	v10 =	vmul.f32 v15, v8;
	v15 =	vld [tilespmem:s28+$0xFFFFFF00]  }
0xaa: {  	[tilespmem:s28+$0xFFFFFEA0] =	vst v9;
	v9 =	vmul.f32 v11, v8;
	v11 =	vld [tilespmem:s28+$0xFFFFFF10]  }
0xab: {  	[tilespmem:s28+$0xFFFFFEB0] =	vst v10;
	v10 =	vmul.f32 v12, v8;
	v12 =	vld [tilespmem:s28+$0xFFFFFF20]  }
0xac: {  	[tilespmem:s28+$0xFFFFFEC0] =	vst v9;
	v9 =	vmul.f32 v13, v8;
	v13 =	vld [tilespmem:s28+$0xFFFFFF30]  }
0xad: {  	[tilespmem:s28+$0xFFFFFED0] =	vst v10;
	v8 =	vmul.f32 v14, v8;
	v10 =	vld [tilespmem:s28+$0xFFFFFF40]  }
0xae: {  	[tilespmem:s28+$0xFFFFFEE0] =	vst v9;
	v9 =	vmul.f32 v15, v7;
	v14 =	vld [tilespmem:s28+$0xFFFFFF50]  }
0xaf: {  	[tilespmem:s28+$0xFFFFFEF0] =	vst v8;
	v8 =	vmul.f32 v11, v7;
	v11 =	vld [tilespmem:s28+$0xFFFFFF60]  }
0xb0: {  	[tilespmem:s28+$0xFFFFFF00] =	vst v9;
	v9 =	vmul.f32 v12, v7;
	v12 =	vld [tilespmem:s28+$0xFFFFFF70]  }
0xb1: {  	[tilespmem:s28+$0xFFFFFF10] =	vst v8;
	v8 =	vmul.f32 v13, v7;
	v13 =	vld [tilespmem:s28+$0xFFFFFF80]  }
0xb2: {  	[tilespmem:s28+$0xFFFFFF20] =	vst v9;
	v9 =	vmul.f32 v10, v7;
	v10 =	vld [tilespmem:s28+$0xFFFFFF90]  }
0xb3: {  	[tilespmem:s28+$0xFFFFFF30] =	vst v8;
	v8 =	vmul.f32 v14, v7;
	v14 =	vld [tilespmem:s28+$0xFFFFFFA0]  }
0xb4: {  	[tilespmem:s28+$0xFFFFFF40] =	vst v9;
	v9 =	vmul.f32 v11, v7;
	v11 =	vld [tilespmem:s28+$0xFFFFFFB0]  }
0xb5: {  	[tilespmem:s28+$0xFFFFFF50] =	vst v8;
	v7 =	vmul.f32 v12, v7;
	v8 =	vld [tilespmem:s28+$0xFFFFFFC0]  }
0xb6: {  	[tilespmem:s28+$0xFFFFFF60] =	vst v9;
	v9 =	vmul.f32 v13, v6;
	v12 =	vld [tilespmem:s28+$0xFFFFFFD0]  }
0xb7: {  	[tilespmem:s28+$0xFFFFFF70] =	vst v7;
	v7 =	vmul.f32 v10, v6;
	v10 =	vld [tilespmem:s28+$0xFFFFFFE0]  }
0xb8: {  	[tilespmem:s28+$0xFFFFFF80] =	vst v9;
	v9 =	vmul.f32 v14, v6;
	v13 =	vld [tilespmem:s28+$0xFFFFFFF0]  }
0xb9: {  	[tilespmem:s28+$0xFFFFFF90] =	vst v7;
	v7 =	vmul.f32 v11, v6;
	v11 =	vld [tilespmem:s28+$0x0]  }
0xba: {  	[tilespmem:s28+$0xFFFFFFA0] =	vst v9;
	v8 =	vmul.f32 v8, v6;
	v9 =	vld [tilespmem:s28+$0x10]  }
0xbb: {  	[tilespmem:s28+$0xFFFFFFB0] =	vst v7;
	v7 =	vmul.f32 v12, v6;
	v12 =	vld [tilespmem:s28+$0x20]  }
0xbc: {  	[tilespmem:s28+$0xFFFFFFC0] =	vst v8;
	v8 =	vmul.f32 v10, v6;
	v10 =	vld [tilespmem:s28+$0x30]  }
0xbd: {  	[tilespmem:s28+$0xFFFFFFD0] =	vst v7;
	v6 =	vmul.f32 v13, v6;
	v7 =	vld [tilespmem:s28+$0x40]  }
0xbe: {  	[tilespmem:s28+$0xFFFFFFE0] =	vst v8;
	v8 =	vmul.f32 v11, v5;
	v11 =	vld [tilespmem:s28+$0x50]  }
0xbf: {  	[tilespmem:s28+$0xFFFFFFF0] =	vst v6;
	v6 =	vmul.f32 v9, v5;
	v9 =	vld [tilespmem:s28+$0x60]  }
0xc0: {  	[tilespmem:s28+$0x0] =	vst v8;
	v8 =	vmul.f32 v12, v5;
	v12 =	vld [tilespmem:s28+$0x70]  }
0xc1: {  	[tilespmem:s28+$0x10] =	vst v6;
	v6 =	vmul.f32 v10, v5;
	v10 =	vld [tilespmem:s28+$0x80]  }
0xc2: {  	[tilespmem:s28+$0x20] =	vst v8;
	v7 =	vmul.f32 v7, v5;
	v8 =	vld [tilespmem:s28+$0x90]  }
0xc3: {  	[tilespmem:s28+$0x30] =	vst v6;
	v6 =	vmul.f32 v11, v5;
	v11 =	vld [tilespmem:s28+$0xA0]  }
0xc4: {  	[tilespmem:s28+$0x40] =	vst v7;
	v7 =	vmul.f32 v9, v5;
	v9 =	vld [tilespmem:s28+$0xB0]  }
0xc5: {  	[tilespmem:s28+$0x50] =	vst v6;
	v5 =	vmul.f32 v12, v5;
	v6 =	vld [tilespmem:s28+$0xC0]  }
0xc6: {  	[tilespmem:s28+$0x60] =	vst v7;
	v7 =	vmul.f32 v10, v4;
	v10 =	vld [tilespmem:s28+$0xD0]  }
0xc7: {  	[tilespmem:s28+$0x70] =	vst v5;
	v5 =	vmul.f32 v8, v4;
	v8 =	vld [tilespmem:s28+$0xE0]  }
0xc8: {  	[tilespmem:s28+$0x80] =	vst v7;
	v7 =	vmul.f32 v11, v4;
	v11 =	vld [tilespmem:s28+$0xF0]  }
0xc9: {  	s30 =	sadd.s32 $0x1, s29;
	v12 =	vmov s29;
	[tilespmem:s28+$0x90] =	vst v5;
	v5 =	vmul.f32 v9, v4;
	v9 =	vld [tilespmem:s28+$0x100]  }
0xca: {  	s31 =	sadd.s32 $0x3, s29;
	v13 =	vmov s30;
	s30 =	sadd.s32 $0x2, s29;
	v12 =	vand.u32 $0x78, v12;
	[tilespmem:s28+$0xA0] =	vst v7;
	v6 =	vmul.f32 v6, v4;
	v7 =	vld [tilespmem:s28+$0x110]  }
0xcb: {  	v15 =	vmov s31;
	s31 =	sadd.s32 $0x5, s29;
	v14 =	vmov s30;
	s30 =	sadd.s32 $0x4, s29;
	[tilespmem:s28+$0xB0] =	vst v5;
	v5 =	vmul.f32 v10, v4;
	v10 =	vld [tilespmem:s28+$0x120]  }
0xcc: {  	v17 =	vmov s31;
	v16 =	vmov s30;
	s30 =	sadd.s32 $0x6, s29;
	[tilespmem:s28+$0xC0] =	vst v6;
	v6 =	vmul.f32 v8, v4;
	v8 =	vld [tilespmem:s28+$0x130]  }
0xcd: {  	v18 =	vmov s30;
	v12 =	vor.u32 v2, v12;
	[tilespmem:s28+$0xD0] =	vst v5;
	v4 =	vmul.f32 v11, v4;
	v5 =	vld [tilespmem:s28+$0x140]  }
0xce: {  	v11 =	vand.u32 $0x79, v13;
	v13 =	vand.u32 $0x7A, v14;
	[tilespmem:s28+$0xE0] =	vst v6;
	v6 =	vmul.f32 v9, v3;
	v9 =	vld [tilespmem:s28+$0x150]  }
0xcf: {  	v14 =	vand.u32 $0x7B, v15;
	v15 =	vand.u32 $0x7C, v16;
	[tilespmem:s28+$0xF0] =	vst v4;
	v7 =	vmul.f32 v7, v3;
	v19 =	vld [tilespmem:s28+$0x160]  }
0xd0: {  	v16 =	vand.u32 $0x7D, v17;
	v17 =	vand.u32 $0x7E, v18;
	[tilespmem:s28+$0x100] =	vst v6;
	v10 =	vmul.f32 v10, v3;
	v18 =	vld [tilespmem:s28+$0x170]  }
.Ltmp1:
0xd1: {  	v11 =	vor.u32 v2, v11;
	v4 =	vbroadcast v12, $0x0;
	[tilespmem:s28+$0x110] =	vst v7;
	v8 =	vmul.f32 v8, v3;
	v6 =	vld [tilespmem:s28+$0x180];
	(pc) =	sbr.rel @p0 .LBB2_5-.Ltmp1, $4  }
0xd2: {  	v20 =	vor.u32 v2, v14;
	v12 =	vor.u32 v2, v13;
	[tilespmem:s28+$0x120] =	vst v10;
	v13 =	vmul.f32 v5, v3;
	v7 =	vld [tilespmem:s28+$0x190]  }
0xd3: {  	v14 =	vor.u32 v2, v15;
	v5 =	vbroadcast v11, $0x0;
	[tilespmem:s28+$0x130] =	vst v8;
	v11 =	vmul.f32 v9, v3;
	v8 =	vld [tilespmem:s28+$0x1A0]  }
0xd4: {  	v16 =	vor.u32 v2, v16;
	v10 =	vbroadcast v12, $0x0;
	[tilespmem:s28+$0x140] =	vst v13;
	v13 =	vmul.f32 v19, v3;
	v9 =	vld [tilespmem:s28+$0x1B0]  }
0xd5: {  	s30 =	sadd.s32 $0x7, s29;
	s29 =	sadd.s32 $0x8, s29;
	v15 =	vor.u32 v2, v17;
	v12 =	vbroadcast v20, $0x0;
	[tilespmem:s28+$0x150] =	vst v11;
	v17 =	vmul.f32 v18, v3;
	v11 =	vld [tilespmem:s28+$0x1C0]  }
0xd6: {  	_ =	sdelay $0x1  }
0xd7: {  	v18 =	vld [tilespmem:s28+$0x1D0]  }
0xd8: {  	v19 =	vld [tilespmem:s28+$0x1E0]  }
0xd9: {  	v63 =	vld.idx.msk [tilespmem:v4+s17+$0x0], $0xffff  }
0xda: {  	v20 =	vld.idx.msk [tilespmem:v5+s17+$0x0], $0xffff  }
0xdb: {  	v10 =	vld.idx.msk [tilespmem:v10+s17+$0x0], $0xffff  }
0xdc: {  	s29 =	sadd.s32 $0x400, s28;
	v12 =	vld.idx.msk [tilespmem:v12+s17+$0x0], $0xffff  }
0xdd: {  	v24 =	vld [tilespmem:s29+$0x1F0]  }
0xde: {  	v26 =	vld [tilespmem:s29+$0xFFFFFE00]  }
0xdf: {  	[tilespmem:s28+$0x160] =	vst v13;
	v6 =	vmul.f32 v6, v1;
	v28 =	vld [tilespmem:s29+$0xFFFFFE10]  }
0xe0: {  	[tilespmem:s28+$0x170] =	vst v17;
	v7 =	vmul.f32 v7, v1;
	v30 =	vld [tilespmem:s29+$0xFFFFFE20]  }
0xe1: {  	v31 =	vld [tilespmem:s29+$0xFFFFFE30];
	[tilespmem:s28+$0x180] =	vst v6;
	v23 =	vmul.f32 v8, v1  }
0xe2: {  	v32 =	vld [tilespmem:s29+$0xFFFFFE40];
	[tilespmem:s28+$0x190] =	vst v7;
	v25 =	vmul.f32 v9, v1  }
0xe3: {  	v33 =	vld [tilespmem:s29+$0xFFFFFE50];
	[tilespmem:s28+$0x1A0] =	vst v23;
	v27 =	vmul.f32 v11, v1  }
0xe4: {  	v34 =	vld [tilespmem:s29+$0xFFFFFE60];
	[tilespmem:s28+$0x1B0] =	vst v25;
	v29 =	vmul.f32 v18, v1  }
0xe5: {  	v35 =	vld [tilespmem:s29+$0xFFFFFE70];
	v1 =	vmul.f32 v19, v1;
	[tilespmem:s28+$0x1C0] =	vst v27  }
0xe6: {  	v36 =	vld [tilespmem:s29+$0xFFFFFE80];
	v11 =	vmul.f32 v28, v63;
	[tilespmem:s28+$0x1D0] =	vst v29  }
0xe7: {  	v37 =	vld [tilespmem:s29+$0xFFFFFE90];
	[tilespmem:s28+$0x1E0] =	vst v1;
	v1 =	vmul.f32 v26, v63  }
0xe8: {  	v39 =	vld [tilespmem:s29+$0xFFFFFEA0];
	v6 =	vmul.f32 v31, v63;
	[tilespmem:s29+$0xFFFFFE10] =	vst v11  }
0xe9: {  	v40 =	vld [tilespmem:s29+$0xFFFFFEB0];
	[tilespmem:s29+$0xFFFFFE00] =	vst v1;
	v1 =	vmul.f32 v30, v63  }
0xea: {  	v42 =	vld [tilespmem:s29+$0xFFFFFEC0];
	v38 =	vmul.f32 v33, v63;
	[tilespmem:s29+$0xFFFFFE30] =	vst v6  }
0xeb: {  	v43 =	vld [tilespmem:s29+$0xFFFFFED0];
	[tilespmem:s29+$0xFFFFFE20] =	vst v1;
	v1 =	vmul.f32 v32, v63  }
0xec: {  	v45 =	vld [tilespmem:s29+$0xFFFFFEE0];
	v41 =	vmul.f32 v35, v63;
	[tilespmem:s29+$0xFFFFFE50] =	vst v38  }
0xed: {  	v46 =	vld [tilespmem:s29+$0xFFFFFEF0];
	[tilespmem:s29+$0xFFFFFE40] =	vst v1;
	v1 =	vmul.f32 v34, v63  }
0xee: {  	v48 =	vld [tilespmem:s29+$0xFFFFFF00];
	v44 =	vmul.f32 v37, v20;
	[tilespmem:s29+$0xFFFFFE70] =	vst v41  }
0xef: {  	v49 =	vld [tilespmem:s29+$0xFFFFFF10];
	[tilespmem:s29+$0xFFFFFE60] =	vst v1;
	v1 =	vmul.f32 v36, v20  }
0xf0: {  	v51 =	vld [tilespmem:s29+$0xFFFFFF20];
	v47 =	vmul.f32 v40, v20;
	[tilespmem:s29+$0xFFFFFE90] =	vst v44  }
0xf1: {  	v52 =	vld [tilespmem:s29+$0xFFFFFF30];
	[tilespmem:s29+$0xFFFFFE80] =	vst v1;
	v1 =	vmul.f32 v39, v20  }
0xf2: {  	v54 =	vld [tilespmem:s29+$0xFFFFFF40];
	v50 =	vmul.f32 v43, v20;
	[tilespmem:s29+$0xFFFFFEB0] =	vst v47  }
0xf3: {  	v55 =	vld [tilespmem:s29+$0xFFFFFF50];
	[tilespmem:s29+$0xFFFFFEA0] =	vst v1;
	v1 =	vmul.f32 v42, v20  }
0xf4: {  	v3 =	vbroadcast v14, $0x0;
	v57 =	vld [tilespmem:s29+$0xFFFFFF60];
	v53 =	vmul.f32 v46, v20;
	[tilespmem:s29+$0xFFFFFED0] =	vst v50  }
0xf5: {  	v15 =	vbroadcast v15, $0x0;
	v58 =	vld [tilespmem:s29+$0xFFFFFF70];
	[tilespmem:s29+$0xFFFFFEC0] =	vst v1;
	v1 =	vmul.f32 v45, v20  }
0xf6: {  	v62 =	vmov s30;
	v60 =	vld [tilespmem:s29+$0xFFFFFF80];
	v56 =	vmul.f32 v49, v10;
	[tilespmem:s29+$0xFFFFFEF0] =	vst v53  }
0xf7: {  	v16 =	vbroadcast v16, $0x0;
	v14 =	vand.u32 $0x7F, v62;
	v61 =	vld [tilespmem:s29+$0xFFFFFF90];
	[tilespmem:s29+$0xFFFFFEE0] =	vst v1;
	v1 =	vmul.f32 v48, v10  }
0xf8: {  	v2 =	vor.u32 v2, v14;
	v14 =	vld [tilespmem:s29+$0xFFFFFFB0];
	v59 =	vmul.f32 v52, v10;
	[tilespmem:s29+$0xFFFFFF10] =	vst v56  }
0xf9: {  	v23 =	vld [tilespmem:s29+$0x10];
	[tilespmem:s29+$0xFFFFFF00] =	vst v1;
	v1 =	vmul.f32 v51, v10  }
0xfa: {  	v5 =	vld.idx.msk [tilespmem:v3+s17+$0x0], $0xffff;
	v62 =	vmul.f32 v55, v10;
	[tilespmem:s29+$0xFFFFFF30] =	vst v59  }
0xfb: {  	v3 =	vld.idx.msk [tilespmem:v15+s17+$0x0], $0xffff;
	[tilespmem:s29+$0xFFFFFF20] =	vst v1;
	v1 =	vmul.f32 v54, v10  }
0xfc: {  	v15 =	vmul.f32 v58, v10;
	[tilespmem:s29+$0xFFFFFF50] =	vst v62;
	v63 =	vld [tilespmem:s29+$0xFFFFFFA0]  }
0xfd: {  	v4 =	vld.idx.msk [tilespmem:v16+s17+$0x0], $0xffff;
	[tilespmem:s29+$0xFFFFFF40] =	vst v1;
	v1 =	vmul.f32 v57, v10  }
0xfe: {  	v16 =	vld [tilespmem:s29+$0xFFFFFFC0];
	v18 =	vmul.f32 v61, v12;
	[tilespmem:s29+$0xFFFFFF70] =	vst v15  }
0xff: {  	v35 =	vld [tilespmem:s29+$0x90];
	[tilespmem:s29+$0xFFFFFF60] =	vst v1;
	v1 =	vmul.f32 v60, v12  }
0x100: {  	v19 =	vld [tilespmem:s29+$0xFFFFFFE0];
	v21 =	vmul.f32 v14, v12;
	[tilespmem:s29+$0xFFFFFF90] =	vst v18  }
0x101: {  	v40 =	vld [tilespmem:s29+$0xD0];
	[tilespmem:s29+$0xFFFFFF80] =	vst v1;
	v1 =	vmul.f32 v63, v12  }
0x102: {  	v22 =	vld [tilespmem:s29+$0x0];
	[tilespmem:s29+$0xFFFFFFB0] =	vst v21;
	v30 =	vmul.f32 v23, v5  }
0x103: {  	v46 =	vld [tilespmem:s29+$0x110];
	[tilespmem:s29+$0xFFFFFFA0] =	vst v1;
	v1 =	vmul.f32 v16, v12  }
0x104: {  	v25 =	vld [tilespmem:s29+$0x20];
	v41 =	vmul.f32 v35, v4;
	[tilespmem:s29+$0x10] =	vst v30  }
0x105: {  	v2 =	vbroadcast v2, $0x0;
	v49 =	vld [tilespmem:s29+$0x130];
	[tilespmem:s29+$0xFFFFFFC0] =	vst v1;
	v1 =	vmul.f32 v19, v12  }
0x106: {  	v28 =	vld [tilespmem:s29+$0x40];
	v47 =	vmul.f32 v40, v4;
	[tilespmem:s29+$0x90] =	vst v41  }
0x107: {  	v26 =	vld [tilespmem:s29+$0x30];
	[tilespmem:s29+$0xFFFFFFE0] =	vst v1;
	v1 =	vmul.f32 v22, v5  }
0x108: {  	v31 =	vld [tilespmem:s29+$0x60];
	v52 =	vmul.f32 v46, v3;
	[tilespmem:s29+$0xD0] =	vst v47  }
0x109: {  	v38 =	vld [tilespmem:s29+$0xB0];
	[tilespmem:s29+$0x0] =	vst v1;
	v1 =	vmul.f32 v25, v5  }
0x10a: {  	v55 =	vmul.f32 v49, v3;
	v34 =	vld [tilespmem:s29+$0x80];
	[tilespmem:s29+$0x110] =	vst v52  }
0x10b: {  	v2 =	vld.idx.msk [tilespmem:v2+s17+$0x0], $0xffff;
	[tilespmem:s29+$0x20] =	vst v1;
	v1 =	vmul.f32 v28, v5  }
0x10c: {  	v37 =	vld [tilespmem:s29+$0xA0];
	v33 =	vmul.f32 v26, v5;
	[tilespmem:s29+$0x130] =	vst v55  }
0x10d: {  	v17 =	vld [tilespmem:s29+$0xFFFFFFD0];
	[tilespmem:s29+$0x40] =	vst v1;
	v1 =	vmul.f32 v31, v5  }
0x10e: {  	v44 =	vmul.f32 v38, v4;
	[tilespmem:s29+$0x30] =	vst v33;
	v39 =	vld [tilespmem:s29+$0xC0]  }
0x10f: {  	v29 =	vld [tilespmem:s29+$0x50];
	[tilespmem:s29+$0x60] =	vst v1;
	v1 =	vmul.f32 v34, v4  }
0x110: {  	v8 =	vmul.f32 v24, v2;
	[tilespmem:s29+$0xB0] =	vst v44;
	v42 =	vld [tilespmem:s29+$0xE0]  }
0x111: {  	v20 =	vld [tilespmem:s29+$0xFFFFFFF0];
	[tilespmem:s29+$0x80] =	vst v1;
	v1 =	vmul.f32 v37, v4  }
0x112: {  	v24 =	vmul.f32 v17, v12;
	[tilespmem:s29+$0x1F0] =	vst v8;
	v45 =	vld [tilespmem:s29+$0x100]  }
0x113: {  	v51 =	vld [tilespmem:s29+$0x150];
	[tilespmem:s29+$0xA0] =	vst v1;
	v1 =	vmul.f32 v39, v4  }
0x114: {  	v36 =	vmul.f32 v29, v5;
	[tilespmem:s29+$0xFFFFFFD0] =	vst v24;
	v48 =	vld [tilespmem:s29+$0x120]  }
0x115: {  	v32 =	vld [tilespmem:s29+$0x70];
	[tilespmem:s29+$0xC0] =	vst v1;
	v1 =	vmul.f32 v42, v4  }
0x116: {  	v50 =	vld [tilespmem:s29+$0x140];
	[tilespmem:s29+$0x50] =	vst v36;
	v27 =	vmul.f32 v20, v12  }
0x117: {  	v43 =	vld [tilespmem:s29+$0xF0];
	[tilespmem:s29+$0xE0] =	vst v1;
	v1 =	vmul.f32 v45, v3  }
0x118: {  	v53 =	vld [tilespmem:s29+$0x160];
	[tilespmem:s29+$0xFFFFFFF0] =	vst v27;
	v58 =	vmul.f32 v51, v3  }
0x119: {  	v54 =	vld [tilespmem:s29+$0x170];
	[tilespmem:s29+$0x100] =	vst v1;
	v1 =	vmul.f32 v48, v3  }
0x11a: {  	v56 =	vld [tilespmem:s29+$0x180];
	[tilespmem:s29+$0x150] =	vst v58;
	v5 =	vmul.f32 v32, v5  }
0x11b: {  	v57 =	vld [tilespmem:s29+$0x190];
	[tilespmem:s29+$0x120] =	vst v1;
	v1 =	vmul.f32 v50, v3  }
0x11c: {  	v59 =	vld [tilespmem:s29+$0x1A0];
	[tilespmem:s29+$0x70] =	vst v5;
	v4 =	vmul.f32 v43, v4  }
0x11d: {  	v60 =	vld [tilespmem:s29+$0x1B0];
	[tilespmem:s29+$0x140] =	vst v1;
	v1 =	vmul.f32 v53, v3  }
0x11e: {  	v61 =	vld [tilespmem:s29+$0x1C0];
	[tilespmem:s29+$0xF0] =	vst v4;
	v3 =	vmul.f32 v54, v3  }
0x11f: {  	v62 =	vld [tilespmem:s29+$0x1D0];
	[tilespmem:s29+$0x160] =	vst v1;
	v1 =	vmul.f32 v56, v2  }
0x120: {  	v63 =	vld [tilespmem:s29+$0x1E0];
	[tilespmem:s29+$0x170] =	vst v3;
	v3 =	vmul.f32 v57, v2  }
0x121: {  	[tilespmem:s29+$0x180] =	vst v1;
	v1 =	vmul.f32 v59, v2  }
0x122: {  	[tilespmem:s29+$0x190] =	vst v3;
	v3 =	vmul.f32 v60, v2  }
0x123: {  	[tilespmem:s29+$0x1A0] =	vst v1;
	v1 =	vmul.f32 v61, v2  }
0x124: {  	[tilespmem:s29+$0x1B0] =	vst v3;
	v3 =	vmul.f32 v62, v2  }
0x125: {  	s25 =	sadd.s32 $0x1, s25;
	[tilespmem:s29+$0x1C0] =	vst v1;
	v1 =	vmul.f32 v63, v2  }
0x126: {  	p0 =	sne.s32 s25, $0x50;
	[tilespmem:s29+$0x1D0] =	vst v3  }
.Ltmp2:
0x127: {  	s26 =	sadd.s32 $0x2800, s26;
	[tilespmem:s29+$0x1E0] =	vst v1;
	(pc) =	sbr.rel @p0 .LBB2_4-.Ltmp2, $4  }
0x128: {  	[spmem:s2] =	stream.indirect.scatter.add.f32 [tilespmem:s18], [sflag:$0x2], $0x80, s26, s19, $0xb8;
	[tilespmem:$0x1F800] =	vst v63  }
0x129: {  	_ =	swait.ge [sflag:s15], $0x4000  }
0x12a: {  	[sflag:s15] =	ssyncset.done $0x0  }
0x12b: {  	[sflag:s15] =	ssyncadd.s32 $0xFFFFC000  }
0x12c: {  	s23 =	sadd.s32 $0x1, s23  }
0x12d: {  	p0 =	sne.s32 s23, s14  }
.Ltmp3:
0x12e: {  	[bflag:$0x0] =	sbarrier.arrive $0xFFFF;
	(pc) =	sbr.rel @p0 .LBB2_1-.Ltmp3, $4  }
0x12f: {  	[hbm:s13], [sflag:s21] =	dma.local [spmem:s22], $0x2800  }
0x130: {  	_ =	swait.ge [sflag:s15], $0x2800  }
0x131: {  	[sflag:s15] =	ssyncset.done $0x0  }
0x132: {  	[sflag:s15] =	ssyncadd.s32 $0xFFFFD800  }
0x133: {  	_ =	sfence.sel $0x180000  }
0x134: {  	[bflag:$0x0] =	sbarrier.arrive $0xFFFF  }
0x135: {  	p0 =	sne.s32 s1, $0x0;
	_ =	strace $0x9000004A  }
0x136: {  	s0 =	sadd.s32 @!p0 $0x100000, s0;
	[bflag:$0x2] =	sbarrier.arrive $0xFFFF  }
0x137: {  	[sflag:s0] =	ssyncadd.tile.s32 @!p0 $0x1;
	_ =	shalt  }
.Lfunc_end2:
_tile_overlayer_lowered:
.L_overlay_start_2:
0x138: {  	(tag) =	ssettag $0x2  }
0x139: {  	s0 =	rddreg [dreg:$0x0];
	s2 =	stileid.u32  }
0x13a: {  	s1 =	rddreg [dreg:$0x1];
	p0 =	sne.s32 s2, $0x0  }
0x13b: {  	s3 =	rddreg [dreg:$0x2];
	[bflag:$0x3] =	sbarrier.arrive $0xFFFF;
	s2 =	simm.s32 @!p0 $0x1C02  }
0x13c: {  	[timem:s3], [sflag:s2] =	dma.local @!p0 [hbm:s0], s1  }
0x13d: {  	s0 =	simm.s32 @!p0 $0x2  }
0x13e: {  	_ =	swait.ge @!p0 [sflag:s0], s1  }
0x13f: {  	s1 =	ssub.s32 @!p0 $0x0, s1;
	[sflag:s0] =	ssyncset.done @!p0 $0x0  }
0x140: {  	[sflag:s0] =	ssyncadd.s32 @!p0 s1  }
0x141: {  	[bflag:$0x3] =	sbarrier.arrive $0xFFFF  }
0x142: {  	_ =	shalt  }

// kernel: kernel.14.cloned.1.call-start
scs
__scs_entry_jumppad:
0x0: {  	(pc) =	sbr.rel $0x88, $3  }
0x1: {  	(tag) =	ssettag $0x0;
	lr =	simm.s32 $0x1  }
0x2: {  	[smem:$0x3F90] =	sst lr;
	_ =	strace $0xD0000000  }
0x3: {  	_ = 	snop  }
0x4: {  	_ = 	snop  }
0x5: {  	_ = 	snop  }
0x6: {  	_ = 	snop  }
0x7: {  	_ = 	snop  }
__scs_overlays_trampoline_lowered:
0x8: {  	[smem:$0x3F9F] =	sst s0  }
0x9: {  	[smem:$0x3FA0] =	sst s1  }
0xa: {  	[smem:$0x3FA1] =	sst s2  }
0xb: {  	[smem:$0x3FA2] =	sst s3  }
0xc: {  	[smem:$0x3FA3] =	sst s4  }
0xd: {  	[smem:$0x3FA4] =	sst s5  }
0xe: {  	[smem:$0x3FA5] =	sst s6  }
0xf: {  	[smem:$0x3FA6] =	sst s7  }
0x10: {  	[smem:$0x3FA7] =	sst s8  }
0x11: {  	[smem:$0x3FA8] =	sst s9;
	s0 =	simm.s32 @!p0 $0x0  }
0x12: {  	s1 =	sld [smem:$0x3F8E];
	s0 =	simm.s32 @p0 $0x1  }
0x13: {  	[smem:$0x3FA9] =	sst s0;
	s0 =	simm.s32 @!p1 $0x0  }
0x14: {  	s2 =	sld [smem:$0x3F8D];
	s0 =	simm.s32 @p1 $0x1  }
0x15: {  	[smem:$0x3FAA] =	sst s0;
	s0 =	simm.s32 @!p2 $0x0  }
0x16: {  	s3 =	sld [smem:$0x3FDB];
	s0 =	simm.s32 @p2 $0x1  }
0x17: {  	s4 =	simm.s32 $0x1BF5;
	[smem:$0x3FAC] =	sst s0  }
0x18: {  	s0 =	sld [smem:$0x3F8F];
	_ =	swait.ge [sflag:s4], $0x0  }
0x19: {  	s7 =	sld [smem:$0x3F90]  }
0x1a: {  	s8 =	sadd.s32 $0xFFFFE003, lr  }
0x1b: {  	s9 =	sadd.s32 $0xFFFFFEF7, lr;
	s5 =	simm.s32 $0xFFFFFFFF;
	p2 =	slt.u32 s8, $0xFFFFF086  }
0x1c: {  	p1 =	slt.u32 s9, $0xF7A;
	s5 =	simm.s32 @!p2 $0x0  }
0x1d: {  	s5 =	simm.s32 @p1 $0x1;
	p0 =	seq.s32 s7, s2  }
0x1e: {  	s7 =	smul.u32 @!p0 $0xF7A, s2;
	p2 =	seq.s32 @!p0 s5, $0x0  }
0x1f: {  	s9 =	smul.u32 $0xF7A, s1;
	s8 =	simm.s32 @!p0 $0x1BF5;
	p2 =	por !p2, p0  }
0x20: {  	[sflag:s8] =	ssyncset.s32 @!p0 $0xFFFFF086;
	s6 =	sadd.s32 @!p0 s3, s7;
	s7 =	simm.s32 @!p0 $0x108  }
0x21: {  	s3 =	sadd.s32 s3, s9;
	s6 =	sadd.s32 @!p0 $0x88, s6;
	s7 =	simm.s32 @p2 $0x1082  }
0x22: {  	[simem:s7], [sflag:s8] =	dma.local @!p0 [hbm:s6], $0xF7A  }
0x23: {  	s9 =	sor.u32 $0xD0000000, s2;
	s6 =	simm.s32 $0x108;
	_ =	swait.ge @!p0 [sflag:s8], $0x0  }
0x24: {  	s3 =	sadd.s32 $0x88, s3;
	s6 =	simm.s32 @!p1 $0x1082;
	[sflag:s4] =	ssyncset.s32 $0xFFFFF086  }
0x25: {  	[simem:s6], [sflag:s4] =	dma.local [hbm:s3], $0xF7A  }
0x26: {  	[smem:$0x3F90] =	sst s1;
	(tag) =	ssettag s2;
	_ =	strace s9  }
0x27: {  	s1 =	sld [smem:$0x3FA0]  }
0x28: {  	s2 =	sld [smem:$0x3FA1]  }
0x29: {  	s4 =	sld [smem:$0x3FA3]  }
0x2a: {  	p0 =	seq.s32 s5, $0x0;
	s5 =	sld [smem:$0x3FA4]  }
0x2b: {  	s6 =	sld [smem:$0x3FA5]  }
0x2c: {  	s7 =	sld [smem:$0x3FA6]  }
0x2d: {  	s3 =	simm.s32 $0x108;
	s8 =	sld [smem:$0x3FA7]  }
0x2e: {  	s3 =	simm.s32 @!p0 $0x1082;
	s9 =	sld [smem:$0x3FA8]  }
0x2f: {  	lr =	sadd.s32 s0, s3;
	s0 =	sld [smem:$0x3F9F]  }
0x30: {  	s3 =	sld [smem:$0x3FA2]  }
0x31: {  	[smem:$0x3FAB] =	sst s10  }
0x32: {  	s10 =	sld [smem:$0x3FA9];
	_ =	sdelay $0x3  }
0x33: {  	p0 =	seq.s32 s10, $0x1;
	s10 =	sld [smem:$0x3FAB];
	_ =	sdelay $0x3  }
0x34: {  	[smem:$0x3FAB] =	sst s10  }
0x35: {  	s10 =	sld [smem:$0x3FAA];
	_ =	sdelay $0x3  }
0x36: {  	p1 =	seq.s32 s10, $0x1;
	s10 =	sld [smem:$0x3FAB];
	_ =	sdelay $0x3  }
0x37: {  	[smem:$0x3FAB] =	sst s10  }
0x38: {  	s10 =	sld [smem:$0x3FAC]  }
0x39: {  	_ = 	snop;
	(pc) =	sbr.ind lr, $3  }
0x3a: {  	_ = 	snop  }
0x3b: {  	_ = 	snop  }
0x3c: {  	p2 =	seq.s32 s10, $0x1;
	s10 =	sld [smem:$0x3FAB]  }
0x3d: {  	_ =	shalt  }
0x3e: {  	_ =	shalt  }
0x3f: {  	_ =	shalt  }
0x40: {  	_ =	shalt  }
0x41: {  	_ =	shalt  }
0x42: {  	_ =	shalt  }
0x43: {  	_ =	shalt  }
0x44: {  	_ =	shalt  }
0x45: {  	_ =	shalt  }
0x46: {  	_ =	shalt  }
0x47: {  	_ =	shalt  }
0x48: {  	_ =	shalt  }
0x49: {  	_ =	shalt  }
0x4a: {  	_ =	shalt  }
0x4b: {  	_ =	shalt  }
0x4c: {  	_ =	shalt  }
0x4d: {  	_ =	shalt  }
0x4e: {  	_ =	shalt  }
0x4f: {  	_ =	shalt  }
0x50: {  	_ =	shalt  }
0x51: {  	_ =	shalt  }
0x52: {  	_ =	shalt  }
0x53: {  	_ =	shalt  }
0x54: {  	_ =	shalt  }
0x55: {  	_ =	shalt  }
0x56: {  	_ =	shalt  }
0x57: {  	_ =	shalt  }
0x58: {  	_ =	shalt  }
0x59: {  	_ =	shalt  }
0x5a: {  	_ =	shalt  }
0x5b: {  	_ =	shalt  }
0x5c: {  	_ =	shalt  }
0x5d: {  	_ =	shalt  }
0x5e: {  	_ =	shalt  }
0x5f: {  	_ =	shalt  }
0x60: {  	_ =	shalt  }
0x61: {  	_ =	shalt  }
0x62: {  	_ =	shalt  }
0x63: {  	_ =	shalt  }
0x64: {  	_ =	shalt  }
0x65: {  	_ =	shalt  }
0x66: {  	_ =	shalt  }
0x67: {  	_ =	shalt  }
0x68: {  	_ =	shalt  }
0x69: {  	_ =	shalt  }
0x6a: {  	_ =	shalt  }
0x6b: {  	_ =	shalt  }
0x6c: {  	_ =	shalt  }
0x6d: {  	_ =	shalt  }
0x6e: {  	_ =	shalt  }
0x6f: {  	_ =	shalt  }
0x70: {  	_ =	shalt  }
0x71: {  	_ =	shalt  }
0x72: {  	_ =	shalt  }
0x73: {  	_ =	shalt  }
0x74: {  	_ =	shalt  }
0x75: {  	_ =	shalt  }
0x76: {  	_ =	shalt  }
0x77: {  	_ =	shalt  }
0x78: {  	_ =	shalt  }
0x79: {  	_ =	shalt  }
0x7a: {  	_ =	shalt  }
0x7b: {  	_ =	shalt  }
0x7c: {  	_ =	shalt  }
0x7d: {  	_ =	shalt  }
0x7e: {  	_ =	shalt  }
0x7f: {  	_ =	shalt  }
0x80: {  	_ =	shalt  }
0x81: {  	_ =	shalt  }
0x82: {  	_ =	shalt  }
0x83: {  	_ =	shalt  }
0x84: {  	_ =	shalt  }
0x85: {  	_ =	shalt  }
0x86: {  	_ =	shalt  }
0x87: {  	_ =	shalt  }
.Lfunc_end0:
.L_simem_size_0:
called_computation.2_lowered:
.L_overlay_start_0:
0x88: {  	s2 =	sld [smem:$0x3FD9]  }
0x89: {  	s3 =	sld [smem:$0x3FFE];
	_ =	sdelay $0x1  }
0x8a: {  	s1 =	srdreg.scid  }
0x8b: {  	s0 =	sand.u32 $0x1, s1  }
0x8c: {  	s16 =	sshll.u32 s0, $0xA;
	s2 =	sadd.s32 s3, s2  }
0x8d: {  	s2 =	sadd.s32 s2, s16  }
0x8e: {  	[smem:$0x3FB7] =	sst s2  }
0x8f: {  	_ = 	snop  }
0x90: {  	(tm) =	ssettm $0x1  }
0x91: {  	s17 =	sld [smem:$0x3FFB];
	_ =	sdelay $0x3  }
0x92: {  	_ =	strace s17  }
0x93: {  	s2 =	sld [smem:$0x3FFC];
	_ =	sdelay $0x3  }
0x94: {  	_ =	strace s2  }
0x95: {  	s2 =	sld [smem:$0x3FFD];
	_ =	sdelay $0x3  }
0x96: {  	_ =	strace s2  }
0x97: {  	_ =	strace $0x8FFFFFFF  }
0x98: {  	s18 =	sld [smem:$0x3FDB];
	_ =	sdelay $0x1  }
0x99: {  	s19 =	simm.s32 $_scs_section_size  }
0x9a: {  	s4 =	simm.s32 $_size__tile_overlayer_lowered;
	s5 =	simm.s32 $_tile_overlayer_lowered  }
0x9b: {  	s22 =	simm.s32 $0x1BFF;
	s21 =	sshll.u32 s5, $0x1;
	s2 =	sadd.s32 s19, s18  }
0x9c: {  	s6 =	simm.s32 $0x0;
	s20 =	sshll.u32 s4, $0x1;
	s4 =	sadd.s32 s21, s2  }
0x9d: {  	[timem:s6], [sflag:s22] =	dma.local [hbm:s4], s20  }
0x9e: {  	_ =	swait.ge [sflag:s22], s20  }
0x9f: {  	s3 =	ssub.s32 $0x0, s20;
	[sflag:s22] =	ssyncset.done $0x0  }
0xa0: {  	[sflag:s22] =	ssyncadd.s32 s3;
	_ =	sdelay $0x1  }
0xa1: {  	s23 =	simm.s32 $0x1B8B  }
0xa2: {  	_ =	swait.ge [sflag:s23], $0x1  }
0xa3: {  	[sflag:s23] =	ssyncset.done $0x0  }
0xa4: {  	s25 =	simm.s32 $0x1B8E;
	s24 =	sld [smem:$0x3FFE];
	[sflag:s23] =	ssyncadd.s32 $0xFFFFFFFF  }
0xa5: {  	s26 =	simm.s32 $execute0_lowered;
	[smem:$0x3FD2] =	sst s25  }
0xa6: {  	s4 =	sshll.u32 s26, $0x1;
	_ =	strace $0x8000004C;
	[dreg:$0x1] =	wrdreg $0xFFFFFFFF  }
0xa7: {  	s28 =	simm.s32 $_size_execute0_lowered;
	s2 =	sadd.s32 s2, s4;
	[dreg:$0x0] =	wrdreg $0x0  }
0xa8: {  	s4 =	sshll.u32 s28, $0x1;
	[dreg:$0x2] =	wrdreg s2  }
0xa9: {  	[dreg:$0x3] =	wrdreg s4  }
0xaa: {  	[dreg:$0x4] =	wrdreg $0xC0  }
0xab: {  	_ =	task [dreg:s6], $0x5FFFF  }
0xac: {  	[dreg:$0x1] =	wrdreg $0xFFFFFFFF  }
0xad: {  	[dreg:$0x0] =	wrdreg $0x60  }
0xae: {  	[dreg:$0x2] =	wrdreg s24  }
0xaf: {  	[dreg:$0x3] =	wrdreg $0xB8000  }
0xb0: {  	[dreg:$0x4] =	wrdreg $0x9  }
0xb1: {  	_ =	task.clear_ibuf [dreg:s6], $0x5FFFF;
	_ =	strace $0x9000004C  }
0xb2: {  	s29 =	simm.s32 $0x9;
	_ =	strace $0x8000004E  }
0xb3: {  	_ =	swait.ge [sflag:s29], $0x1  }
0xb4: {  	[sflag:s29] =	ssyncadd.s32 $0xFFFFFFFF  }
0xb5: {  	_ =	strace $0x9000004E  }
0xb6: {  	_ =	sfence  }
0xb7: {  	s30 =	sld [smem:$0x0];
	_ =	sdelay $0x2  }
0xb8: {  	s31 =	sshll.u32 s1, $0xD;
	s1 =	sshrl.u32 s1, $0x2  }
0xb9: {  	s3 =	sand.u32 $0x4000, s31;
	s1 =	sadd.s32 s1, s30  }
0xba: {  	s0 =	sor.u32 s3, s0;
	s1 =	sshll.u32 s1, $0x11  }
0xbb: {  	s0 =	sor.u32 s1, s0  }
0xbc: {  	s0 =	sadd.s32 $0x8F2B, s0  }
0xbd: {  	[sflag:s0] =	ssyncadd.remote.s32 $0x1  }
0xbe: {  	_ =	sfence.sel $0xFFFF  }
0xbf: {  	[dreg:$0x0] =	wrdreg $0xFFFFFFFF;
	(pc) =	sbr.abs _section_cstart, $3  }
0xc0: {  	[dreg:$0x1] =	wrdreg $0xFFFFFFFF  }
0xc1: {  	_ =	task.clear_ibuf [dreg:s6], $0x2FFFF;
	_ =	strace $0x9FFFFFFF  }
0xc2: {  	(tm) =	ssettm $0x7FFFFFFF  }
0xc3: {  	_ =	shalt  }
tec
execute0_lowered:
.L_overlay_start_1:
0x0: {  	(tag) =	ssettag $0x1  }
0x1: {  	s5 =	rddreg [dreg:$0x0]  }
0x2: {  	s2 =	rddreg [dreg:$0x1];
	s3 =	srdreg.scid  }
0x3: {  	s0 =	rddreg [dreg:$0x2];
	s1 =	stileid.u32  }
0x4: {  	s15 =	simm.s32 $0x2;
	s16 =	simm.s32 $0x2800;
	s17 =	simm.s32 $0x5000  }
0x5: {  	s18 =	simm.s32 $0x7800;
	s19 =	simm.s32 $0x80;
	s20 =	simm.s32 $0x1  }
0x6: {  	s23 =	simm.s32 $0x0;
	s6 =	sand.u32 $0x1, s3;
	s8 =	smul.u32 $0x14000, s1  }
0x7: {  	s3 =	simm.s32 $0x0;
	s4 =	sshll.u32 s1, $0x1;
	s29 =	smul.u32 $0x50000, s1  }
0x8: {  	s21 =	sshll.u32 s1, $0x6;
	s7 =	smul.u32 $0x140000, s6;
	[smem:$0x7FF] =	sst s3  }
0x9: {  	s4 =	sor.u32 s6, s4;
	s6 =	ssub.s32 $0x2, s6;
	s21 =	sor.u32 $0x1C02, s21  }
0xa: {  	_ =	strace $0x8000004D;
	s9 =	smul.u32 $0x500, s4;
	s4 =	sadd.s32 $0x22A00, s5  }
0xb: {  	s30 =	sshrl.u32 s6, $0x1;
	s31 =	sshrl.u32 s29, $0x2;
	s7 =	sadd.s32 s8, s7  }
0xc: {  	s14 =	ssub.s32 s6, s30;
	s6 =	sadd.s32 s31, s2;
	s9 =	sadd.s32 s9, s5  }
0xd: {  	s7 =	sshrl.u32 s7, $0x3;
	s10 =	sadd.s32 $0x8000, s6;
	s11 =	sadd.s32 $0xC000, s6  }
0xe: {  	s12 =	sadd.s32 $0x10000, s6;
	s14 =	smax.u32 s14, $0x1;
	s22 =	sshrl.u32 s6, $0x3  }
0xf: {  	s13 =	sadd.s32 s7, s5;
	s5 =	sadd.s32 $0x18A00, s9;
	s7 =	sadd.s32 $0x4000, s9  }
0x10: {  	v0 =	vimm.f32 $0.0e+00;
	s8 =	sadd.s32 $0xE000, s9;
	s9 =	sadd.s32 $0x4000, s6;
	s13 =	sadd.s32 $0x49C00, s13  }
.LBB2_1:
0x11: {  	[tilespmem:s3], [sflag:$0x2] =	stream.linear.gather [hbm4b:s5+s3], $0x2800, $0x38;
	[tilespmem:$0x1F800] =	vst v63  }
0x12: {  	_ =	swait.ge [sflag:s15], $0x2800  }
0x13: {  	[sflag:s15] =	ssyncset.done $0x0  }
0x14: {  	[sflag:s15] =	ssyncadd.s32 $0xFFFFD800  }
0x15: {  	[tilespmem:s16], [sflag:$0x2] =	stream.linear.gather [hbm4b:s7+s3], $0x2800, $0x38;
	[tilespmem:$0x1F800] =	vst v63  }
0x16: {  	_ =	swait.ge [sflag:s15], $0x2800  }
0x17: {  	[sflag:s15] =	ssyncset.done $0x0  }
0x18: {  	[sflag:s15] =	ssyncadd.s32 $0xFFFFD800  }
0x19: {  	[tilespmem:s17], [sflag:$0x2] =	stream.linear.gather [hbm4b:s8+s3], $0x2800, $0x38;
	[tilespmem:$0x1F800] =	vst v63  }
0x1a: {  	_ =	swait.ge [sflag:s15], $0x2800  }
0x1b: {  	[sflag:s15] =	ssyncset.done $0x0  }
0x1c: {  	s24 =	simm.s32 $0x0;
	s25 =	simm.s32 $0x200;
	[sflag:s15] =	ssyncadd.s32 $0xFFFFD800  }
.LBB2_2:
0x1d: {  	p0 =	sne.s32 s25, $0xFE00;
	[tilespmem:s24+$0x7870] =	vst v0  }
0x1e: {  	[tilespmem:s24+$0x7800] =	vst v0  }
0x1f: {  	[tilespmem:s24+$0x7810] =	vst v0  }
.Ltmp0:
0x20: {  	[tilespmem:s24+$0x7820] =	vst v0;
	(pc) =	sbr.rel @p0 .LBB2_2-.Ltmp0, $4  }
0x21: {  	[tilespmem:s24+$0x7830] =	vst v0  }
0x22: {  	[tilespmem:s24+$0x7840] =	vst v0  }
0x23: {  	[tilespmem:s24+$0x7850] =	vst v0  }
0x24: {  	[tilespmem:s24+$0x7860] =	vst v0;
	s24 =	sshra.s32 s25, $0x2;
	s25 =	sadd.s32 $0x200, s25  }
0x25: {  	[tilespmem:s24+$0x7870] =	vst v0  }
0x26: {  	[tilespmem:s24+$0x7800] =	vst v0  }
0x27: {  	[tilespmem:s24+$0x7810] =	vst v0  }
0x28: {  	[tilespmem:s24+$0x7820] =	vst v0  }
0x29: {  	[tilespmem:s24+$0x7830] =	vst v0  }
0x2a: {  	[tilespmem:s24+$0x7840] =	vst v0  }
0x2b: {  	[tilespmem:s24+$0x7850] =	vst v0  }
0x2c: {  	[tilespmem:s24+$0x7860] =	vst v0  }
0x2d: {  	[spmem:s6] =	stream.linear.scatter [tilespmem:s18], [sflag:$0x2], $0x4000, $0x38;
	[tilespmem:$0x1F800] =	vst v63  }
0x2e: {  	_ =	swait.ge [sflag:s15], $0x4000  }
0x2f: {  	[sflag:s15] =	ssyncset.done $0x0  }
0x30: {  	[sflag:s15] =	ssyncadd.s32 $0xFFFFC000  }
0x31: {  	[spmem:s9] =	stream.linear.scatter [tilespmem:s18], [sflag:$0x2], $0x4000, $0x38;
	[tilespmem:$0x1F800] =	vst v63  }
0x32: {  	_ =	swait.ge [sflag:s15], $0x4000  }
0x33: {  	[sflag:s15] =	ssyncset.done $0x0  }
0x34: {  	[sflag:s15] =	ssyncadd.s32 $0xFFFFC000  }
0x35: {  	[spmem:s10] =	stream.linear.scatter [tilespmem:s18], [sflag:$0x2], $0x4000, $0x38;
	[tilespmem:$0x1F800] =	vst v63  }
0x36: {  	_ =	swait.ge [sflag:s15], $0x4000  }
0x37: {  	[sflag:s15] =	ssyncset.done $0x0  }
0x38: {  	[sflag:s15] =	ssyncadd.s32 $0xFFFFC000  }
0x39: {  	[spmem:s11] =	stream.linear.scatter [tilespmem:s18], [sflag:$0x2], $0x4000, $0x38;
	[tilespmem:$0x1F800] =	vst v63  }
0x3a: {  	_ =	swait.ge [sflag:s15], $0x4000  }
0x3b: {  	[sflag:s15] =	ssyncset.done $0x0  }
0x3c: {  	[sflag:s15] =	ssyncadd.s32 $0xFFFFC000  }
0x3d: {  	[spmem:s12] =	stream.linear.scatter [tilespmem:s18], [sflag:$0x2], $0x4000, $0x38;
	[tilespmem:$0x1F800] =	vst v63  }
0x3e: {  	_ =	swait.ge [sflag:s15], $0x4000  }
0x3f: {  	[sflag:s15] =	ssyncset.done $0x0  }
0x40: {  	[sflag:s15] =	ssyncadd.s32 $0xFFFFC000  }
0x41: {  	s24 =	simm.s32 $0x0;
	s25 =	simm.s32 $0x0;
	[bflag:$0x0] =	sbarrier.arrive $0xFFFF  }
.LBB2_4:
0x42: {  	s26 =	sshll.u32 s25, $0x7  }
0x43: {  	[tilespmem:s18], [sflag:$0x1] =	stream.indirect.gather [hbm4b:s4+s19], $0x80, s26, s19, $0xb8;
	[tilespmem:$0x1F800] =	vst v63  }
0x44: {  	s28 =	simm.s32 $0x1;
	_ =	swait.ge [sflag:s20], $0x4000  }
0x45: {  	v3 =	vmov s28;
	s28 =	simm.s32 $0x7;
	[sflag:s20] =	ssyncset.done $0x0  }
0x46: {  	v1 =	vmov s24;
	v4 =	vmov s28;
	s28 =	simm.s32 $0x7A00;
	[sflag:s20] =	ssyncadd.s32 $0xFFFFC000  }
0x47: {  	v2 =	vmov s26;
	v1 =	vand.u32 $0x78, v1;
	v6 =	vld [tilespmem:s28+$0xFFFFFE10]  }
0x48: {  	v1 =	vor.u32 v2, v1;
	v4 =	vand.u32 $0x7F, v4;
	v7 =	vld [tilespmem:s28+$0xFFFFFE20]  }
0x49: {  	v1 =	vbroadcast v1, $0x0;
	v4 =	vor.u32 v2, v4;
	v8 =	vld [tilespmem:s28+$0xFFFFFE30]  }
0x4a: {  	v4 =	vbroadcast v4, $0x0;
	v9 =	vld [tilespmem:s28+$0xFFFFFE40]  }
0x4b: {  	v10 =	vld [tilespmem:s28+$0xFFFFFE50]  }
0x4c: {  	v11 =	vld [tilespmem:s28+$0xFFFFFE60]  }
0x4d: {  	v3 =	vand.u32 $0x79, v3;
	v13 =	vld [tilespmem:s28+$0x1F0]  }
0x4e: {  	v3 =	vor.u32 v2, v3;
	v14 =	vld [tilespmem:s28+$0xFFFFFE80]  }
0x4f: {  	v3 =	vbroadcast v3, $0x0;
	v5 =	vld.idx.msk [tilespmem:v1+s17+$0x0], $0xffff  }
0x50: {  	v1 =	vld.idx.msk [tilespmem:v4+s17+$0x0], $0xffff  }
0x51: {  	v4 =	vld [tilespmem:s28+$0xFFFFFE00]  }
0x52: {  	v15 =	vld [tilespmem:s28+$0xFFFFFE90]  }
0x53: {  	v16 =	vld [tilespmem:s28+$0xFFFFFEA0]  }
0x54: {  	v17 =	vld [tilespmem:s28+$0xFFFFFEB0];
	v6 =	vmul.f32 v6, v5  }
0x55: {  	v3 =	vld.idx.msk [tilespmem:v3+s17+$0x0], $0xffff;
	v7 =	vmul.f32 v7, v5  }
0x56: {  	s29 =	simm.s32 $0x2;
	v18 =	vld [tilespmem:s28+$0xFFFFFEC0];
	v4 =	vmul.f32 v4, v5;
	[tilespmem:s28+$0xFFFFFE10] =	vst v6  }
0x57: {  	v12 =	vmov s29;
	v8 =	vmul.f32 v8, v5;
	v6 =	vld [tilespmem:s28+$0xFFFFFEE0];
	[tilespmem:s28+$0xFFFFFE20] =	vst v7  }
0x58: {  	v13 =	vmul.f32 v13, v1;
	v7 =	vmul.f32 v9, v5;
	v9 =	vld [tilespmem:s28+$0xFFFFFEF0];
	[tilespmem:s28+$0xFFFFFE00] =	vst v4;
	v4 =	vand.u32 $0x7A, v12  }
0x59: {  	[tilespmem:s28+$0xFFFFFE30] =	vst v8;
	v8 =	vmul.f32 v10, v5;
	v12 =	vld [tilespmem:s28+$0xFFFFFE70];
	v4 =	vor.u32 v2, v4  }
0x5a: {  	v10 =	vld [tilespmem:s28+$0xFFFFFF00];
	[tilespmem:s28+$0x1F0] =	vst v13;
	v13 =	vmul.f32 v14, v3;
	v4 =	vbroadcast v4, $0x0  }
0x5b: {  	s29 =	simm.s32 $0x3;
	v14 =	vld [tilespmem:s28+$0xFFFFFED0];
	[tilespmem:s28+$0xFFFFFE40] =	vst v7  }
0x5c: {  	v7 =	vmul.f32 v11, v5;
	v11 =	vld [tilespmem:s28+$0xFFFFFF10];
	[tilespmem:s28+$0xFFFFFE80] =	vst v13;
	v13 =	vmov s29  }
0x5d: {  	v18 =	vmul.f32 v18, v3;
	[tilespmem:s28+$0xFFFFFE50] =	vst v8;
	v8 =	vld [tilespmem:s28+$0xFFFFFF20];
	v13 =	vand.u32 $0x7B, v13  }
0x5e: {  	[tilespmem:s28+$0xFFFFFE60] =	vst v7;
	v7 =	vmul.f32 v15, v3;
	v15 =	vld [tilespmem:s28+$0xFFFFFF40];
	v13 =	vor.u32 v2, v13;
	v5 =	vmul.f32 v12, v5  }
0x5f: {  	v6 =	vmul.f32 v6, v3;
	v13 =	vbroadcast v13, $0x0;
	v12 =	vld [tilespmem:s28+$0xFFFFFF30]  }
0x60: {  	v14 =	vmul.f32 v14, v3;
	[tilespmem:s28+$0xFFFFFE70] =	vst v5;
	v5 =	vmul.f32 v16, v3;
	v4 =	vld.idx.msk [tilespmem:v4+s17+$0x0], $0xffff  }
0x61: {  	[tilespmem:s28+$0xFFFFFE90] =	vst v7;
	v16 =	vmul.f32 v17, v3;
	v3 =	vmul.f32 v9, v3;
	v9 =	vld [tilespmem:s28+$0xFFFFFF90]  }
0x62: {  	[tilespmem:s28+$0xFFFFFED0] =	vst v14;
	v14 =	vld [tilespmem:s28+$0xFFFFFFD0]  }
0x63: {  	[tilespmem:s28+$0xFFFFFEA0] =	vst v5;
	v5 =	vld [tilespmem:s28+$0xFFFFFF60]  }
0x64: {  	[tilespmem:s28+$0xFFFFFEB0] =	vst v16;
	v16 =	vld [tilespmem:s28+$0xFFFFFF70]  }
0x65: {  	[tilespmem:s28+$0xFFFFFEE0] =	vst v6;
	v13 =	vld.idx.msk [tilespmem:v13+s17+$0x0], $0xffff;
	v7 =	vmul.f32 v10, v4  }
0x66: {  	s29 =	simm.s32 $0x4;
	[tilespmem:s28+$0xFFFFFEF0] =	vst v3;
	v10 =	vld [tilespmem:s28+$0xFFFFFF50];
	v6 =	vmul.f32 v11, v4  }
0x67: {  	v17 =	vmov s29;
	v11 =	vld [tilespmem:s28+$0xFFFFFFA0];
	v3 =	vmul.f32 v8, v4;
	[tilespmem:s28+$0xFFFFFF00] =	vst v7  }
0x68: {  	v15 =	vmul.f32 v15, v4;
	v7 =	vand.u32 $0x7C, v17;
	v17 =	vld [tilespmem:s28+$0xFFFFFF80];
	[tilespmem:s28+$0xFFFFFF10] =	vst v6  }
0x69: {  	v8 =	vld [tilespmem:s28+$0xFFFFFFB0];
	v5 =	vmul.f32 v5, v4;
	[tilespmem:s28+$0xFFFFFF20] =	vst v3;
	v7 =	vor.u32 v2, v7  }
0x6a: {  	v6 =	vmul.f32 v12, v4;
	v12 =	vld [tilespmem:s28+$0xFFFFFFC0];
	[tilespmem:s28+$0xFFFFFF40] =	vst v15;
	v7 =	vbroadcast v7, $0x0  }
0x6b: {  	v15 =	vld [tilespmem:s28+$0xFFFFFFF0];
	[tilespmem:s28+$0xFFFFFF60] =	vst v5;
	v5 =	vmul.f32 v9, v13  }
0x6c: {  	v9 =	vld [tilespmem:s28+$0x10];
	[tilespmem:s28+$0xFFFFFF30] =	vst v6;
	v10 =	vmul.f32 v10, v4  }
0x6d: {  	s29 =	simm.s32 $0x5;
	v6 =	vld [tilespmem:s28+$0xFFFFFFE0];
	[tilespmem:s28+$0xFFFFFF90] =	vst v5;
	v3 =	vmul.f32 v17, v13  }
0x6e: {  	v4 =	vmul.f32 v16, v4;
	v5 =	vmul.f32 v8, v13;
	v8 =	vld [tilespmem:s28+$0x30];
	v17 =	vmov s29;
	[tilespmem:s28+$0xFFFFFF50] =	vst v10  }
0x6f: {  	v14 =	vmul.f32 v14, v13;
	v10 =	vld [tilespmem:s28+$0x0];
	[tilespmem:s28+$0xFFFFFF80] =	vst v3;
	v3 =	vand.u32 $0x7D, v17  }
0x70: {  	[tilespmem:s28+$0xFFFFFF70] =	vst v4;
	v4 =	vmul.f32 v11, v13;
	v7 =	vld.idx.msk [tilespmem:v7+s17+$0x0], $0xffff;
	v3 =	vor.u32 v2, v3  }
0x71: {  	[tilespmem:s28+$0xFFFFFFD0] =	vst v14;
	v14 =	vld [tilespmem:s28+$0x70];
	v3 =	vbroadcast v3, $0x0  }
0x72: {  	v11 =	vld [tilespmem:s28+$0x20];
	[tilespmem:s28+$0xFFFFFFA0] =	vst v4;
	v4 =	vmul.f32 v12, v13  }
0x73: {  	[tilespmem:s28+$0xFFFFFFB0] =	vst v5;
	v12 =	vld [tilespmem:s28+$0x40];
	v6 =	vmul.f32 v6, v13;
	v13 =	vmul.f32 v15, v13  }
0x74: {  	[tilespmem:s28+$0xFFFFFFC0] =	vst v4;
	v4 =	vld [tilespmem:s28+$0x60]  }
0x75: {  	s29 =	simm.s32 $0x6;
	[tilespmem:s28+$0xFFFFFFF0] =	vst v13;
	v13 =	vld [tilespmem:s28+$0x90];
	v5 =	vmul.f32 v10, v7  }
0x76: {  	v16 =	vmov s29;
	[tilespmem:s28+$0xFFFFFFE0] =	vst v6;
	v10 =	vld [tilespmem:s28+$0x50];
	v6 =	vmul.f32 v9, v7  }
0x77: {  	v11 =	vmul.f32 v11, v7;
	v3 =	vld.idx.msk [tilespmem:v3+s17+$0x0], $0xffff;
	[tilespmem:s28+$0x0] =	vst v5;
	v5 =	vand.u32 $0x7E, v16  }
0x78: {  	v9 =	vld [tilespmem:s28+$0x80];
	[tilespmem:s28+$0x10] =	vst v6;
	v6 =	vmul.f32 v8, v7;
	v5 =	vor.u32 v2, v5  }
0x79: {  	[tilespmem:s28+$0x20] =	vst v11;
	v11 =	vmul.f32 v12, v7;
	v12 =	vld [tilespmem:s28+$0xB0];
	v5 =	vbroadcast v5, $0x0  }
0x7a: {  	v4 =	vmul.f32 v4, v7;
	v8 =	vld [tilespmem:s28+$0xA0];
	[tilespmem:s28+$0x30] =	vst v6  }
0x7b: {  	[tilespmem:s28+$0x40] =	vst v11;
	v11 =	vld [tilespmem:s28+$0xD0];
	v6 =	vmul.f32 v10, v7  }
0x7c: {  	[tilespmem:s28+$0x60] =	vst v4;
	v10 =	vld [tilespmem:s28+$0xC0];
	v4 =	vmul.f32 v13, v3  }
0x7d: {  	[tilespmem:s28+$0x50] =	vst v6;
	v6 =	vld [tilespmem:s28+$0xE0]  }
0x7e: {  	v9 =	vmul.f32 v9, v3;
	[tilespmem:s28+$0x90] =	vst v4;
	v4 =	vmul.f32 v12, v3;
	v12 =	vld [tilespmem:s28+$0x110]  }
0x7f: {  	[tilespmem:s28+$0xFFFFFEC0] =	vst v18;
	v17 =	vld.idx.msk [tilespmem:v5+s17+$0x0], $0xffff;
	v5 =	vmul.f32 v14, v7  }
0x80: {  	s29 =	simm.s32 $0x8;
	[tilespmem:s28+$0x80] =	vst v9;
	v7 =	vld [tilespmem:s28+$0xF0]  }
0x81: {  	s30 =	simm.s32 $0xB;
	v9 =	vmov s29;
	s29 =	simm.s32 $0x9;
	[tilespmem:s28+$0x70] =	vst v5;
	v5 =	vmul.f32 v8, v3;
	v8 =	vld [tilespmem:s28+$0x100]  }
0x82: {  	v15 =	vmov s30;
	s30 =	simm.s32 $0xD;
	v13 =	vmov s29;
	s29 =	simm.s32 $0xA;
	[tilespmem:s28+$0xB0] =	vst v4;
	v4 =	vmul.f32 v11, v3  }
0x83: {  	v18 =	vmov s30;
	v14 =	vmov s29;
	s29 =	simm.s32 $0xC;
	[tilespmem:s28+$0xA0] =	vst v5;
	v5 =	vmul.f32 v10, v3;
	v10 =	vld [tilespmem:s28+$0x120]  }
0x84: {  	v9 =	vand.u32 $0x78, v9;
	v11 =	vld [tilespmem:s28+$0x130];
	v16 =	vmov s29;
	[tilespmem:s28+$0xD0] =	vst v4;
	v12 =	vmul.f32 v12, v17  }
0x85: {  	v19 =	vld [tilespmem:s28+$0x140];
	s29 =	simm.s32 $0xE;
	[tilespmem:s28+$0xC0] =	vst v5;
	v5 =	vmul.f32 v6, v3;
	v6 =	vor.u32 v2, v9;
	v3 =	vmul.f32 v7, v3  }
0x86: {  	v7 =	vmov s29;
	v9 =	vand.u32 $0x79, v13;
	v4 =	vmul.f32 v8, v17;
	v8 =	vld [tilespmem:s28+$0x150];
	[tilespmem:s28+$0x110] =	vst v12  }
0x87: {  	v20 =	vld [tilespmem:s28+$0x160];
	v13 =	vand.u32 $0x7A, v14;
	v14 =	vand.u32 $0x7C, v16;
	[tilespmem:s28+$0xE0] =	vst v5;
	v5 =	vand.u32 $0x7B, v15  }
0x88: {  	[tilespmem:s28+$0xF0] =	vst v3;
	v3 =	vand.u32 $0x7D, v18;
	v15 =	vand.u32 $0x7E, v7;
	v18 =	vld [tilespmem:s28+$0x170];
	v7 =	vmul.f32 v10, v17  }
0x89: {  	v9 =	vor.u32 v2, v9;
	[tilespmem:s28+$0x100] =	vst v4;
	v4 =	vbroadcast v6, $0x0;
	v10 =	vmul.f32 v11, v17;
	v6 =	vld [tilespmem:s28+$0x180]  }
0x8a: {  	v14 =	vor.u32 v2, v14;
	v11 =	vor.u32 v2, v13;
	v13 =	vmul.f32 v19, v17;
	[tilespmem:s28+$0x120] =	vst v7;
	v7 =	vld [tilespmem:s28+$0x190]  }
0x8b: {  	v12 =	vor.u32 v2, v5;
	v5 =	vbroadcast v9, $0x0;
	[tilespmem:s28+$0x130] =	vst v10;
	v19 =	vmul.f32 v8, v17;
	v8 =	vld [tilespmem:s28+$0x1A0]  }
0x8c: {  	v16 =	vor.u32 v2, v3;
	v9 =	vld [tilespmem:s28+$0x1B0];
	v10 =	vbroadcast v11, $0x0;
	[tilespmem:s28+$0x140] =	vst v13;
	v13 =	vmul.f32 v20, v17  }
0x8d: {  	s30 =	simm.s32 $0xF;
	s29 =	simm.s32 $0x10;
	v15 =	vor.u32 v2, v15;
	v12 =	vbroadcast v12, $0x0;
	v11 =	vld [tilespmem:s28+$0x1C0];
	v17 =	vmul.f32 v18, v17;
	[tilespmem:s28+$0x150] =	vst v19  }
.LBB2_5:
0x8e: {  	p0 =	slt.u32 s29, $0x78;
	v3 =	vbroadcast v14, $0x0;
	v14 =	vmov s30;
	[tilespmem:s28+$0x160] =	vst v13;
	v6 =	vmul.f32 v6, v1;
	v13 =	vld [tilespmem:s28+$0x1D0]  }
0x8f: {  	v16 =	vbroadcast v16, $0x0;
	v14 =	vand.u32 $0x7F, v14;
	[tilespmem:s28+$0x170] =	vst v17;
	v7 =	vmul.f32 v7, v1;
	v17 =	vld [tilespmem:s28+$0x1E0]  }
0x90: {  	v15 =	vbroadcast v15, $0x0;
	v18 =	vld.idx.msk [tilespmem:v4+s17+$0x0], $0xffff;
	v4 =	vor.u32 v2, v14;
	[tilespmem:s28+$0x180] =	vst v6;
	v6 =	vmul.f32 v8, v1  }
0x91: {  	v8 =	vld.idx.msk [tilespmem:v5+s17+$0x0], $0xffff;
	v14 =	vbroadcast v4, $0x0;
	[tilespmem:s28+$0x190] =	vst v7;
	v4 =	vmul.f32 v9, v1  }
0x92: {  	v7 =	vld.idx.msk [tilespmem:v10+s17+$0x0], $0xffff;
	[tilespmem:s28+$0x1A0] =	vst v6;
	v9 =	vmul.f32 v11, v1  }
0x93: {  	v6 =	vld.idx.msk [tilespmem:v12+s17+$0x0], $0xffff;
	[tilespmem:s28+$0x1B0] =	vst v4;
	v10 =	vmul.f32 v13, v1  }
0x94: {  	v5 =	vld.idx.msk [tilespmem:v3+s17+$0x0], $0xffff;
	[tilespmem:s28+$0x1C0] =	vst v9;
	v1 =	vmul.f32 v17, v1  }
0x95: {  	v4 =	vld.idx.msk [tilespmem:v16+s17+$0x0], $0xffff;
	[tilespmem:s28+$0x1D0] =	vst v10  }
0x96: {  	v3 =	vld.idx.msk [tilespmem:v15+s17+$0x0], $0xffff;
	[tilespmem:s28+$0x1E0] =	vst v1  }
0x97: {  	s28 =	sadd.s32 $0x400, s28;
	v1 =	vld.idx.msk [tilespmem:v14+s17+$0x0], $0xffff  }
0x98: {  	v9 =	vld [tilespmem:s28+$0x1F0]  }
0x99: {  	v10 =	vld [tilespmem:s28+$0xFFFFFE00]  }
0x9a: {  	v11 =	vld [tilespmem:s28+$0xFFFFFE10]  }
0x9b: {  	v12 =	vld [tilespmem:s28+$0xFFFFFE20]  }
0x9c: {  	v13 =	vld [tilespmem:s28+$0xFFFFFE30]  }
0x9d: {  	v14 =	vld [tilespmem:s28+$0xFFFFFE40];
	v9 =	vmul.f32 v9, v1  }
0x9e: {  	v10 =	vmul.f32 v10, v18;
	v15 =	vld [tilespmem:s28+$0xFFFFFE50]  }
0x9f: {  	v11 =	vmul.f32 v11, v18;
	v16 =	vld [tilespmem:s28+$0xFFFFFE60];
	[tilespmem:s28+$0x1F0] =	vst v9  }
0xa0: {  	[tilespmem:s28+$0xFFFFFE00] =	vst v10;
	v9 =	vmul.f32 v12, v18;
	v10 =	vld [tilespmem:s28+$0xFFFFFE70]  }
0xa1: {  	[tilespmem:s28+$0xFFFFFE10] =	vst v11;
	v11 =	vmul.f32 v13, v18;
	v12 =	vld [tilespmem:s28+$0xFFFFFE80]  }
0xa2: {  	[tilespmem:s28+$0xFFFFFE20] =	vst v9;
	v9 =	vmul.f32 v14, v18;
	v13 =	vld [tilespmem:s28+$0xFFFFFE90]  }
0xa3: {  	[tilespmem:s28+$0xFFFFFE30] =	vst v11;
	v11 =	vmul.f32 v15, v18;
	v14 =	vld [tilespmem:s28+$0xFFFFFEA0]  }
0xa4: {  	[tilespmem:s28+$0xFFFFFE40] =	vst v9;
	v9 =	vmul.f32 v16, v18;
	v15 =	vld [tilespmem:s28+$0xFFFFFEB0]  }
0xa5: {  	[tilespmem:s28+$0xFFFFFE50] =	vst v11;
	v10 =	vmul.f32 v10, v18;
	v11 =	vld [tilespmem:s28+$0xFFFFFEC0]  }
0xa6: {  	[tilespmem:s28+$0xFFFFFE60] =	vst v9;
	v9 =	vmul.f32 v12, v8;
	v12 =	vld [tilespmem:s28+$0xFFFFFED0]  }
0xa7: {  	[tilespmem:s28+$0xFFFFFE70] =	vst v10;
	v10 =	vmul.f32 v13, v8;
	v13 =	vld [tilespmem:s28+$0xFFFFFEE0]  }
0xa8: {  	[tilespmem:s28+$0xFFFFFE80] =	vst v9;
	v9 =	vmul.f32 v14, v8;
	v14 =	vld [tilespmem:s28+$0xFFFFFEF0]  }
0xa9: {  	[tilespmem:s28+$0xFFFFFE90] =	vst v10;
	v10 =	vmul.f32 v15, v8;
	v15 =	vld [tilespmem:s28+$0xFFFFFF00]  }
0xaa: {  	[tilespmem:s28+$0xFFFFFEA0] =	vst v9;
	v9 =	vmul.f32 v11, v8;
	v11 =	vld [tilespmem:s28+$0xFFFFFF10]  }
0xab: {  	[tilespmem:s28+$0xFFFFFEB0] =	vst v10;
	v10 =	vmul.f32 v12, v8;
	v12 =	vld [tilespmem:s28+$0xFFFFFF20]  }
0xac: {  	[tilespmem:s28+$0xFFFFFEC0] =	vst v9;
	v9 =	vmul.f32 v13, v8;
	v13 =	vld [tilespmem:s28+$0xFFFFFF30]  }
0xad: {  	[tilespmem:s28+$0xFFFFFED0] =	vst v10;
	v8 =	vmul.f32 v14, v8;
	v10 =	vld [tilespmem:s28+$0xFFFFFF40]  }
0xae: {  	[tilespmem:s28+$0xFFFFFEE0] =	vst v9;
	v9 =	vmul.f32 v15, v7;
	v14 =	vld [tilespmem:s28+$0xFFFFFF50]  }
0xaf: {  	[tilespmem:s28+$0xFFFFFEF0] =	vst v8;
	v8 =	vmul.f32 v11, v7;
	v11 =	vld [tilespmem:s28+$0xFFFFFF60]  }
0xb0: {  	[tilespmem:s28+$0xFFFFFF00] =	vst v9;
	v9 =	vmul.f32 v12, v7;
	v12 =	vld [tilespmem:s28+$0xFFFFFF70]  }
0xb1: {  	[tilespmem:s28+$0xFFFFFF10] =	vst v8;
	v8 =	vmul.f32 v13, v7;
	v13 =	vld [tilespmem:s28+$0xFFFFFF80]  }
0xb2: {  	[tilespmem:s28+$0xFFFFFF20] =	vst v9;
	v9 =	vmul.f32 v10, v7;
	v10 =	vld [tilespmem:s28+$0xFFFFFF90]  }
0xb3: {  	[tilespmem:s28+$0xFFFFFF30] =	vst v8;
	v8 =	vmul.f32 v14, v7;
	v14 =	vld [tilespmem:s28+$0xFFFFFFA0]  }
0xb4: {  	[tilespmem:s28+$0xFFFFFF40] =	vst v9;
	v9 =	vmul.f32 v11, v7;
	v11 =	vld [tilespmem:s28+$0xFFFFFFB0]  }
0xb5: {  	[tilespmem:s28+$0xFFFFFF50] =	vst v8;
	v7 =	vmul.f32 v12, v7;
	v8 =	vld [tilespmem:s28+$0xFFFFFFC0]  }
0xb6: {  	[tilespmem:s28+$0xFFFFFF60] =	vst v9;
	v9 =	vmul.f32 v13, v6;
	v12 =	vld [tilespmem:s28+$0xFFFFFFD0]  }
0xb7: {  	[tilespmem:s28+$0xFFFFFF70] =	vst v7;
	v7 =	vmul.f32 v10, v6;
	v10 =	vld [tilespmem:s28+$0xFFFFFFE0]  }
0xb8: {  	[tilespmem:s28+$0xFFFFFF80] =	vst v9;
	v9 =	vmul.f32 v14, v6;
	v13 =	vld [tilespmem:s28+$0xFFFFFFF0]  }
0xb9: {  	[tilespmem:s28+$0xFFFFFF90] =	vst v7;
	v7 =	vmul.f32 v11, v6;
	v11 =	vld [tilespmem:s28+$0x0]  }
0xba: {  	[tilespmem:s28+$0xFFFFFFA0] =	vst v9;
	v8 =	vmul.f32 v8, v6;
	v9 =	vld [tilespmem:s28+$0x10]  }
0xbb: {  	[tilespmem:s28+$0xFFFFFFB0] =	vst v7;
	v7 =	vmul.f32 v12, v6;
	v12 =	vld [tilespmem:s28+$0x20]  }
0xbc: {  	[tilespmem:s28+$0xFFFFFFC0] =	vst v8;
	v8 =	vmul.f32 v10, v6;
	v10 =	vld [tilespmem:s28+$0x30]  }
0xbd: {  	[tilespmem:s28+$0xFFFFFFD0] =	vst v7;
	v6 =	vmul.f32 v13, v6;
	v7 =	vld [tilespmem:s28+$0x40]  }
0xbe: {  	[tilespmem:s28+$0xFFFFFFE0] =	vst v8;
	v8 =	vmul.f32 v11, v5;
	v11 =	vld [tilespmem:s28+$0x50]  }
0xbf: {  	[tilespmem:s28+$0xFFFFFFF0] =	vst v6;
	v6 =	vmul.f32 v9, v5;
	v9 =	vld [tilespmem:s28+$0x60]  }
0xc0: {  	[tilespmem:s28+$0x0] =	vst v8;
	v8 =	vmul.f32 v12, v5;
	v12 =	vld [tilespmem:s28+$0x70]  }
0xc1: {  	[tilespmem:s28+$0x10] =	vst v6;
	v6 =	vmul.f32 v10, v5;
	v10 =	vld [tilespmem:s28+$0x80]  }
0xc2: {  	[tilespmem:s28+$0x20] =	vst v8;
	v7 =	vmul.f32 v7, v5;
	v8 =	vld [tilespmem:s28+$0x90]  }
0xc3: {  	[tilespmem:s28+$0x30] =	vst v6;
	v6 =	vmul.f32 v11, v5;
	v11 =	vld [tilespmem:s28+$0xA0]  }
0xc4: {  	[tilespmem:s28+$0x40] =	vst v7;
	v7 =	vmul.f32 v9, v5;
	v9 =	vld [tilespmem:s28+$0xB0]  }
0xc5: {  	[tilespmem:s28+$0x50] =	vst v6;
	v5 =	vmul.f32 v12, v5;
	v6 =	vld [tilespmem:s28+$0xC0]  }
0xc6: {  	[tilespmem:s28+$0x60] =	vst v7;
	v7 =	vmul.f32 v10, v4;
	v10 =	vld [tilespmem:s28+$0xD0]  }
0xc7: {  	[tilespmem:s28+$0x70] =	vst v5;
	v5 =	vmul.f32 v8, v4;
	v8 =	vld [tilespmem:s28+$0xE0]  }
0xc8: {  	[tilespmem:s28+$0x80] =	vst v7;
	v7 =	vmul.f32 v11, v4;
	v11 =	vld [tilespmem:s28+$0xF0]  }
0xc9: {  	s30 =	sadd.s32 $0x1, s29;
	v12 =	vmov s29;
	[tilespmem:s28+$0x90] =	vst v5;
	v5 =	vmul.f32 v9, v4;
	v9 =	vld [tilespmem:s28+$0x100]  }
0xca: {  	s31 =	sadd.s32 $0x3, s29;
	v13 =	vmov s30;
	s30 =	sadd.s32 $0x2, s29;
	v12 =	vand.u32 $0x78, v12;
	[tilespmem:s28+$0xA0] =	vst v7;
	v6 =	vmul.f32 v6, v4;
	v7 =	vld [tilespmem:s28+$0x110]  }
0xcb: {  	v15 =	vmov s31;
	s31 =	sadd.s32 $0x5, s29;
	v14 =	vmov s30;
	s30 =	sadd.s32 $0x4, s29;
	[tilespmem:s28+$0xB0] =	vst v5;
	v5 =	vmul.f32 v10, v4;
	v10 =	vld [tilespmem:s28+$0x120]  }
0xcc: {  	v17 =	vmov s31;
	v16 =	vmov s30;
	s30 =	sadd.s32 $0x6, s29;
	[tilespmem:s28+$0xC0] =	vst v6;
	v6 =	vmul.f32 v8, v4;
	v8 =	vld [tilespmem:s28+$0x130]  }
0xcd: {  	v18 =	vmov s30;
	v12 =	vor.u32 v2, v12;
	[tilespmem:s28+$0xD0] =	vst v5;
	v4 =	vmul.f32 v11, v4;
	v5 =	vld [tilespmem:s28+$0x140]  }
0xce: {  	v11 =	vand.u32 $0x79, v13;
	v13 =	vand.u32 $0x7A, v14;
	[tilespmem:s28+$0xE0] =	vst v6;
	v6 =	vmul.f32 v9, v3;
	v9 =	vld [tilespmem:s28+$0x150]  }
0xcf: {  	v14 =	vand.u32 $0x7B, v15;
	v15 =	vand.u32 $0x7C, v16;
	[tilespmem:s28+$0xF0] =	vst v4;
	v7 =	vmul.f32 v7, v3;
	v19 =	vld [tilespmem:s28+$0x160]  }
0xd0: {  	v16 =	vand.u32 $0x7D, v17;
	v17 =	vand.u32 $0x7E, v18;
	[tilespmem:s28+$0x100] =	vst v6;
	v10 =	vmul.f32 v10, v3;
	v18 =	vld [tilespmem:s28+$0x170]  }
.Ltmp1:
0xd1: {  	v11 =	vor.u32 v2, v11;
	v4 =	vbroadcast v12, $0x0;
	[tilespmem:s28+$0x110] =	vst v7;
	v8 =	vmul.f32 v8, v3;
	v6 =	vld [tilespmem:s28+$0x180];
	(pc) =	sbr.rel @p0 .LBB2_5-.Ltmp1, $4  }
0xd2: {  	v20 =	vor.u32 v2, v14;
	v12 =	vor.u32 v2, v13;
	[tilespmem:s28+$0x120] =	vst v10;
	v13 =	vmul.f32 v5, v3;
	v7 =	vld [tilespmem:s28+$0x190]  }
0xd3: {  	v14 =	vor.u32 v2, v15;
	v5 =	vbroadcast v11, $0x0;
	[tilespmem:s28+$0x130] =	vst v8;
	v11 =	vmul.f32 v9, v3;
	v8 =	vld [tilespmem:s28+$0x1A0]  }
0xd4: {  	v16 =	vor.u32 v2, v16;
	v10 =	vbroadcast v12, $0x0;
	[tilespmem:s28+$0x140] =	vst v13;
	v13 =	vmul.f32 v19, v3;
	v9 =	vld [tilespmem:s28+$0x1B0]  }
0xd5: {  	s30 =	sadd.s32 $0x7, s29;
	s29 =	sadd.s32 $0x8, s29;
	v15 =	vor.u32 v2, v17;
	v12 =	vbroadcast v20, $0x0;
	[tilespmem:s28+$0x150] =	vst v11;
	v17 =	vmul.f32 v18, v3;
	v11 =	vld [tilespmem:s28+$0x1C0]  }
0xd6: {  	_ =	sdelay $0x1  }
0xd7: {  	v18 =	vld [tilespmem:s28+$0x1D0]  }
0xd8: {  	v19 =	vld [tilespmem:s28+$0x1E0]  }
0xd9: {  	v63 =	vld.idx.msk [tilespmem:v4+s17+$0x0], $0xffff  }
0xda: {  	v20 =	vld.idx.msk [tilespmem:v5+s17+$0x0], $0xffff  }
0xdb: {  	v10 =	vld.idx.msk [tilespmem:v10+s17+$0x0], $0xffff  }
0xdc: {  	s29 =	sadd.s32 $0x400, s28;
	v12 =	vld.idx.msk [tilespmem:v12+s17+$0x0], $0xffff  }
0xdd: {  	v24 =	vld [tilespmem:s29+$0x1F0]  }
0xde: {  	v26 =	vld [tilespmem:s29+$0xFFFFFE00]  }
0xdf: {  	[tilespmem:s28+$0x160] =	vst v13;
	v6 =	vmul.f32 v6, v1;
	v28 =	vld [tilespmem:s29+$0xFFFFFE10]  }
0xe0: {  	[tilespmem:s28+$0x170] =	vst v17;
	v7 =	vmul.f32 v7, v1;
	v30 =	vld [tilespmem:s29+$0xFFFFFE20]  }
0xe1: {  	v31 =	vld [tilespmem:s29+$0xFFFFFE30];
	[tilespmem:s28+$0x180] =	vst v6;
	v23 =	vmul.f32 v8, v1  }
0xe2: {  	v32 =	vld [tilespmem:s29+$0xFFFFFE40];
	[tilespmem:s28+$0x190] =	vst v7;
	v25 =	vmul.f32 v9, v1  }
0xe3: {  	v33 =	vld [tilespmem:s29+$0xFFFFFE50];
	[tilespmem:s28+$0x1A0] =	vst v23;
	v27 =	vmul.f32 v11, v1  }
0xe4: {  	v34 =	vld [tilespmem:s29+$0xFFFFFE60];
	[tilespmem:s28+$0x1B0] =	vst v25;
	v29 =	vmul.f32 v18, v1  }
0xe5: {  	v35 =	vld [tilespmem:s29+$0xFFFFFE70];
	v1 =	vmul.f32 v19, v1;
	[tilespmem:s28+$0x1C0] =	vst v27  }
0xe6: {  	v36 =	vld [tilespmem:s29+$0xFFFFFE80];
	v11 =	vmul.f32 v28, v63;
	[tilespmem:s28+$0x1D0] =	vst v29  }
0xe7: {  	v37 =	vld [tilespmem:s29+$0xFFFFFE90];
	[tilespmem:s28+$0x1E0] =	vst v1;
	v1 =	vmul.f32 v26, v63  }
0xe8: {  	v39 =	vld [tilespmem:s29+$0xFFFFFEA0];
	v6 =	vmul.f32 v31, v63;
	[tilespmem:s29+$0xFFFFFE10] =	vst v11  }
0xe9: {  	v40 =	vld [tilespmem:s29+$0xFFFFFEB0];
	[tilespmem:s29+$0xFFFFFE00] =	vst v1;
	v1 =	vmul.f32 v30, v63  }
0xea: {  	v42 =	vld [tilespmem:s29+$0xFFFFFEC0];
	v38 =	vmul.f32 v33, v63;
	[tilespmem:s29+$0xFFFFFE30] =	vst v6  }
0xeb: {  	v43 =	vld [tilespmem:s29+$0xFFFFFED0];
	[tilespmem:s29+$0xFFFFFE20] =	vst v1;
	v1 =	vmul.f32 v32, v63  }
0xec: {  	v45 =	vld [tilespmem:s29+$0xFFFFFEE0];
	v41 =	vmul.f32 v35, v63;
	[tilespmem:s29+$0xFFFFFE50] =	vst v38  }
0xed: {  	v46 =	vld [tilespmem:s29+$0xFFFFFEF0];
	[tilespmem:s29+$0xFFFFFE40] =	vst v1;
	v1 =	vmul.f32 v34, v63  }
0xee: {  	v48 =	vld [tilespmem:s29+$0xFFFFFF00];
	v44 =	vmul.f32 v37, v20;
	[tilespmem:s29+$0xFFFFFE70] =	vst v41  }
0xef: {  	v49 =	vld [tilespmem:s29+$0xFFFFFF10];
	[tilespmem:s29+$0xFFFFFE60] =	vst v1;
	v1 =	vmul.f32 v36, v20  }
0xf0: {  	v51 =	vld [tilespmem:s29+$0xFFFFFF20];
	v47 =	vmul.f32 v40, v20;
	[tilespmem:s29+$0xFFFFFE90] =	vst v44  }
0xf1: {  	v52 =	vld [tilespmem:s29+$0xFFFFFF30];
	[tilespmem:s29+$0xFFFFFE80] =	vst v1;
	v1 =	vmul.f32 v39, v20  }
0xf2: {  	v54 =	vld [tilespmem:s29+$0xFFFFFF40];
	v50 =	vmul.f32 v43, v20;
	[tilespmem:s29+$0xFFFFFEB0] =	vst v47  }
0xf3: {  	v55 =	vld [tilespmem:s29+$0xFFFFFF50];
	[tilespmem:s29+$0xFFFFFEA0] =	vst v1;
	v1 =	vmul.f32 v42, v20  }
0xf4: {  	v3 =	vbroadcast v14, $0x0;
	v57 =	vld [tilespmem:s29+$0xFFFFFF60];
	v53 =	vmul.f32 v46, v20;
	[tilespmem:s29+$0xFFFFFED0] =	vst v50  }
0xf5: {  	v15 =	vbroadcast v15, $0x0;
	v58 =	vld [tilespmem:s29+$0xFFFFFF70];
	[tilespmem:s29+$0xFFFFFEC0] =	vst v1;
	v1 =	vmul.f32 v45, v20  }
0xf6: {  	v62 =	vmov s30;
	v60 =	vld [tilespmem:s29+$0xFFFFFF80];
	v56 =	vmul.f32 v49, v10;
	[tilespmem:s29+$0xFFFFFEF0] =	vst v53  }
0xf7: {  	v16 =	vbroadcast v16, $0x0;
	v14 =	vand.u32 $0x7F, v62;
	v61 =	vld [tilespmem:s29+$0xFFFFFF90];
	[tilespmem:s29+$0xFFFFFEE0] =	vst v1;
	v1 =	vmul.f32 v48, v10  }
0xf8: {  	v2 =	vor.u32 v2, v14;
	v14 =	vld [tilespmem:s29+$0xFFFFFFB0];
	v59 =	vmul.f32 v52, v10;
	[tilespmem:s29+$0xFFFFFF10] =	vst v56  }
0xf9: {  	v23 =	vld [tilespmem:s29+$0x10];
	[tilespmem:s29+$0xFFFFFF00] =	vst v1;
	v1 =	vmul.f32 v51, v10  }
0xfa: {  	v5 =	vld.idx.msk [tilespmem:v3+s17+$0x0], $0xffff;
	v62 =	vmul.f32 v55, v10;
	[tilespmem:s29+$0xFFFFFF30] =	vst v59  }
0xfb: {  	v3 =	vld.idx.msk [tilespmem:v15+s17+$0x0], $0xffff;
	[tilespmem:s29+$0xFFFFFF20] =	vst v1;
	v1 =	vmul.f32 v54, v10  }
0xfc: {  	v15 =	vmul.f32 v58, v10;
	[tilespmem:s29+$0xFFFFFF50] =	vst v62;
	v63 =	vld [tilespmem:s29+$0xFFFFFFA0]  }
0xfd: {  	v4 =	vld.idx.msk [tilespmem:v16+s17+$0x0], $0xffff;
	[tilespmem:s29+$0xFFFFFF40] =	vst v1;
	v1 =	vmul.f32 v57, v10  }
0xfe: {  	v16 =	vld [tilespmem:s29+$0xFFFFFFC0];
	v18 =	vmul.f32 v61, v12;
	[tilespmem:s29+$0xFFFFFF70] =	vst v15  }
0xff: {  	v35 =	vld [tilespmem:s29+$0x90];
	[tilespmem:s29+$0xFFFFFF60] =	vst v1;
	v1 =	vmul.f32 v60, v12  }
0x100: {  	v19 =	vld [tilespmem:s29+$0xFFFFFFE0];
	v21 =	vmul.f32 v14, v12;
	[tilespmem:s29+$0xFFFFFF90] =	vst v18  }
0x101: {  	v40 =	vld [tilespmem:s29+$0xD0];
	[tilespmem:s29+$0xFFFFFF80] =	vst v1;
	v1 =	vmul.f32 v63, v12  }
0x102: {  	v22 =	vld [tilespmem:s29+$0x0];
	[tilespmem:s29+$0xFFFFFFB0] =	vst v21;
	v30 =	vmul.f32 v23, v5  }
0x103: {  	v46 =	vld [tilespmem:s29+$0x110];
	[tilespmem:s29+$0xFFFFFFA0] =	vst v1;
	v1 =	vmul.f32 v16, v12  }
0x104: {  	v25 =	vld [tilespmem:s29+$0x20];
	v41 =	vmul.f32 v35, v4;
	[tilespmem:s29+$0x10] =	vst v30  }
0x105: {  	v2 =	vbroadcast v2, $0x0;
	v49 =	vld [tilespmem:s29+$0x130];
	[tilespmem:s29+$0xFFFFFFC0] =	vst v1;
	v1 =	vmul.f32 v19, v12  }
0x106: {  	v28 =	vld [tilespmem:s29+$0x40];
	v47 =	vmul.f32 v40, v4;
	[tilespmem:s29+$0x90] =	vst v41  }
0x107: {  	v26 =	vld [tilespmem:s29+$0x30];
	[tilespmem:s29+$0xFFFFFFE0] =	vst v1;
	v1 =	vmul.f32 v22, v5  }
0x108: {  	v31 =	vld [tilespmem:s29+$0x60];
	v52 =	vmul.f32 v46, v3;
	[tilespmem:s29+$0xD0] =	vst v47  }
0x109: {  	v38 =	vld [tilespmem:s29+$0xB0];
	[tilespmem:s29+$0x0] =	vst v1;
	v1 =	vmul.f32 v25, v5  }
0x10a: {  	v55 =	vmul.f32 v49, v3;
	v34 =	vld [tilespmem:s29+$0x80];
	[tilespmem:s29+$0x110] =	vst v52  }
0x10b: {  	v2 =	vld.idx.msk [tilespmem:v2+s17+$0x0], $0xffff;
	[tilespmem:s29+$0x20] =	vst v1;
	v1 =	vmul.f32 v28, v5  }
0x10c: {  	v37 =	vld [tilespmem:s29+$0xA0];
	v33 =	vmul.f32 v26, v5;
	[tilespmem:s29+$0x130] =	vst v55  }
0x10d: {  	v17 =	vld [tilespmem:s29+$0xFFFFFFD0];
	[tilespmem:s29+$0x40] =	vst v1;
	v1 =	vmul.f32 v31, v5  }
0x10e: {  	v44 =	vmul.f32 v38, v4;
	[tilespmem:s29+$0x30] =	vst v33;
	v39 =	vld [tilespmem:s29+$0xC0]  }
0x10f: {  	v29 =	vld [tilespmem:s29+$0x50];
	[tilespmem:s29+$0x60] =	vst v1;
	v1 =	vmul.f32 v34, v4  }
0x110: {  	v8 =	vmul.f32 v24, v2;
	[tilespmem:s29+$0xB0] =	vst v44;
	v42 =	vld [tilespmem:s29+$0xE0]  }
0x111: {  	v20 =	vld [tilespmem:s29+$0xFFFFFFF0];
	[tilespmem:s29+$0x80] =	vst v1;
	v1 =	vmul.f32 v37, v4  }
0x112: {  	v24 =	vmul.f32 v17, v12;
	[tilespmem:s29+$0x1F0] =	vst v8;
	v45 =	vld [tilespmem:s29+$0x100]  }
0x113: {  	v51 =	vld [tilespmem:s29+$0x150];
	[tilespmem:s29+$0xA0] =	vst v1;
	v1 =	vmul.f32 v39, v4  }
0x114: {  	v36 =	vmul.f32 v29, v5;
	[tilespmem:s29+$0xFFFFFFD0] =	vst v24;
	v48 =	vld [tilespmem:s29+$0x120]  }
0x115: {  	v32 =	vld [tilespmem:s29+$0x70];
	[tilespmem:s29+$0xC0] =	vst v1;
	v1 =	vmul.f32 v42, v4  }
0x116: {  	v50 =	vld [tilespmem:s29+$0x140];
	[tilespmem:s29+$0x50] =	vst v36;
	v27 =	vmul.f32 v20, v12  }
0x117: {  	v43 =	vld [tilespmem:s29+$0xF0];
	[tilespmem:s29+$0xE0] =	vst v1;
	v1 =	vmul.f32 v45, v3  }
0x118: {  	v53 =	vld [tilespmem:s29+$0x160];
	[tilespmem:s29+$0xFFFFFFF0] =	vst v27;
	v58 =	vmul.f32 v51, v3  }
0x119: {  	v54 =	vld [tilespmem:s29+$0x170];
	[tilespmem:s29+$0x100] =	vst v1;
	v1 =	vmul.f32 v48, v3  }
0x11a: {  	v56 =	vld [tilespmem:s29+$0x180];
	[tilespmem:s29+$0x150] =	vst v58;
	v5 =	vmul.f32 v32, v5  }
0x11b: {  	v57 =	vld [tilespmem:s29+$0x190];
	[tilespmem:s29+$0x120] =	vst v1;
	v1 =	vmul.f32 v50, v3  }
0x11c: {  	v59 =	vld [tilespmem:s29+$0x1A0];
	[tilespmem:s29+$0x70] =	vst v5;
	v4 =	vmul.f32 v43, v4  }
0x11d: {  	v60 =	vld [tilespmem:s29+$0x1B0];
	[tilespmem:s29+$0x140] =	vst v1;
	v1 =	vmul.f32 v53, v3  }
0x11e: {  	v61 =	vld [tilespmem:s29+$0x1C0];
	[tilespmem:s29+$0xF0] =	vst v4;
	v3 =	vmul.f32 v54, v3  }
0x11f: {  	v62 =	vld [tilespmem:s29+$0x1D0];
	[tilespmem:s29+$0x160] =	vst v1;
	v1 =	vmul.f32 v56, v2  }
0x120: {  	v63 =	vld [tilespmem:s29+$0x1E0];
	[tilespmem:s29+$0x170] =	vst v3;
	v3 =	vmul.f32 v57, v2  }
0x121: {  	[tilespmem:s29+$0x180] =	vst v1;
	v1 =	vmul.f32 v59, v2  }
0x122: {  	[tilespmem:s29+$0x190] =	vst v3;
	v3 =	vmul.f32 v60, v2  }
0x123: {  	[tilespmem:s29+$0x1A0] =	vst v1;
	v1 =	vmul.f32 v61, v2  }
0x124: {  	[tilespmem:s29+$0x1B0] =	vst v3;
	v3 =	vmul.f32 v62, v2  }
0x125: {  	s25 =	sadd.s32 $0x1, s25;
	[tilespmem:s29+$0x1C0] =	vst v1;
	v1 =	vmul.f32 v63, v2  }
0x126: {  	p0 =	sne.s32 s25, $0x50;
	[tilespmem:s29+$0x1D0] =	vst v3  }
.Ltmp2:
0x127: {  	s26 =	sadd.s32 $0x2800, s26;
	[tilespmem:s29+$0x1E0] =	vst v1;
	(pc) =	sbr.rel @p0 .LBB2_4-.Ltmp2, $4  }
0x128: {  	[spmem:s2] =	stream.indirect.scatter.add.f32 [tilespmem:s18], [sflag:$0x2], $0x80, s26, s19, $0xb8;
	[tilespmem:$0x1F800] =	vst v63  }
0x129: {  	_ =	swait.ge [sflag:s15], $0x4000  }
0x12a: {  	[sflag:s15] =	ssyncset.done $0x0  }
0x12b: {  	[sflag:s15] =	ssyncadd.s32 $0xFFFFC000  }
0x12c: {  	s23 =	sadd.s32 $0x1, s23  }
0x12d: {  	p0 =	sne.s32 s23, s14  }
.Ltmp3:
0x12e: {  	[bflag:$0x0] =	sbarrier.arrive $0xFFFF;
	(pc) =	sbr.rel @p0 .LBB2_1-.Ltmp3, $4  }
0x12f: {  	[hbm:s13], [sflag:s21] =	dma.local [spmem:s22], $0x2800  }
0x130: {  	_ =	swait.ge [sflag:s15], $0x2800  }
0x131: {  	[sflag:s15] =	ssyncset.done $0x0  }
0x132: {  	[sflag:s15] =	ssyncadd.s32 $0xFFFFD800  }
0x133: {  	_ =	sfence.sel $0x180000  }
0x134: {  	[bflag:$0x0] =	sbarrier.arrive $0xFFFF  }
0x135: {  	p0 =	sne.s32 s1, $0x0;
	_ =	strace $0x9000004D  }
0x136: {  	s0 =	sadd.s32 @!p0 $0x100000, s0;
	[bflag:$0x2] =	sbarrier.arrive $0xFFFF  }
0x137: {  	[sflag:s0] =	ssyncadd.tile.s32 @!p0 $0x1;
	_ =	shalt  }
.Lfunc_end2:
_tile_overlayer_lowered:
.L_overlay_start_2:
0x138: {  	(tag) =	ssettag $0x2  }
0x139: {  	s0 =	rddreg [dreg:$0x0];
	s2 =	stileid.u32  }
0x13a: {  	s1 =	rddreg [dreg:$0x1];
	p0 =	sne.s32 s2, $0x0  }
0x13b: {  	s3 =	rddreg [dreg:$0x2];
	[bflag:$0x3] =	sbarrier.arrive $0xFFFF;
	s2 =	simm.s32 @!p0 $0x1C02  }
0x13c: {  	[timem:s3], [sflag:s2] =	dma.local @!p0 [hbm:s0], s1  }
0x13d: {  	s0 =	simm.s32 @!p0 $0x2  }
0x13e: {  	_ =	swait.ge @!p0 [sflag:s0], s1  }
0x13f: {  	s1 =	ssub.s32 @!p0 $0x0, s1;
	[sflag:s0] =	ssyncset.done @!p0 $0x0  }
0x140: {  	[sflag:s0] =	ssyncadd.s32 @!p0 s1  }
0x141: {  	[bflag:$0x3] =	sbarrier.arrive $0xFFFF  }
0x142: {  	_ =	shalt  }

// kernel: kernel.8.cloned.1.call-start
scs
__scs_entry_jumppad:
0x0: {  	(pc) =	sbr.rel $0x88, $3  }
0x1: {  	(tag) =	ssettag $0x0;
	lr =	simm.s32 $0x1  }
0x2: {  	[smem:$0x3F90] =	sst lr;
	_ =	strace $0xD0000000  }
0x3: {  	_ = 	snop  }
0x4: {  	_ = 	snop  }
0x5: {  	_ = 	snop  }
0x6: {  	_ = 	snop  }
0x7: {  	_ = 	snop  }
__scs_overlays_trampoline_lowered:
0x8: {  	[smem:$0x3F9F] =	sst s0  }
0x9: {  	[smem:$0x3FA0] =	sst s1  }
0xa: {  	[smem:$0x3FA1] =	sst s2  }
0xb: {  	[smem:$0x3FA2] =	sst s3  }
0xc: {  	[smem:$0x3FA3] =	sst s4  }
0xd: {  	[smem:$0x3FA4] =	sst s5  }
0xe: {  	[smem:$0x3FA5] =	sst s6  }
0xf: {  	[smem:$0x3FA6] =	sst s7  }
0x10: {  	[smem:$0x3FA7] =	sst s8  }
0x11: {  	[smem:$0x3FA8] =	sst s9;
	s0 =	simm.s32 @!p0 $0x0  }
0x12: {  	s1 =	sld [smem:$0x3F8E];
	s0 =	simm.s32 @p0 $0x1  }
0x13: {  	[smem:$0x3FA9] =	sst s0;
	s0 =	simm.s32 @!p1 $0x0  }
0x14: {  	s2 =	sld [smem:$0x3F8D];
	s0 =	simm.s32 @p1 $0x1  }
0x15: {  	[smem:$0x3FAA] =	sst s0;
	s0 =	simm.s32 @!p2 $0x0  }
0x16: {  	s3 =	sld [smem:$0x3FDB];
	s0 =	simm.s32 @p2 $0x1  }
0x17: {  	s4 =	simm.s32 $0x1BF5;
	[smem:$0x3FAC] =	sst s0  }
0x18: {  	s0 =	sld [smem:$0x3F8F];
	_ =	swait.ge [sflag:s4], $0x0  }
0x19: {  	s7 =	sld [smem:$0x3F90]  }
0x1a: {  	s8 =	sadd.s32 $0xFFFFE003, lr  }
0x1b: {  	s9 =	sadd.s32 $0xFFFFFEF7, lr;
	s5 =	simm.s32 $0xFFFFFFFF;
	p2 =	slt.u32 s8, $0xFFFFF086  }
0x1c: {  	p1 =	slt.u32 s9, $0xF7A;
	s5 =	simm.s32 @!p2 $0x0  }
0x1d: {  	s5 =	simm.s32 @p1 $0x1;
	p0 =	seq.s32 s7, s2  }
0x1e: {  	s7 =	smul.u32 @!p0 $0xF7A, s2;
	p2 =	seq.s32 @!p0 s5, $0x0  }
0x1f: {  	s9 =	smul.u32 $0xF7A, s1;
	s8 =	simm.s32 @!p0 $0x1BF5;
	p2 =	por !p2, p0  }
0x20: {  	[sflag:s8] =	ssyncset.s32 @!p0 $0xFFFFF086;
	s6 =	sadd.s32 @!p0 s3, s7;
	s7 =	simm.s32 @!p0 $0x108  }
0x21: {  	s3 =	sadd.s32 s3, s9;
	s6 =	sadd.s32 @!p0 $0x88, s6;
	s7 =	simm.s32 @p2 $0x1082  }
0x22: {  	[simem:s7], [sflag:s8] =	dma.local @!p0 [hbm:s6], $0xF7A  }
0x23: {  	s9 =	sor.u32 $0xD0000000, s2;
	s6 =	simm.s32 $0x108;
	_ =	swait.ge @!p0 [sflag:s8], $0x0  }
0x24: {  	s3 =	sadd.s32 $0x88, s3;
	s6 =	simm.s32 @!p1 $0x1082;
	[sflag:s4] =	ssyncset.s32 $0xFFFFF086  }
0x25: {  	[simem:s6], [sflag:s4] =	dma.local [hbm:s3], $0xF7A  }
0x26: {  	[smem:$0x3F90] =	sst s1;
	(tag) =	ssettag s2;
	_ =	strace s9  }
0x27: {  	s1 =	sld [smem:$0x3FA0]  }
0x28: {  	s2 =	sld [smem:$0x3FA1]  }
0x29: {  	s4 =	sld [smem:$0x3FA3]  }
0x2a: {  	p0 =	seq.s32 s5, $0x0;
	s5 =	sld [smem:$0x3FA4]  }
0x2b: {  	s6 =	sld [smem:$0x3FA5]  }
0x2c: {  	s7 =	sld [smem:$0x3FA6]  }
0x2d: {  	s3 =	simm.s32 $0x108;
	s8 =	sld [smem:$0x3FA7]  }
0x2e: {  	s3 =	simm.s32 @!p0 $0x1082;
	s9 =	sld [smem:$0x3FA8]  }
0x2f: {  	lr =	sadd.s32 s0, s3;
	s0 =	sld [smem:$0x3F9F]  }
0x30: {  	s3 =	sld [smem:$0x3FA2]  }
0x31: {  	[smem:$0x3FAB] =	sst s10  }
0x32: {  	s10 =	sld [smem:$0x3FA9];
	_ =	sdelay $0x3  }
0x33: {  	p0 =	seq.s32 s10, $0x1;
	s10 =	sld [smem:$0x3FAB];
	_ =	sdelay $0x3  }
0x34: {  	[smem:$0x3FAB] =	sst s10  }
0x35: {  	s10 =	sld [smem:$0x3FAA];
	_ =	sdelay $0x3  }
0x36: {  	p1 =	seq.s32 s10, $0x1;
	s10 =	sld [smem:$0x3FAB];
	_ =	sdelay $0x3  }
0x37: {  	[smem:$0x3FAB] =	sst s10  }
0x38: {  	s10 =	sld [smem:$0x3FAC]  }
0x39: {  	_ = 	snop;
	(pc) =	sbr.ind lr, $3  }
0x3a: {  	_ = 	snop  }
0x3b: {  	_ = 	snop  }
0x3c: {  	p2 =	seq.s32 s10, $0x1;
	s10 =	sld [smem:$0x3FAB]  }
0x3d: {  	_ =	shalt  }
0x3e: {  	_ =	shalt  }
0x3f: {  	_ =	shalt  }
0x40: {  	_ =	shalt  }
0x41: {  	_ =	shalt  }
0x42: {  	_ =	shalt  }
0x43: {  	_ =	shalt  }
0x44: {  	_ =	shalt  }
0x45: {  	_ =	shalt  }
0x46: {  	_ =	shalt  }
0x47: {  	_ =	shalt  }
0x48: {  	_ =	shalt  }
0x49: {  	_ =	shalt  }
0x4a: {  	_ =	shalt  }
0x4b: {  	_ =	shalt  }
0x4c: {  	_ =	shalt  }
0x4d: {  	_ =	shalt  }
0x4e: {  	_ =	shalt  }
0x4f: {  	_ =	shalt  }
0x50: {  	_ =	shalt  }
0x51: {  	_ =	shalt  }
0x52: {  	_ =	shalt  }
0x53: {  	_ =	shalt  }
0x54: {  	_ =	shalt  }
0x55: {  	_ =	shalt  }
0x56: {  	_ =	shalt  }
0x57: {  	_ =	shalt  }
0x58: {  	_ =	shalt  }
0x59: {  	_ =	shalt  }
0x5a: {  	_ =	shalt  }
0x5b: {  	_ =	shalt  }
0x5c: {  	_ =	shalt  }
0x5d: {  	_ =	shalt  }
0x5e: {  	_ =	shalt  }
0x5f: {  	_ =	shalt  }
0x60: {  	_ =	shalt  }
0x61: {  	_ =	shalt  }
0x62: {  	_ =	shalt  }
0x63: {  	_ =	shalt  }
0x64: {  	_ =	shalt  }
0x65: {  	_ =	shalt  }
0x66: {  	_ =	shalt  }
0x67: {  	_ =	shalt  }
0x68: {  	_ =	shalt  }
0x69: {  	_ =	shalt  }
0x6a: {  	_ =	shalt  }
0x6b: {  	_ =	shalt  }
0x6c: {  	_ =	shalt  }
0x6d: {  	_ =	shalt  }
0x6e: {  	_ =	shalt  }
0x6f: {  	_ =	shalt  }
0x70: {  	_ =	shalt  }
0x71: {  	_ =	shalt  }
0x72: {  	_ =	shalt  }
0x73: {  	_ =	shalt  }
0x74: {  	_ =	shalt  }
0x75: {  	_ =	shalt  }
0x76: {  	_ =	shalt  }
0x77: {  	_ =	shalt  }
0x78: {  	_ =	shalt  }
0x79: {  	_ =	shalt  }
0x7a: {  	_ =	shalt  }
0x7b: {  	_ =	shalt  }
0x7c: {  	_ =	shalt  }
0x7d: {  	_ =	shalt  }
0x7e: {  	_ =	shalt  }
0x7f: {  	_ =	shalt  }
0x80: {  	_ =	shalt  }
0x81: {  	_ =	shalt  }
0x82: {  	_ =	shalt  }
0x83: {  	_ =	shalt  }
0x84: {  	_ =	shalt  }
0x85: {  	_ =	shalt  }
0x86: {  	_ =	shalt  }
0x87: {  	_ =	shalt  }
.Lfunc_end0:
.L_simem_size_0:
called_computation_lowered:
.L_overlay_start_0:
0x88: {  	s2 =	sld [smem:$0x3FD9]  }
0x89: {  	s3 =	sld [smem:$0x3FFE];
	_ =	sdelay $0x1  }
0x8a: {  	s1 =	srdreg.scid  }
0x8b: {  	s0 =	sand.u32 $0x1, s1  }
0x8c: {  	s16 =	sshll.u32 s0, $0xA;
	s2 =	sadd.s32 s3, s2  }
0x8d: {  	s2 =	sadd.s32 s2, s16  }
0x8e: {  	[smem:$0x3FB7] =	sst s2  }
0x8f: {  	_ = 	snop  }
0x90: {  	(tm) =	ssettm $0x1  }
0x91: {  	s17 =	sld [smem:$0x3FFB];
	_ =	sdelay $0x3  }
0x92: {  	_ =	strace s17  }
0x93: {  	s2 =	sld [smem:$0x3FFC];
	_ =	sdelay $0x3  }
0x94: {  	_ =	strace s2  }
0x95: {  	s2 =	sld [smem:$0x3FFD];
	_ =	sdelay $0x3  }
0x96: {  	_ =	strace s2  }
0x97: {  	_ =	strace $0x8FFFFFFF  }
0x98: {  	s18 =	sld [smem:$0x3FDB];
	_ =	sdelay $0x1  }
0x99: {  	s19 =	simm.s32 $_scs_section_size  }
0x9a: {  	s4 =	simm.s32 $_size__tile_overlayer_lowered;
	s5 =	simm.s32 $_tile_overlayer_lowered  }
0x9b: {  	s22 =	simm.s32 $0x1BFF;
	s21 =	sshll.u32 s5, $0x1;
	s2 =	sadd.s32 s19, s18  }
0x9c: {  	s6 =	simm.s32 $0x0;
	s20 =	sshll.u32 s4, $0x1;
	s4 =	sadd.s32 s21, s2  }
0x9d: {  	[timem:s6], [sflag:s22] =	dma.local [hbm:s4], s20  }
0x9e: {  	_ =	swait.ge [sflag:s22], s20  }
0x9f: {  	s3 =	ssub.s32 $0x0, s20;
	[sflag:s22] =	ssyncset.done $0x0  }
0xa0: {  	[sflag:s22] =	ssyncadd.s32 s3;
	_ =	sdelay $0x1  }
0xa1: {  	s23 =	simm.s32 $0x1B8B  }
0xa2: {  	_ =	swait.ge [sflag:s23], $0x1  }
0xa3: {  	[sflag:s23] =	ssyncset.done $0x0  }
0xa4: {  	s25 =	simm.s32 $0x1B8E;
	s24 =	sld [smem:$0x3FFE];
	[sflag:s23] =	ssyncadd.s32 $0xFFFFFFFF  }
0xa5: {  	s26 =	simm.s32 $execute0_lowered;
	[smem:$0x3FD2] =	sst s25  }
0xa6: {  	s4 =	sshll.u32 s26, $0x1;
	_ =	strace $0x80000046;
	[dreg:$0x1] =	wrdreg $0xFFFFFFFF  }
0xa7: {  	s28 =	simm.s32 $_size_execute0_lowered;
	s2 =	sadd.s32 s2, s4;
	[dreg:$0x0] =	wrdreg $0x0  }
0xa8: {  	s4 =	sshll.u32 s28, $0x1;
	[dreg:$0x2] =	wrdreg s2  }
0xa9: {  	[dreg:$0x3] =	wrdreg s4  }
0xaa: {  	[dreg:$0x4] =	wrdreg $0xC0  }
0xab: {  	_ =	task [dreg:s6], $0x5FFFF  }
0xac: {  	[dreg:$0x1] =	wrdreg $0xFFFFFFFF  }
0xad: {  	[dreg:$0x0] =	wrdreg $0x60  }
0xae: {  	[dreg:$0x2] =	wrdreg s24  }
0xaf: {  	[dreg:$0x3] =	wrdreg $0x52800  }
0xb0: {  	[dreg:$0x4] =	wrdreg $0x9  }
0xb1: {  	_ =	task.clear_ibuf [dreg:s6], $0x5FFFF;
	_ =	strace $0x90000046  }
0xb2: {  	s29 =	simm.s32 $0x9;
	_ =	strace $0x80000048  }
0xb3: {  	_ =	swait.ge [sflag:s29], $0x1  }
0xb4: {  	[sflag:s29] =	ssyncadd.s32 $0xFFFFFFFF  }
0xb5: {  	_ =	strace $0x90000048  }
0xb6: {  	_ =	sfence  }
0xb7: {  	s30 =	sld [smem:$0x0];
	_ =	sdelay $0x2  }
0xb8: {  	s31 =	sshll.u32 s1, $0xD;
	s1 =	sshrl.u32 s1, $0x2  }
0xb9: {  	s3 =	sand.u32 $0x4000, s31;
	s1 =	sadd.s32 s1, s30  }
0xba: {  	s0 =	sor.u32 s3, s0;
	s1 =	sshll.u32 s1, $0x11  }
0xbb: {  	s0 =	sor.u32 s1, s0  }
0xbc: {  	s0 =	sadd.s32 $0x8F2B, s0  }
0xbd: {  	[sflag:s0] =	ssyncadd.remote.s32 $0x1  }
0xbe: {  	_ =	sfence.sel $0xFFFF  }
0xbf: {  	[dreg:$0x0] =	wrdreg $0xFFFFFFFF;
	(pc) =	sbr.abs _section_cstart, $3  }
0xc0: {  	[dreg:$0x1] =	wrdreg $0xFFFFFFFF  }
0xc1: {  	_ =	task.clear_ibuf [dreg:s6], $0x2FFFF;
	_ =	strace $0x9FFFFFFF  }
0xc2: {  	(tm) =	ssettm $0x7FFFFFFF  }
0xc3: {  	_ =	shalt  }
tec
execute0_lowered:
.L_overlay_start_1:
0x0: {  	(tag) =	ssettag $0x1  }
0x1: {  	s4 =	rddreg [dreg:$0x0]  }
0x2: {  	s2 =	rddreg [dreg:$0x1]  }
0x3: {  	s0 =	rddreg [dreg:$0x2]  }
0x4: {  	s3 =	simm.s32 $0x0;
	s5 =	srdreg.scid;
	s1 =	stileid.u32  }
0x5: {  	s10 =	simm.s32 $0x2800;
	s11 =	simm.s32 $0x5000;
	s12 =	simm.s32 $0x80  }
0x6: {  	s13 =	simm.s32 $0x1;
	s16 =	simm.s32 $0x20;
	s17 =	simm.s32 $0x10  }
0x7: {  	s18 =	simm.s32 $0x0;
	s5 =	sand.u32 $0x1, s5;
	s7 =	smul.u32 $0x500, s1  }
0x8: {  	s6 =	sshll.u32 s1, $0x1;
	[smem:$0x7FF] =	sst s3;
	s30 =	smul.u32 $0xA00, s1  }
0x9: {  	s14 =	sshll.u32 s1, $0x6;
	s6 =	sor.u32 s5, s6;
	s8 =	sshll.u32 s5, $0x7  }
0xa: {  	_ =	strace $0x80000047;
	s5 =	ssub.s32 $0x2, s5;
	s6 =	smul.u32 $0x500, s6  }
0xb: {  	s14 =	sor.u32 $0x1C02, s14;
	s7 =	sor.u32 s8, s7;
	s31 =	sshrl.u32 s5, $0x1  }
0xc: {  	s8 =	sshrl.u32 s30, $0x2;
	s7 =	sshrl.u32 s7, $0x3;
	s6 =	sadd.s32 s6, s4  }
0xd: {  	s9 =	ssub.s32 s5, s31;
	s7 =	sadd.s32 s7, s4;
	s4 =	sadd.s32 $0x4000, s6  }
0xe: {  	s5 =	sadd.s32 $0xE000, s6;
	s6 =	sadd.s32 s8, s2;
	s7 =	sadd.s32 $0x18000, s7  }
0xf: {  	v0 =	vimm.f32 $0.0e+00;
	s8 =	smax.u32 s9, $0x1;
	s9 =	simm.s32 $0x2;
	s15 =	sshrl.u32 s6, $0x3  }
.LBB2_1:
0x10: {  	[tilespmem:s3], [sflag:$0x2] =	stream.linear.gather [hbm4b:s4+s3], $0x2800, $0x38;
	[tilespmem:$0x5500] =	vst v63  }
0x11: {  	_ =	swait.ge [sflag:s9], $0x2800  }
0x12: {  	[sflag:s9] =	ssyncset.done $0x0  }
0x13: {  	[sflag:s9] =	ssyncadd.s32 $0xFFFFD800  }
0x14: {  	[tilespmem:s10], [sflag:$0x2] =	stream.linear.gather [hbm4b:s5+s3], $0x2800, $0x38;
	[tilespmem:$0x5500] =	vst v63  }
0x15: {  	_ =	swait.ge [sflag:s9], $0x2800  }
0x16: {  	[sflag:s9] =	ssyncset.done $0x0  }
0x17: {  	[sflag:s9] =	ssyncadd.s32 $0xFFFFD800  }
0x18: {  	[tilespmem:$0x5000] =	vst v0  }
0x19: {  	[tilespmem:$0x5010] =	vst v0  }
0x1a: {  	[tilespmem:$0x5020] =	vst v0  }
0x1b: {  	[tilespmem:$0x5030] =	vst v0  }
0x1c: {  	[tilespmem:$0x5040] =	vst v0  }
0x1d: {  	[tilespmem:$0x5050] =	vst v0  }
0x1e: {  	[tilespmem:$0x5060] =	vst v0  }
0x1f: {  	[tilespmem:$0x5070] =	vst v0  }
0x20: {  	[tilespmem:$0x5080] =	vst v0  }
0x21: {  	[tilespmem:$0x5090] =	vst v0  }
0x22: {  	[tilespmem:$0x50A0] =	vst v0  }
0x23: {  	[tilespmem:$0x50B0] =	vst v0  }
0x24: {  	[tilespmem:$0x50C0] =	vst v0  }
0x25: {  	[tilespmem:$0x50D0] =	vst v0  }
0x26: {  	[tilespmem:$0x50E0] =	vst v0  }
0x27: {  	[tilespmem:$0x50F0] =	vst v0  }
0x28: {  	[tilespmem:$0x5100] =	vst v0  }
0x29: {  	[tilespmem:$0x5110] =	vst v0  }
0x2a: {  	[tilespmem:$0x5120] =	vst v0  }
0x2b: {  	[tilespmem:$0x5130] =	vst v0  }
0x2c: {  	[tilespmem:$0x5140] =	vst v0  }
0x2d: {  	[tilespmem:$0x5150] =	vst v0  }
0x2e: {  	[tilespmem:$0x5160] =	vst v0  }
0x2f: {  	[tilespmem:$0x5170] =	vst v0  }
0x30: {  	[tilespmem:$0x5180] =	vst v0  }
0x31: {  	[tilespmem:$0x5190] =	vst v0  }
0x32: {  	[tilespmem:$0x51A0] =	vst v0  }
0x33: {  	[tilespmem:$0x51B0] =	vst v0  }
0x34: {  	[tilespmem:$0x51C0] =	vst v0  }
0x35: {  	[tilespmem:$0x51D0] =	vst v0  }
0x36: {  	[tilespmem:$0x51E0] =	vst v0  }
0x37: {  	[tilespmem:$0x51F0] =	vst v0  }
0x38: {  	[tilespmem:$0x5200] =	vst v0  }
0x39: {  	[tilespmem:$0x5210] =	vst v0  }
0x3a: {  	[tilespmem:$0x5220] =	vst v0  }
0x3b: {  	[tilespmem:$0x5230] =	vst v0  }
0x3c: {  	[tilespmem:$0x5240] =	vst v0  }
0x3d: {  	[tilespmem:$0x5250] =	vst v0  }
0x3e: {  	[tilespmem:$0x5260] =	vst v0  }
0x3f: {  	[tilespmem:$0x5270] =	vst v0  }
0x40: {  	[spmem:s6] =	stream.linear.scatter [tilespmem:s11], [sflag:$0x2], $0x280, $0x38;
	[tilespmem:$0x5500] =	vst v63  }
0x41: {  	_ =	swait.ge [sflag:s9], $0x280  }
0x42: {  	[sflag:s9] =	ssyncset.done $0x0  }
0x43: {  	[sflag:s9] =	ssyncadd.s32 $0xFFFFFD80  }
0x44: {  	s19 =	simm.s32 $0x0;
	[bflag:$0x0] =	sbarrier.arrive $0xFFFF  }
.LBB2_2:
0x45: {  	p0 =	sne.s32 s19, $0x9E00  }
.Ltmp0:
0x46: {  	_ = 	snop;
	(pc) =	sbr.rel @p0 .LBB2_2-.Ltmp0, $4  }
0x47: {  	_ = 	snop  }
0x48: {  	s20 =	sshra.s32 s19, $0x2  }
0x49: {  	s19 =	sadd.s32 $0x200, s19;
	s21 =	sadd.s32 $0x2800, s20  }
0x4a: {  	[spmem:s2] =	stream.indirect.scatter.add.f32 [tilespmem:s21], [sflag:$0x1], $0x1, s20, s12, $0xb8;
	[tilespmem:$0x5500] =	vst v63  }
0x4b: {  	_ =	swait.ge [sflag:s13], $0x80  }
0x4c: {  	s19 =	simm.s32 $0x4F;
	[sflag:s13] =	ssyncset.done $0x0  }
.LBB2_4:
0x4d: {  	p0 =	sne.s32 s19, $0x1;
	s19 =	sadd.s32 $0xFFFFFFFF, s19;
	[sflag:s13] =	ssyncadd.s32 $0xFFFFFF80  }
.Ltmp1:
0x4e: {  	(pc) =	sbr.rel @p0 .LBB2_4-.Ltmp1, $3  }
0x4f: {  	_ =	sdelay $0x1  }
0x50: {  	_ =	swait.ge [sflag:s13], $0x80  }
0x51: {  	[sflag:s13] =	ssyncset.done $0x0  }
0x52: {  	s18 =	sadd.s32 $0x1, s18  }
0x53: {  	[sflag:s13] =	ssyncadd.s32 $0xFFFFFF80;
	p0 =	sne.s32 s18, s8  }
.Ltmp2:
0x54: {  	[bflag:$0x0] =	sbarrier.arrive $0xFFFF;
	(pc) =	sbr.rel @p0 .LBB2_1-.Ltmp2, $4  }
0x55: {  	[hbm:s7@s16], [sflag:s14] =	dma.strided [spmem:s15@s17], $0x50, s13, $0x10   }
0x56: {  	_ =	swait.ge [sflag:s9], $0x50  }
0x57: {  	[sflag:s9] =	ssyncset.done $0x0  }
0x58: {  	[sflag:s9] =	ssyncadd.s32 $0xFFFFFFB0  }
0x59: {  	_ =	sfence.sel $0x180000  }
0x5a: {  	[bflag:$0x0] =	sbarrier.arrive $0xFFFF  }
0x5b: {  	p0 =	sne.s32 s1, $0x0;
	_ =	strace $0x90000047  }
0x5c: {  	s0 =	sadd.s32 @!p0 $0x100000, s0;
	[bflag:$0x2] =	sbarrier.arrive $0xFFFF  }
0x5d: {  	[sflag:s0] =	ssyncadd.tile.s32 @!p0 $0x1;
	_ =	shalt  }
.Lfunc_end2:
_tile_overlayer_lowered:
.L_overlay_start_2:
0x5e: {  	(tag) =	ssettag $0x2  }
0x5f: {  	s0 =	rddreg [dreg:$0x0];
	s2 =	stileid.u32  }
0x60: {  	s1 =	rddreg [dreg:$0x1];
	p0 =	sne.s32 s2, $0x0  }
0x61: {  	s3 =	rddreg [dreg:$0x2];
	[bflag:$0x3] =	sbarrier.arrive $0xFFFF;
	s2 =	simm.s32 @!p0 $0x1C02  }
0x62: {  	[timem:s3], [sflag:s2] =	dma.local @!p0 [hbm:s0], s1  }
0x63: {  	s0 =	simm.s32 @!p0 $0x2  }
0x64: {  	_ =	swait.ge @!p0 [sflag:s0], s1  }
0x65: {  	s1 =	ssub.s32 @!p0 $0x0, s1;
	[sflag:s0] =	ssyncset.done @!p0 $0x0  }
0x66: {  	[sflag:s0] =	ssyncadd.s32 @!p0 s1  }
0x67: {  	[bflag:$0x3] =	sbarrier.arrive $0xFFFF  }
0x68: {  	_ =	shalt  }

</sc_bundles>
